<compile_context>
chip_gen: v7x
topology: tpu7x:2x2x1
jax: 0.10.2.dev20260603
libtpu: 0.0.44.dev20260713+nightly
codegen_flags: <defaults>
</compile_context>

<pallas_src>
import functools

import jax
import jax.numpy as jnp
from jax import lax
from jax.experimental import pallas as pl
from jax.experimental.pallas import tpu as pltpu
from jax.experimental.pallas import tpu_sc as plsc

N_NODES = 10000
N_EDGES = 320000
D_FEAT = 128
H_DIM = 512
EMB_DIM = 128

DW = 8
NC, NS = 2, 16
NW = NC * NS
EPW = N_EDGES // NW
CHUNK = 80
NCHUNK = EPW // CHUNK
G = 25
NGROUP = NCHUNK // G
RPT = 632
N_PAD = RPT * NS


def _sc_agg_body(x_hbm, er_hbm, zeros_hbm, ones_hbm,
                 agg_out, deg_out,
                 src_i, dst_i, ones_v, bufs, acc_sh, deg_sh,
                 gsems, ssems, dsem):
    cid = lax.axis_index("c")
    sid = lax.axis_index("s")
    wid = sid * NC + cid
    r0 = sid * RPT
    pltpu.sync_copy(ones_hbm, ones_v)
    pltpu.sync_copy(zeros_hbm, acc_sh.at[pl.ds(r0, RPT)])
    pltpu.sync_copy(zeros_hbm.at[pl.ds(0, RPT), pl.ds(0, DW)],
                    deg_sh.at[pl.ds(r0, RPT)])
    plsc.subcore_barrier()

    def gather(c, bi):
        pltpu.async_copy(x_hbm.at[src_i.at[c]], bufs[bi], gsems[bi])

    def gather_wait(c, bi):
        pltpu.make_async_copy(x_hbm.at[src_i.at[c]], bufs[bi],
                              gsems[bi]).wait()

    def scat(c, bi):
        pltpu.async_copy(bufs[bi], acc_sh.at[dst_i.at[c]], ssems[bi],
                         add=True)
        pltpu.async_copy(ones_v, deg_sh.at[dst_i.at[c]], dsem, add=True)

    def scat_wait(c, bi):
        pltpu.make_async_copy(bufs[bi], acc_sh.at[dst_i.at[c]],
                              ssems[bi]).wait()

    def deg_wait(c):
        pltpu.make_async_copy(ones_v, deg_sh.at[dst_i.at[c]], dsem).wait()

    def group(g, _):
        pltpu.sync_copy(er_hbm.at[0, wid, pl.ds(g * G, G)], src_i)
        pltpu.sync_copy(er_hbm.at[1, wid, pl.ds(g * G, G)], dst_i)
        gather(0, 0)
        gather(1, 1)
        for c in range(G):
            bi = c % 3
            gather_wait(c, bi)
            scat(c, bi)
            if c >= 1:
                deg_wait(c - 1)
            if c + 2 < G:
                nbi = (c + 2) % 3
                if c >= 1:
                    scat_wait(c - 1, nbi)
                gather(c + 2, nbi)
        for c in range(G - 3, G):
            scat_wait(c, c % 3)
        deg_wait(G - 1)
        return 0

    lax.fori_loop(0, NGROUP, group, 0)
    plsc.subcore_barrier()
    pltpu.sync_copy(acc_sh.at[pl.ds(r0, RPT)],
                    agg_out.at[cid, pl.ds(r0, RPT)])
    pltpu.sync_copy(deg_sh.at[pl.ds(r0, RPT)],
                    deg_out.at[cid, pl.ds(r0, RPT)])


_sc_agg = functools.partial(
    pl.kernel,
    out_type=(jax.ShapeDtypeStruct((NC, N_PAD, D_FEAT), jnp.float32),
              jax.ShapeDtypeStruct((NC, N_PAD, DW), jnp.float32)),
    mesh=plsc.VectorSubcoreMesh(core_axis_name="c", subcore_axis_name="s"),
    compiler_params=pltpu.CompilerParams(use_tc_tiling_on_sc=False),
    scratch_types=[
        pltpu.VMEM((G, CHUNK), jnp.int32),
        pltpu.VMEM((G, CHUNK), jnp.int32),
        pltpu.VMEM((CHUNK, DW), jnp.float32),
        [pltpu.VMEM((CHUNK, D_FEAT), jnp.float32)] * 3,
        pltpu.VMEM_SHARED((N_PAD, D_FEAT), jnp.float32),
        pltpu.VMEM_SHARED((N_PAD, DW), jnp.float32),
        [pltpu.SemaphoreType.DMA] * 3,
        [pltpu.SemaphoreType.DMA] * 3,
        pltpu.SemaphoreType.DMA,
    ],
)(_sc_agg_body)


BR = 2000


def _bf(v):
    return v.astype(jnp.bfloat16)


def _tc_body(x_ref, agg_ref, deg_ref, wg1_ref, bg1_ref, wg2_ref, bg2_ref,
             wl1_ref, bl1_ref, wl2_ref, bl2_ref, outg_ref, outl_ref):
    xb = _bf(x_ref[...])
    a = agg_ref[0] + agg_ref[1]
    deg = deg_ref[0, :, 0:1] + deg_ref[1, :, 0:1]
    mean = _bf(a / jnp.maximum(deg, 1.0))
    h = jnp.maximum(
        jnp.dot(xb, _bf(wg1_ref[:D_FEAT]), preferred_element_type=jnp.float32)
        + jnp.dot(mean, _bf(wg1_ref[D_FEAT:]),
                  preferred_element_type=jnp.float32)
        + bg1_ref[...], 0.0)
    outg_ref[...] = jnp.dot(_bf(h), _bf(wg2_ref[...]),
                            preferred_element_type=jnp.float32) + bg2_ref[...]
    hl = jnp.maximum(
        jnp.dot(xb, _bf(wl1_ref[...]), preferred_element_type=jnp.float32)
        + bl1_ref[...], 0.0)
    outl_ref[...] = jnp.dot(_bf(hl), _bf(wl2_ref[...]),
                            preferred_element_type=jnp.float32) + bl2_ref[...]


def _full(shape):
    return pl.BlockSpec(shape, lambda i: tuple(0 for _ in shape))


_tc_mlp = pl.pallas_call(
    _tc_body,
    grid=(N_NODES // BR,),
    in_specs=[
        pl.BlockSpec((BR, D_FEAT), lambda i: (i, 0)),
        pl.BlockSpec((NC, BR, D_FEAT), lambda i: (0, i, 0)),
        pl.BlockSpec((NC, BR, DW), lambda i: (0, i, 0)),
        _full((2 * D_FEAT, H_DIM)),
        _full((H_DIM,)),
        _full((H_DIM, EMB_DIM)),
        _full((EMB_DIM,)),
        _full((D_FEAT, H_DIM)),
        _full((H_DIM,)),
        _full((H_DIM, EMB_DIM)),
        _full((EMB_DIM,)),
    ],
    out_specs=[
        pl.BlockSpec((BR, EMB_DIM), lambda i: (i, 0)),
        pl.BlockSpec((BR, EMB_DIM), lambda i: (i, 0)),
    ],
    out_shape=[
        jax.ShapeDtypeStruct((N_NODES, EMB_DIM), jnp.float32),
        jax.ShapeDtypeStruct((N_NODES, EMB_DIM), jnp.float32),
    ],
)


def kernel(x, edge_index, Wg1, bg1, Wg2, bg2, Wl1, bl1, Wl2, bl2):
    er = edge_index.reshape(2, NW, NCHUNK, CHUNK)
    zeros = jnp.zeros((RPT, D_FEAT), jnp.float32)
    ones = jnp.ones((CHUNK, DW), jnp.float32)
    agg, deg = _sc_agg(x, er, zeros, ones)
    out_g, out_l = _tc_mlp(x, agg, deg, Wg1, bg1, Wg2, bg2,
                           Wl1, bl1, Wl2, bl2)
    return (out_g, out_l)

# --- scband reference (transcript-rebuilt; emitter-appended) ---
"""Pipeline reference for scband-sdgnn-2551210574175 (READ-ONLY COPY).

The authoritative reference and input builder live on the scoring server;
editing this copy changes nothing except your own understanding.
"""

import jax, jax.numpy as jnp
import numpy as np

N_NODES = 10000
N_EDGES = 320000
D_FEAT = 128
H_DIM = 512
EMB_DIM = 128


def setup_inputs(seed: int = 0) -> dict:
    key = jax.random.key(seed)
    ks = jax.random.split(key, 10)
    x = jax.random.normal(ks[0], (N_NODES, D_FEAT), dtype=jnp.float32)
    edge_index = jax.random.randint(ks[1], (2, N_EDGES), 0, N_NODES, dtype=jnp.int64 if jax.config.jax_enable_x64 else jnp.int32).astype(jnp.int32)
    s = 1.0 / np.sqrt(D_FEAT)
    Wg1 = jax.random.uniform(ks[2], (2 * D_FEAT, H_DIM), dtype=jnp.float32, minval=-s, maxval=s)
    bg1 = jnp.zeros((H_DIM,), dtype=jnp.float32)
    Wg2 = jax.random.uniform(ks[3], (H_DIM, EMB_DIM), dtype=jnp.float32, minval=-1.0/np.sqrt(H_DIM), maxval=1.0/np.sqrt(H_DIM))
    bg2 = jnp.zeros((EMB_DIM,), dtype=jnp.float32)
    Wl1 = jax.random.uniform(ks[4], (D_FEAT, H_DIM), dtype=jnp.float32, minval=-s, maxval=s)
    bl1 = jnp.zeros((H_DIM,), dtype=jnp.float32)
    Wl2 = jax.random.uniform(ks[5], (H_DIM, EMB_DIM), dtype=jnp.float32, minval=-1.0/np.sqrt(H_DIM), maxval=1.0/np.sqrt(H_DIM))
    bl2 = jnp.zeros((EMB_DIM,), dtype=jnp.float32)
    return {"x": x, "edge_index": edge_index, "Wg1": Wg1, "bg1": bg1, "Wg2": Wg2, "bg2": bg2, "Wl1": Wl1, "bl1": bl1, "Wl2": Wl2, "bl2": bl2}


def reference(x, edge_index, Wg1, bg1, Wg2, bg2, Wl1, bl1, Wl2, bl2):
    # enc_global: mean-aggregation message passing (GraphSAGE-mean style)
    src = edge_index[0]
    dst = edge_index[1]
    msg = jnp.take(x, src, axis=0)                                   # gather [E, d]
    agg = jax.ops.segment_sum(msg, dst, num_segments=N_NODES)        # scatter-add
    deg = jax.ops.segment_sum(jnp.ones((msg.shape[0],), jnp.float32), dst, num_segments=N_NODES)
    mean_neigh = agg / jnp.clip(deg, 1.0, None)[:, None]
    h = jax.nn.relu(jnp.concatenate([x, mean_neigh], axis=1) @ Wg1 + bg1)
    embeds_global = h @ Wg2 + bg2
    # enc_local: per-node MLP over local features
    hl = jax.nn.relu(x @ Wl1 + bl1)
    embeds_local = hl @ Wl2 + bl2
    return (embeds_global, embeds_local)

if __name__ == "__main__":
    import jax
    _d = setup_inputs()
    print(jax.jit(kernel)(*tuple(_d.values())))

</pallas_src>

<mosaic_0001>
#map = affine_map<(d0, d1) -> (0, 0)>
#map1 = affine_map<(d0, d1) -> (0, 0, 0, 0)>
#map2 = affine_map<(d0, d1) -> (0, 0, 0)>
module attributes {stable_mosaic.version = 14 : i64} {
  func.func @_sc_agg_body(%arg0: i32, %arg1: i32, %arg2: memref<10000x128xf32, #tpu.memory_space<hbm>>, %arg3: memref<2x32x125x80xi32, #tpu.memory_space<hbm>>, %arg4: memref<632x128xf32, #tpu.memory_space<hbm>>, %arg5: memref<80x8xf32, #tpu.memory_space<hbm>>, %arg6: memref<2x10112x128xf32, #tpu.memory_space<hbm>>, %arg7: memref<2x10112x8xf32, #tpu.memory_space<hbm>>, %arg8: memref<25x80xi32, #tpu.memory_space<vmem>>, %arg9: memref<25x80xi32, #tpu.memory_space<vmem>>, %arg10: memref<80x8xf32, #tpu.memory_space<vmem>>, %arg11: memref<80x128xf32, #tpu.memory_space<vmem>>, %arg12: memref<80x128xf32, #tpu.memory_space<vmem>>, %arg13: memref<80x128xf32, #tpu.memory_space<vmem>>, %arg14: memref<10112x128xf32, #tpu.memory_space<vmem_shared>>, %arg15: memref<10112x8xf32, #tpu.memory_space<vmem_shared>>, %arg16: memref<!tpu.dma_semaphore, #tpu.memory_space<semaphore_mem>>, %arg17: memref<!tpu.dma_semaphore, #tpu.memory_space<semaphore_mem>>, %arg18: memref<!tpu.dma_semaphore, #tpu.memory_space<semaphore_mem>>, %arg19: memref<!tpu.dma_semaphore, #tpu.memory_space<semaphore_mem>>, %arg20: memref<!tpu.dma_semaphore, #tpu.memory_space<semaphore_mem>>, %arg21: memref<!tpu.dma_semaphore, #tpu.memory_space<semaphore_mem>>, %arg22: memref<!tpu.dma_semaphore, #tpu.memory_space<semaphore_mem>>) attributes {dimension_semantics = [#tpu.dimension_semantics<core_parallel>, #tpu.dimension_semantics<subcore_parallel>], iteration_bounds = array<i64: 2, 16>, scalar_prefetch = 0 : i64, scratch_operands = 15 : i64, tpu.core_type = #tpu.core_type<sc_vector_subcore>, window_params = [{transform_indices = #map}, {transform_indices = #map1}, {transform_indices = #map}, {transform_indices = #map}, {transform_indices = #map2}, {transform_indices = #map2}]} {
    %mul3A = arith.constant 2 : i32
    %mul3A_0 = arith.muli %arg1, %mul3A : i32
    %add3A = arith.addi %mul3A_0, %arg0 : i32
    %mul3A_1 = arith.constant 632 : i32
    %mul3A_2 = arith.muli %arg1, %mul3A_1 : i32
    "tpu.region"() ({
      %run_scoped3A = tpu.sem_alloc : memref<!tpu.dma_semaphore, #tpu.memory_space<semaphore_mem>>
      tpu.enqueue_dma source(%arg5 : memref<80x8xf32, #tpu.memory_space<hbm>>) target(%arg10 : memref<80x8xf32, #tpu.memory_space<vmem>>) target_semaphore(%run_scoped3A : memref<!tpu.dma_semaphore, #tpu.memory_space<semaphore_mem>>)
      tpu.wait_dma2 semaphore(%run_scoped3A : memref<!tpu.dma_semaphore, #tpu.memory_space<semaphore_mem>>) src(%arg5 : memref<80x8xf32, #tpu.memory_space<hbm>>) dst(%arg10 : memref<80x8xf32, #tpu.memory_space<vmem>>)
      tpu.yield
    }) : () -> ()
    "tpu.region"() ({
      %run_scoped3A = tpu.sem_alloc : memref<!tpu.dma_semaphore, #tpu.memory_space<semaphore_mem>>
      %dma_start3A = arith.constant 0 : i32
      %dma_start3A_10 = tpu.memref_slice %arg14[%mul3A_2, %dma_start3A] : memref<10112x128xf32, #tpu.memory_space<vmem_shared>> -> memref<632x128xf32, #tpu.memory_space<vmem_shared>>
      tpu.enqueue_dma source(%arg4 : memref<632x128xf32, #tpu.memory_space<hbm>>) target(%dma_start3A_10 : memref<632x128xf32, #tpu.memory_space<vmem_shared>>) target_semaphore(%run_scoped3A : memref<!tpu.dma_semaphore, #tpu.memory_space<semaphore_mem>>)
      %dma_wait3A = arith.constant 0 : i32
      %dma_wait3A_11 = tpu.memref_slice %arg14[%mul3A_2, %dma_wait3A] : memref<10112x128xf32, #tpu.memory_space<vmem_shared>> -> memref<632x128xf32, #tpu.memory_space<vmem_shared>>
      tpu.wait_dma2 semaphore(%run_scoped3A : memref<!tpu.dma_semaphore, #tpu.memory_space<semaphore_mem>>) src(%arg4 : memref<632x128xf32, #tpu.memory_space<hbm>>) dst(%dma_wait3A_11 : memref<632x128xf32, #tpu.memory_space<vmem_shared>>)
      tpu.yield
    }) : () -> ()
    "tpu.region"() ({
      %run_scoped3A = tpu.sem_alloc : memref<!tpu.dma_semaphore, #tpu.memory_space<semaphore_mem>>
      %dma_start3A = arith.constant 0 : i32
      %dma_start3A_10 = tpu.memref_slice %arg15[%mul3A_2, %dma_start3A] : memref<10112x8xf32, #tpu.memory_space<vmem_shared>> -> memref<632x8xf32, #tpu.memory_space<vmem_shared>>
      %dma_start3A_11 = arith.constant 0 : i32
      %dma_start3A_12 = arith.constant 0 : i32
      %dma_start3A_13 = tpu.memref_slice %arg4[%dma_start3A_11, %dma_start3A_12] : memref<632x128xf32, #tpu.memory_space<hbm>> -> memref<632x8xf32, #tpu.memory_space<hbm>>
      tpu.enqueue_dma source(%dma_start3A_13 : memref<632x8xf32, #tpu.memory_space<hbm>>) target(%dma_start3A_10 : memref<632x8xf32, #tpu.memory_space<vmem_shared>>) target_semaphore(%run_scoped3A : memref<!tpu.dma_semaphore, #tpu.memory_space<semaphore_mem>>)
      %dma_wait3A = arith.constant 0 : i32
      %dma_wait3A_14 = tpu.memref_slice %arg15[%mul3A_2, %dma_wait3A] : memref<10112x8xf32, #tpu.memory_space<vmem_shared>> -> memref<632x8xf32, #tpu.memory_space<vmem_shared>>
      %dma_wait3A_15 = arith.constant 0 : i32
      %dma_wait3A_16 = arith.constant 0 : i32
      %dma_wait3A_17 = tpu.memref_slice %arg4[%dma_wait3A_15, %dma_wait3A_16] : memref<632x128xf32, #tpu.memory_space<hbm>> -> memref<632x8xf32, #tpu.memory_space<hbm>>
      tpu.wait_dma2 semaphore(%run_scoped3A : memref<!tpu.dma_semaphore, #tpu.memory_space<semaphore_mem>>) src(%dma_wait3A_17 : memref<632x8xf32, #tpu.memory_space<hbm>>) dst(%dma_wait3A_14 : memref<632x8xf32, #tpu.memory_space<vmem_shared>>)
      tpu.yield
    }) : () -> ()
    %barrier3A = arith.constant 0 : index
    tpu.barrier barrier_id(%barrier3A)
    %scan3A = arith.constant 0 : i32
    %scan3A_3 = arith.constant 0 : i32
    %scan3A_4 = arith.constant 5 : i32
    %scan3A_5 = arith.addi %scan3A_3, %scan3A_4 : i32
    %scan3A_6 = arith.constant 1 : i32
    %scan3A_7 = scf.for %scan3A_10 = %scan3A_3 to %scan3A_5 step %scan3A_6 iter_args(%scan3A_11 = %scan3A) -> (i32)  : i32 {
      %mul3A_12 = arith.constant 25 : i32
      %mul3A_13 = arith.muli %scan3A_10, %mul3A_12 : i32
      %run_scoped3A = arith.constant 0 : i32
      "tpu.region"() ({
        %run_scoped3A_1066 = tpu.sem_alloc : memref<!tpu.dma_semaphore, #tpu.memory_space<semaphore_mem>>
        %dma_start3A_1067 = arith.constant 0 : i32
        %dma_start3A_1068 = tpu.memref_slice %arg3[%run_scoped3A, %add3A, %mul3A_13, %dma_start3A_1067] : memref<2x32x125x80xi32, #tpu.memory_space<hbm>> -> memref<1x1x25x80xi32, #tpu.memory_space<hbm>>
        %dma_start3A_1069 = tpu.memref_squeeze %dma_start3A_1068 : memref<1x1x25x80xi32, #tpu.memory_space<hbm>> -> memref<25x80xi32, #tpu.memory_space<hbm>>
        %dma_start3A_1070 = arith.constant 0 : i32
        %dma_start3A_1071 = tpu.memref_slice %arg3[%run_scoped3A, %add3A, %mul3A_13, %dma_start3A_1070] : memref<2x32x125x80xi32, #tpu.memory_space<hbm>> -> memref<1x1x25x80xi32, #tpu.memory_space<hbm>>
        %dma_start3A_1072 = tpu.memref_squeeze %dma_start3A_1071 : memref<1x1x25x80xi32, #tpu.memory_space<hbm>> -> memref<25x80xi32, #tpu.memory_space<hbm>>
        tpu.enqueue_dma source(%dma_start3A_1072 : memref<25x80xi32, #tpu.memory_space<hbm>>) target(%arg8 : memref<25x80xi32, #tpu.memory_space<vmem>>) target_semaphore(%run_scoped3A_1066 : memref<!tpu.dma_semaphore, #tpu.memory_space<semaphore_mem>>)
        %dma_wait3A_1073 = arith.constant 0 : i32
        %dma_wait3A_1074 = tpu.memref_slice %arg3[%run_scoped3A, %add3A, %mul3A_13, %dma_wait3A_1073] : memref<2x32x125x80xi32, #tpu.memory_space<hbm>> -> memref<1x1x25x80xi32, #tpu.memory_space<hbm>>
        %dma_wait3A_1075 = tpu.memref_squeeze %dma_wait3A_1074 : memref<1x1x25x80xi32, #tpu.memory_space<hbm>> -> memref<25x80xi32, #tpu.memory_space<hbm>>
        %dma_wait3A_1076 = arith.constant 0 : i32
        %dma_wait3A_1077 = tpu.memref_slice %arg3[%run_scoped3A, %add3A, %mul3A_13, %dma_wait3A_1076] : memref<2x32x125x80xi32, #tpu.memory_space<hbm>> -> memref<1x1x25x80xi32, #tpu.memory_space<hbm>>
        %dma_wait3A_1078 = tpu.memref_squeeze %dma_wait3A_1077 : memref<1x1x25x80xi32, #tpu.memory_space<hbm>> -> memref<25x80xi32, #tpu.memory_space<hbm>>
        tpu.wait_dma2 semaphore(%run_scoped3A_1066 : memref<!tpu.dma_semaphore, #tpu.memory_space<semaphore_mem>>) src(%dma_wait3A_1078 : memref<25x80xi32, #tpu.memory_space<hbm>>) dst(%arg8 : memref<25x80xi32, #tpu.memory_space<vmem>>)
        tpu.yield
      }) : () -> ()
      %mul3A_14 = arith.constant 25 : i32
      %mul3A_15 = arith.muli %scan3A_10, %mul3A_14 : i32
      %run_scoped3A_16 = arith.constant 1 : i32
      "tpu.region"() ({
        %run_scoped3A_1066 = tpu.sem_alloc : memref<!tpu.dma_semaphore, #tpu.memory_space<semaphore_mem>>
        %dma_start3A_1067 = arith.constant 0 : i32
        %dma_start3A_1068 = tpu.memref_slice %arg3[%run_scoped3A_16, %add3A, %mul3A_15, %dma_start3A_1067] : memref<2x32x125x80xi32, #tpu.memory_space<hbm>> -> memref<1x1x25x80xi32, #tpu.memory_space<hbm>>
        %dma_start3A_1069 = tpu.memref_squeeze %dma_start3A_1068 : memref<1x1x25x80xi32, #tpu.memory_space<hbm>> -> memref<25x80xi32, #tpu.memory_space<hbm>>
        %dma_start3A_1070 = arith.constant 0 : i32
        %dma_start3A_1071 = tpu.memref_slice %arg3[%run_scoped3A_16, %add3A, %mul3A_15, %dma_start3A_1070] : memref<2x32x125x80xi32, #tpu.memory_space<hbm>> -> memref<1x1x25x80xi32, #tpu.memory_space<hbm>>
        %dma_start3A_1072 = tpu.memref_squeeze %dma_start3A_1071 : memref<1x1x25x80xi32, #tpu.memory_space<hbm>> -> memref<25x80xi32, #tpu.memory_space<hbm>>
        tpu.enqueue_dma source(%dma_start3A_1072 : memref<25x80xi32, #tpu.memory_space<hbm>>) target(%arg9 : memref<25x80xi32, #tpu.memory_space<vmem>>) target_semaphore(%run_scoped3A_1066 : memref<!tpu.dma_semaphore, #tpu.memory_space<semaphore_mem>>)
        %dma_wait3A_1073 = arith.constant 0 : i32
        %dma_wait3A_1074 = tpu.memref_slice %arg3[%run_scoped3A_16, %add3A, %mul3A_15, %dma_wait3A_1073] : memref<2x32x125x80xi32, #tpu.memory_space<hbm>> -> memref<1x1x25x80xi32, #tpu.memory_space<hbm>>
        %dma_wait3A_1075 = tpu.memref_squeeze %dma_wait3A_1074 : memref<1x1x25x80xi32, #tpu.memory_space<hbm>> -> memref<25x80xi32, #tpu.memory_space<hbm>>
        %dma_wait3A_1076 = arith.constant 0 : i32
        %dma_wait3A_1077 = tpu.memref_slice %arg3[%run_scoped3A_16, %add3A, %mul3A_15, %dma_wait3A_1076] : memref<2x32x125x80xi32, #tpu.memory_space<hbm>> -> memref<1x1x25x80xi32, #tpu.memory_space<hbm>>
        %dma_wait3A_1078 = tpu.memref_squeeze %dma_wait3A_1077 : memref<1x1x25x80xi32, #tpu.memory_space<hbm>> -> memref<25x80xi32, #tpu.memory_space<hbm>>
        tpu.wait_dma2 semaphore(%run_scoped3A_1066 : memref<!tpu.dma_semaphore, #tpu.memory_space<semaphore_mem>>) src(%dma_wait3A_1078 : memref<25x80xi32, #tpu.memory_space<hbm>>) dst(%arg9 : memref<25x80xi32, #tpu.memory_space<vmem>>)
        tpu.yield
      }) : () -> ()
      %dma_start3A = arith.constant 0 : i32
      %dma_start3A_17 = arith.constant 0 : i32
      %dma_start3A_18 = tpu.memref_slice %arg8[%dma_start3A, %dma_start3A_17] : memref<25x80xi32, #tpu.memory_space<vmem>> -> memref<1x80xi32, #tpu.memory_space<vmem>>
      %dma_start3A_19 = tpu.memref_squeeze %dma_start3A_18 : memref<1x80xi32, #tpu.memory_space<vmem>> -> memref<80xi32, #tpu.memory_space<vmem>>
      %dma_start3A_20 = arith.constant 0 : i32
      %dma_start3A_21 = arith.constant 0 : i32
      %dma_start3A_22 = tpu.memref_slice %arg2[%dma_start3A_20, %dma_start3A_21] : memref<10000x128xf32, #tpu.memory_space<hbm>> -> memref<10000x128xf32, #tpu.memory_space<hbm>>
      tpu.enqueue_indirect_dma source(%dma_start3A_22 : memref<10000x128xf32, #tpu.memory_space<hbm>>) target(%arg11 : memref<80x128xf32, #tpu.memory_space<vmem>>) offsets(%dma_start3A_19 : memref<80xi32, #tpu.memory_space<vmem>>) semaphore(%arg16 : memref<!tpu.dma_semaphore, #tpu.memory_space<semaphore_mem>>)
      %dma_start3A_23 = arith.constant 1 : i32
      %dma_start3A_24 = arith.constant 0 : i32
      %dma_start3A_25 = tpu.memref_slice %arg8[%dma_start3A_23, %dma_start3A_24] : memref<25x80xi32, #tpu.memory_space<vmem>> -> memref<1x80xi32, #tpu.memory_space<vmem>>
      %dma_start3A_26 = tpu.memref_squeeze %dma_start3A_25 : memref<1x80xi32, #tpu.memory_space<vmem>> -> memref<80xi32, #tpu.memory_space<vmem>>
      %dma_start3A_27 = arith.constant 0 : i32
      %dma_start3A_28 = arith.constant 0 : i32
      %dma_start3A_29 = tpu.memref_slice %arg2[%dma_start3A_27, %dma_start3A_28] : memref<10000x128xf32, #tpu.memory_space<hbm>> -> memref<10000x128xf32, #tpu.memory_space<hbm>>
      tpu.enqueue_indirect_dma source(%dma_start3A_29 : memref<10000x128xf32, #tpu.memory_space<hbm>>) target(%arg12 : memref<80x128xf32, #tpu.memory_space<vmem>>) offsets(%dma_start3A_26 : memref<80xi32, #tpu.memory_space<vmem>>) semaphore(%arg17 : memref<!tpu.dma_semaphore, #tpu.memory_space<semaphore_mem>>)
      %dma_wait3A = arith.constant 0 : i32
      %dma_wait3A_30 = arith.constant 0 : i32
      %dma_wait3A_31 = tpu.memref_slice %arg8[%dma_wait3A, %dma_wait3A_30] : memref<25x80xi32, #tpu.memory_space<vmem>> -> memref<1x80xi32, #tpu.memory_space<vmem>>
      %dma_wait3A_32 = tpu.memref_squeeze %dma_wait3A_31 : memref<1x80xi32, #tpu.memory_space<vmem>> -> memref<80xi32, #tpu.memory_space<vmem>>
      %dma_wait3A_33 = arith.constant 0 : i32
      %dma_wait3A_34 = arith.constant 0 : i32
      %dma_wait3A_35 = tpu.memref_slice %arg2[%dma_wait3A_33, %dma_wait3A_34] : memref<10000x128xf32, #tpu.memory_space<hbm>> -> memref<10000x128xf32, #tpu.memory_space<hbm>>
      tpu.wait_indirect_dma semaphore(%arg16 : memref<!tpu.dma_semaphore, #tpu.memory_space<semaphore_mem>>) src(%dma_wait3A_35 : memref<10000x128xf32, #tpu.memory_space<hbm>>) dst(%arg11 : memref<80x128xf32, #tpu.memory_space<vmem>>)
      %dma_start3A_36 = arith.constant 0 : i32
      %dma_start3A_37 = arith.constant 0 : i32
      %dma_start3A_38 = tpu.memref_slice %arg9[%dma_start3A_36, %dma_start3A_37] : memref<25x80xi32, #tpu.memory_space<vmem>> -> memref<1x80xi32, #tpu.memory_space<vmem>>
      %dma_start3A_39 = tpu.memref_squeeze %dma_start3A_38 : memref<1x80xi32, #tpu.memory_space<vmem>> -> memref<80xi32, #tpu.memory_space<vmem>>
      %dma_start3A_40 = arith.constant 0 : i32
      %dma_start3A_41 = arith.constant 0 : i32
      %dma_start3A_42 = tpu.memref_slice %arg14[%dma_start3A_40, %dma_start3A_41] : memref<10112x128xf32, #tpu.memory_space<vmem_shared>> -> memref<10112x128xf32, #tpu.memory_space<vmem_shared>>
      tpu.enqueue_indirect_dma source(%arg11 : memref<80x128xf32, #tpu.memory_space<vmem>>) target(%dma_start3A_42 : memref<10112x128xf32, #tpu.memory_space<vmem_shared>>) offsets(%dma_start3A_39 : memref<80xi32, #tpu.memory_space<vmem>>) semaphore(%arg19 : memref<!tpu.dma_semaphore, #tpu.memory_space<semaphore_mem>>) {add = true}
      %dma_start3A_43 = arith.constant 0 : i32
      %dma_start3A_44 = arith.constant 0 : i32
      %dma_start3A_45 = tpu.memref_slice %arg9[%dma_start3A_43, %dma_start3A_44] : memref<25x80xi32, #tpu.memory_space<vmem>> -> memref<1x80xi32, #tpu.memory_space<vmem>>
      %dma_start3A_46 = tpu.memref_squeeze %dma_start3A_45 : memref<1x80xi32, #tpu.memory_space<vmem>> -> memref<80xi32, #tpu.memory_space<vmem>>
      %dma_start3A_47 = arith.constant 0 : i32
      %dma_start3A_48 = arith.constant 0 : i32
      %dma_start3A_49 = tpu.memref_slice %arg15[%dma_start3A_47, %dma_start3A_48] : memref<10112x8xf32, #tpu.memory_space<vmem_shared>> -> memref<10112x8xf32, #tpu.memory_space<vmem_shared>>
      tpu.enqueue_indirect_dma source(%arg10 : memref<80x8xf32, #tpu.memory_space<vmem>>) target(%dma_start3A_49 : memref<10112x8xf32, #tpu.memory_space<vmem_shared>>) offsets(%dma_start3A_46 : memref<80xi32, #tpu.memory_space<vmem>>) semaphore(%arg22 : memref<!tpu.dma_semaphore, #tpu.memory_space<semaphore_mem>>) {add = true}
      %dma_start3A_50 = arith.constant 2 : i32
      %dma_start3A_51 = arith.constant 0 : i32
      %dma_start3A_52 = tpu.memref_slice %arg8[%dma_start3A_50, %dma_start3A_51] : memref<25x80xi32, #tpu.memory_space<vmem>> -> memref<1x80xi32, #tpu.memory_space<vmem>>
      %dma_start3A_53 = tpu.memref_squeeze %dma_start3A_52 : memref<1x80xi32, #tpu.memory_space<vmem>> -> memref<80xi32, #tpu.memory_space<vmem>>
      %dma_start3A_54 = arith.constant 0 : i32
      %dma_start3A_55 = arith.constant 0 : i32
      %dma_start3A_56 = tpu.memref_slice %arg2[%dma_start3A_54, %dma_start3A_55] : memref<10000x128xf32, #tpu.memory_space<hbm>> -> memref<10000x128xf32, #tpu.memory_space<hbm>>
      tpu.enqueue_indirect_dma source(%dma_start3A_56 : memref<10000x128xf32, #tpu.memory_space<hbm>>) target(%arg13 : memref<80x128xf32, #tpu.memory_space<vmem>>) offsets(%dma_start3A_53 : memref<80xi32, #tpu.memory_space<vmem>>) semaphore(%arg18 : memref<!tpu.dma_semaphore, #tpu.memory_space<semaphore_mem>>)
      %dma_wait3A_57 = arith.constant 1 : i32
      %dma_wait3A_58 = arith.constant 0 : i32
      %dma_wait3A_59 = tpu.memref_slice %arg8[%dma_wait3A_57, %dma_wait3A_58] : memref<25x80xi32, #tpu.memory_space<vmem>> -> memref<1x80xi32, #tpu.memory_space<vmem>>
      %dma_wait3A_60 = tpu.memref_squeeze %dma_wait3A_59 : memref<1x80xi32, #tpu.memory_space<vmem>> -> memref<80xi32, #tpu.memory_space<vmem>>
      %dma_wait3A_61 = arith.constant 0 : i32
      %dma_wait3A_62 = arith.constant 0 : i32
      %dma_wait3A_63 = tpu.memref_slice %arg2[%dma_wait3A_61, %dma_wait3A_62] : memref<10000x128xf32, #tpu.memory_space<hbm>> -> memref<10000x128xf32, #tpu.memory_space<hbm>>
      tpu.wait_indirect_dma semaphore(%arg17 : memref<!tpu.dma_semaphore, #tpu.memory_space<semaphore_mem>>) src(%dma_wait3A_63 : memref<10000x128xf32, #tpu.memory_space<hbm>>) dst(%arg12 : memref<80x128xf32, #tpu.memory_space<vmem>>)
      %dma_start3A_64 = arith.constant 1 : i32
      %dma_start3A_65 = arith.constant 0 : i32
      %dma_start3A_66 = tpu.memref_slice %arg9[%dma_start3A_64, %dma_start3A_65] : memref<25x80xi32, #tpu.memory_space<vmem>> -> memref<1x80xi32, #tpu.memory_space<vmem>>
      %dma_start3A_67 = tpu.memref_squeeze %dma_start3A_66 : memref<1x80xi32, #tpu.memory_space<vmem>> -> memref<80xi32, #tpu.memory_space<vmem>>
      %dma_start3A_68 = arith.constant 0 : i32
      %dma_start3A_69 = arith.constant 0 : i32
      %dma_start3A_70 = tpu.memref_slice %arg14[%dma_start3A_68, %dma_start3A_69] : memref<10112x128xf32, #tpu.memory_space<vmem_shared>> -> memref<10112x128xf32, #tpu.memory_space<vmem_shared>>
      tpu.enqueue_indirect_dma source(%arg12 : memref<80x128xf32, #tpu.memory_space<vmem>>) target(%dma_start3A_70 : memref<10112x128xf32, #tpu.memory_space<vmem_shared>>) offsets(%dma_start3A_67 : memref<80xi32, #tpu.memory_space<vmem>>) semaphore(%arg20 : memref<!tpu.dma_semaphore, #tpu.memory_space<semaphore_mem>>) {add = true}
      %dma_start3A_71 = arith.constant 1 : i32
      %dma_start3A_72 = arith.constant 0 : i32
      %dma_start3A_73 = tpu.memref_slice %arg9[%dma_start3A_71, %dma_start3A_72] : memref<25x80xi32, #tpu.memory_space<vmem>> -> memref<1x80xi32, #tpu.memory_space<vmem>>
      %dma_start3A_74 = tpu.memref_squeeze %dma_start3A_73 : memref<1x80xi32, #tpu.memory_space<vmem>> -> memref<80xi32, #tpu.memory_space<vmem>>
      %dma_start3A_75 = arith.constant 0 : i32
      %dma_start3A_76 = arith.constant 0 : i32
      %dma_start3A_77 = tpu.memref_slice %arg15[%dma_start3A_75, %dma_start3A_76] : memref<10112x8xf32, #tpu.memory_space<vmem_shared>> -> memref<10112x8xf32, #tpu.memory_space<vmem_shared>>
      tpu.enqueue_indirect_dma source(%arg10 : memref<80x8xf32, #tpu.memory_space<vmem>>) target(%dma_start3A_77 : memref<10112x8xf32, #tpu.memory_space<vmem_shared>>) offsets(%dma_start3A_74 : memref<80xi32, #tpu.memory_space<vmem>>) semaphore(%arg22 : memref<!tpu.dma_semaphore, #tpu.memory_space<semaphore_mem>>) {add = true}
      %dma_wait3A_78 = arith.constant 0 : i32
      %dma_wait3A_79 = arith.constant 0 : i32
      %dma_wait3A_80 = tpu.memref_slice %arg9[%dma_wait3A_78, %dma_wait3A_79] : memref<25x80xi32, #tpu.memory_space<vmem>> -> memref<1x80xi32, #tpu.memory_space<vmem>>
      %dma_wait3A_81 = tpu.memref_squeeze %dma_wait3A_80 : memref<1x80xi32, #tpu.memory_space<vmem>> -> memref<80xi32, #tpu.memory_space<vmem>>
      %dma_wait3A_82 = arith.constant 0 : i32
      %dma_wait3A_83 = arith.constant 0 : i32
      %dma_wait3A_84 = tpu.memref_slice %arg15[%dma_wait3A_82, %dma_wait3A_83] : memref<10112x8xf32, #tpu.memory_space<vmem_shared>> -> memref<10112x8xf32, #tpu.memory_space<vmem_shared>>
      tpu.wait_indirect_dma semaphore(%arg22 : memref<!tpu.dma_semaphore, #tpu.memory_space<semaphore_mem>>) src(%arg10 : memref<80x8xf32, #tpu.memory_space<vmem>>) dst(%dma_wait3A_84 : memref<10112x8xf32, #tpu.memory_space<vmem_shared>>)
      %dma_wait3A_85 = arith.constant 0 : i32
      %dma_wait3A_86 = arith.constant 0 : i32
      %dma_wait3A_87 = tpu.memref_slice %arg9[%dma_wait3A_85, %dma_wait3A_86] : memref<25x80xi32, #tpu.memory_space<vmem>> -> memref<1x80xi32, #tpu.memory_space<vmem>>
      %dma_wait3A_88 = tpu.memref_squeeze %dma_wait3A_87 : memref<1x80xi32, #tpu.memory_space<vmem>> -> memref<80xi32, #tpu.memory_space<vmem>>
      %dma_wait3A_89 = arith.constant 0 : i32
      %dma_wait3A_90 = arith.constant 0 : i32
      %dma_wait3A_91 = tpu.memref_slice %arg14[%dma_wait3A_89, %dma_wait3A_90] : memref<10112x128xf32, #tpu.memory_space<vmem_shared>> -> memref<10112x128xf32, #tpu.memory_space<vmem_shared>>
      tpu.wait_indirect_dma semaphore(%arg19 : memref<!tpu.dma_semaphore, #tpu.memory_space<semaphore_mem>>) src(%arg11 : memref<80x128xf32, #tpu.memory_space<vmem>>) dst(%dma_wait3A_91 : memref<10112x128xf32, #tpu.memory_space<vmem_shared>>)
      %dma_start3A_92 = arith.constant 3 : i32
      %dma_start3A_93 = arith.constant 0 : i32
      %dma_start3A_94 = tpu.memref_slice %arg8[%dma_start3A_92, %dma_start3A_93] : memref<25x80xi32, #tpu.memory_space<vmem>> -> memref<1x80xi32, #tpu.memory_space<vmem>>
      %dma_start3A_95 = tpu.memref_squeeze %dma_start3A_94 : memref<1x80xi32, #tpu.memory_space<vmem>> -> memref<80xi32, #tpu.memory_space<vmem>>
      %dma_start3A_96 = arith.constant 0 : i32
      %dma_start3A_97 = arith.constant 0 : i32
      %dma_start3A_98 = tpu.memref_slice %arg2[%dma_start3A_96, %dma_start3A_97] : memref<10000x128xf32, #tpu.memory_space<hbm>> -> memref<10000x128xf32, #tpu.memory_space<hbm>>
      tpu.enqueue_indirect_dma source(%dma_start3A_98 : memref<10000x128xf32, #tpu.memory_space<hbm>>) target(%arg11 : memref<80x128xf32, #tpu.memory_space<vmem>>) offsets(%dma_start3A_95 : memref<80xi32, #tpu.memory_space<vmem>>) semaphore(%arg16 : memref<!tpu.dma_semaphore, #tpu.memory_space<semaphore_mem>>)
      %dma_wait3A_99 = arith.constant 2 : i32
      %dma_wait3A_100 = arith.constant 0 : i32
      %dma_wait3A_101 = tpu.memref_slice %arg8[%dma_wait3A_99, %dma_wait3A_100] : memref<25x80xi32, #tpu.memory_space<vmem>> -> memref<1x80xi32, #tpu.memory_space<vmem>>
      %dma_wait3A_102 = tpu.memref_squeeze %dma_wait3A_101 : memref<1x80xi32, #tpu.memory_space<vmem>> -> memref<80xi32, #tpu.memory_space<vmem>>
      %dma_wait3A_103 = arith.constant 0 : i32
      %dma_wait3A_104 = arith.constant 0 : i32
      %dma_wait3A_105 = tpu.memref_slice %arg2[%dma_wait3A_103, %dma_wait3A_104] : memref<10000x128xf32, #tpu.memory_space<hbm>> -> memref<10000x128xf32, #tpu.memory_space<hbm>>
      tpu.wait_indirect_dma semaphore(%arg18 : memref<!tpu.dma_semaphore, #tpu.memory_space<semaphore_mem>>) src(%dma_wait3A_105 : memref<10000x128xf32, #tpu.memory_space<hbm>>) dst(%arg13 : memref<80x128xf32, #tpu.memory_space<vmem>>)
      %dma_start3A_106 = arith.constant 2 : i32
      %dma_start3A_107 = arith.constant 0 : i32
      %dma_start3A_108 = tpu.memref_slice %arg9[%dma_start3A_106, %dma_start3A_107] : memref<25x80xi32, #tpu.memory_space<vmem>> -> memref<1x80xi32, #tpu.memory_space<vmem>>
      %dma_start3A_109 = tpu.memref_squeeze %dma_start3A_108 : memref<1x80xi32, #tpu.memory_space<vmem>> -> memref<80xi32, #tpu.memory_space<vmem>>
      %dma_start3A_110 = arith.constant 0 : i32
      %dma_start3A_111 = arith.constant 0 : i32
      %dma_start3A_112 = tpu.memref_slice %arg14[%dma_start3A_110, %dma_start3A_111] : memref<10112x128xf32, #tpu.memory_space<vmem_shared>> -> memref<10112x128xf32, #tpu.memory_space<vmem_shared>>
      tpu.enqueue_indirect_dma source(%arg13 : memref<80x128xf32, #tpu.memory_space<vmem>>) target(%dma_start3A_112 : memref<10112x128xf32, #tpu.memory_space<vmem_shared>>) offsets(%dma_start3A_109 : memref<80xi32, #tpu.memory_space<vmem>>) semaphore(%arg21 : memref<!tpu.dma_semaphore, #tpu.memory_space<semaphore_mem>>) {add = true}
      %dma_start3A_113 = arith.constant 2 : i32
      %dma_start3A_114 = arith.constant 0 : i32
      %dma_start3A_115 = tpu.memref_slice %arg9[%dma_start3A_113, %dma_start3A_114] : memref<25x80xi32, #tpu.memory_space<vmem>> -> memref<1x80xi32, #tpu.memory_space<vmem>>
      %dma_start3A_116 = tpu.memref_squeeze %dma_start3A_115 : memref<1x80xi32, #tpu.memory_space<vmem>> -> memref<80xi32, #tpu.memory_space<vmem>>
      %dma_start3A_117 = arith.constant 0 : i32
      %dma_start3A_118 = arith.constant 0 : i32
      %dma_start3A_119 = tpu.memref_slice %arg15[%dma_start3A_117, %dma_start3A_118] : memref<10112x8xf32, #tpu.memory_space<vmem_shared>> -> memref<10112x8xf32, #tpu.memory_space<vmem_shared>>
      tpu.enqueue_indirect_dma source(%arg10 : memref<80x8xf32, #tpu.memory_space<vmem>>) target(%dma_start3A_119 : memref<10112x8xf32, #tpu.memory_space<vmem_shared>>) offsets(%dma_start3A_116 : memref<80xi32, #tpu.memory_space<vmem>>) semaphore(%arg22 : memref<!tpu.dma_semaphore, #tpu.memory_space<semaphore_mem>>) {add = true}
      %dma_wait3A_120 = arith.constant 1 : i32
      %dma_wait3A_121 = arith.constant 0 : i32
      %dma_wait3A_122 = tpu.memref_slice %arg9[%dma_wait3A_120, %dma_wait3A_121] : memref<25x80xi32, #tpu.memory_space<vmem>> -> memref<1x80xi32, #tpu.memory_space<vmem>>
      %dma_wait3A_123 = tpu.memref_squeeze %dma_wait3A_122 : memref<1x80xi32, #tpu.memory_space<vmem>> -> memref<80xi32, #tpu.memory_space<vmem>>
      %dma_wait3A_124 = arith.constant 0 : i32
      %dma_wait3A_125 = arith.constant 0 : i32
      %dma_wait3A_126 = tpu.memref_slice %arg15[%dma_wait3A_124, %dma_wait3A_125] : memref<10112x8xf32, #tpu.memory_space<vmem_shared>> -> memref<10112x8xf32, #tpu.memory_space<vmem_shared>>
      tpu.wait_indirect_dma semaphore(%arg22 : memref<!tpu.dma_semaphore, #tpu.memory_space<semaphore_mem>>) src(%arg10 : memref<80x8xf32, #tpu.memory_space<vmem>>) dst(%dma_wait3A_126 : memref<10112x8xf32, #tpu.memory_space<vmem_shared>>)
      %dma_wait3A_127 = arith.constant 1 : i32
      %dma_wait3A_128 = arith.constant 0 : i32
      %dma_wait3A_129 = tpu.memref_slice %arg9[%dma_wait3A_127, %dma_wait3A_128] : memref<25x80xi32, #tpu.memory_space<vmem>> -> memref<1x80xi32, #tpu.memory_space<vmem>>
      %dma_wait3A_130 = tpu.memref_squeeze %dma_wait3A_129 : memref<1x80xi32, #tpu.memory_space<vmem>> -> memref<80xi32, #tpu.memory_space<vmem>>
      %dma_wait3A_131 = arith.constant 0 : i32
      %dma_wait3A_132 = arith.constant 0 : i32
      %dma_wait3A_133 = tpu.memref_slice %arg14[%dma_wait3A_131, %dma_wait3A_132] : memref<10112x128xf32, #tpu.memory_space<vmem_shared>> -> memref<10112x128xf32, #tpu.memory_space<vmem_shared>>
      tpu.wait_indirect_dma semaphore(%arg20 : memref<!tpu.dma_semaphore, #tpu.memory_space<semaphore_mem>>) src(%arg12 : memref<80x128xf32, #tpu.memory_space<vmem>>) dst(%dma_wait3A_133 : memref<10112x128xf32, #tpu.memory_space<vmem_shared>>)
      %dma_start3A_134 = arith.constant 4 : i32
      %dma_start3A_135 = arith.constant 0 : i32
      %dma_start3A_136 = tpu.memref_slice %arg8[%dma_start3A_134, %dma_start3A_135] : memref<25x80xi32, #tpu.memory_space<vmem>> -> memref<1x80xi32, #tpu.memory_space<vmem>>
      %dma_start3A_137 = tpu.memref_squeeze %dma_start3A_136 : memref<1x80xi32, #tpu.memory_space<vmem>> -> memref<80xi32, #tpu.memory_space<vmem>>
      %dma_start3A_138 = arith.constant 0 : i32
      %dma_start3A_139 = arith.constant 0 : i32
      %dma_start3A_140 = tpu.memref_slice %arg2[%dma_start3A_138, %dma_start3A_139] : memref<10000x128xf32, #tpu.memory_space<hbm>> -> memref<10000x128xf32, #tpu.memory_space<hbm>>
      tpu.enqueue_indirect_dma source(%dma_start3A_140 : memref<10000x128xf32, #tpu.memory_space<hbm>>) target(%arg12 : memref<80x128xf32, #tpu.memory_space<vmem>>) offsets(%dma_start3A_137 : memref<80xi32, #tpu.memory_space<vmem>>) semaphore(%arg17 : memref<!tpu.dma_semaphore, #tpu.memory_space<semaphore_mem>>)
      %dma_wait3A_141 = arith.constant 3 : i32
      %dma_wait3A_142 = arith.constant 0 : i32
      %dma_wait3A_143 = tpu.memref_slice %arg8[%dma_wait3A_141, %dma_wait3A_142] : memref<25x80xi32, #tpu.memory_space<vmem>> -> memref<1x80xi32, #tpu.memory_space<vmem>>
      %dma_wait3A_144 = tpu.memref_squeeze %dma_wait3A_143 : memref<1x80xi32, #tpu.memory_space<vmem>> -> memref<80xi32, #tpu.memory_space<vmem>>
      %dma_wait3A_145 = arith.constant 0 : i32
      %dma_wait3A_146 = arith.constant 0 : i32
      %dma_wait3A_147 = tpu.memref_slice %arg2[%dma_wait3A_145, %dma_wait3A_146] : memref<10000x128xf32, #tpu.memory_space<hbm>> -> memref<10000x128xf32, #tpu.memory_space<hbm>>
      tpu.wait_indirect_dma semaphore(%arg16 : memref<!tpu.dma_semaphore, #tpu.memory_space<semaphore_mem>>) src(%dma_wait3A_147 : memref<10000x128xf32, #tpu.memory_space<hbm>>) dst(%arg11 : memref<80x128xf32, #tpu.memory_space<vmem>>)
      %dma_start3A_148 = arith.constant 3 : i32
      %dma_start3A_149 = arith.constant 0 : i32
      %dma_start3A_150 = tpu.memref_slice %arg9[%dma_start3A_148, %dma_start3A_149] : memref<25x80xi32, #tpu.memory_space<vmem>> -> memref<1x80xi32, #tpu.memory_space<vmem>>
      %dma_start3A_151 = tpu.memref_squeeze %dma_start3A_150 : memref<1x80xi32, #tpu.memory_space<vmem>> -> memref<80xi32, #tpu.memory_space<vmem>>
      %dma_start3A_152 = arith.constant 0 : i32
      %dma_start3A_153 = arith.constant 0 : i32
      %dma_start3A_154 = tpu.memref_slice %arg14[%dma_start3A_152, %dma_start3A_153] : memref<10112x128xf32, #tpu.memory_space<vmem_shared>> -> memref<10112x128xf32, #tpu.memory_space<vmem_shared>>
      tpu.enqueue_indirect_dma source(%arg11 : memref<80x128xf32, #tpu.memory_space<vmem>>) target(%dma_start3A_154 : memref<10112x128xf32, #tpu.memory_space<vmem_shared>>) offsets(%dma_start3A_151 : memref<80xi32, #tpu.memory_space<vmem>>) semaphore(%arg19 : memref<!tpu.dma_semaphore, #tpu.memory_space<semaphore_mem>>) {add = true}
      %dma_start3A_155 = arith.constant 3 : i32
      %dma_start3A_156 = arith.constant 0 : i32
      %dma_start3A_157 = tpu.memref_slice %arg9[%dma_start3A_155, %dma_start3A_156] : memref<25x80xi32, #tpu.memory_space<vmem>> -> memref<1x80xi32, #tpu.memory_space<vmem>>
      %dma_start3A_158 = tpu.memref_squeeze %dma_start3A_157 : memref<1x80xi32, #tpu.memory_space<vmem>> -> memref<80xi32, #tpu.memory_space<vmem>>
      %dma_start3A_159 = arith.constant 0 : i32
      %dma_start3A_160 = arith.constant 0 : i32
      %dma_start3A_161 = tpu.memref_slice %arg15[%dma_start3A_159, %dma_start3A_160] : memref<10112x8xf32, #tpu.memory_space<vmem_shared>> -> memref<10112x8xf32, #tpu.memory_space<vmem_shared>>
      tpu.enqueue_indirect_dma source(%arg10 : memref<80x8xf32, #tpu.memory_space<vmem>>) target(%dma_start3A_161 : memref<10112x8xf32, #tpu.memory_space<vmem_shared>>) offsets(%dma_start3A_158 : memref<80xi32, #tpu.memory_space<vmem>>) semaphore(%arg22 : memref<!tpu.dma_semaphore, #tpu.memory_space<semaphore_mem>>) {add = true}
      %dma_wait3A_162 = arith.constant 2 : i32
      %dma_wait3A_163 = arith.constant 0 : i32
      %dma_wait3A_164 = tpu.memref_slice %arg9[%dma_wait3A_162, %dma_wait3A_163] : memref<25x80xi32, #tpu.memory_space<vmem>> -> memref<1x80xi32, #tpu.memory_space<vmem>>
      %dma_wait3A_165 = tpu.memref_squeeze %dma_wait3A_164 : memref<1x80xi32, #tpu.memory_space<vmem>> -> memref<80xi32, #tpu.memory_space<vmem>>
      %dma_wait3A_166 = arith.constant 0 : i32
      %dma_wait3A_167 = arith.constant 0 : i32
      %dma_wait3A_168 = tpu.memref_slice %arg15[%dma_wait3A_166, %dma_wait3A_167] : memref<10112x8xf32, #tpu.memory_space<vmem_shared>> -> memref<10112x8xf32, #tpu.memory_space<vmem_shared>>
      tpu.wait_indirect_dma semaphore(%arg22 : memref<!tpu.dma_semaphore, #tpu.memory_space<semaphore_mem>>) src(%arg10 : memref<80x8xf32, #tpu.memory_space<vmem>>) dst(%dma_wait3A_168 : memref<10112x8xf32, #tpu.memory_space<vmem_shared>>)
      %dma_wait3A_169 = arith.constant 2 : i32
      %dma_wait3A_170 = arith.constant 0 : i32
      %dma_wait3A_171 = tpu.memref_slice %arg9[%dma_wait3A_169, %dma_wait3A_170] : memref<25x80xi32, #tpu.memory_space<vmem>> -> memref<1x80xi32, #tpu.memory_space<vmem>>
      %dma_wait3A_172 = tpu.memref_squeeze %dma_wait3A_171 : memref<1x80xi32, #tpu.memory_space<vmem>> -> memref<80xi32, #tpu.memory_space<vmem>>
      %dma_wait3A_173 = arith.constant 0 : i32
      %dma_wait3A_174 = arith.constant 0 : i32
      %dma_wait3A_175 = tpu.memref_slice %arg14[%dma_wait3A_173, %dma_wait3A_174] : memref<10112x128xf32, #tpu.memory_space<vmem_shared>> -> memref<10112x128xf32, #tpu.memory_space<vmem_shared>>
      tpu.wait_indirect_dma semaphore(%arg21 : memref<!tpu.dma_semaphore, #tpu.memory_space<semaphore_mem>>) src(%arg13 : memref<80x128xf32, #tpu.memory_space<vmem>>) dst(%dma_wait3A_175 : memref<10112x128xf32, #tpu.memory_space<vmem_shared>>)
      %dma_start3A_176 = arith.constant 5 : i32
      %dma_start3A_177 = arith.constant 0 : i32
      %dma_start3A_178 = tpu.memref_slice %arg8[%dma_start3A_176, %dma_start3A_177] : memref<25x80xi32, #tpu.memory_space<vmem>> -> memref<1x80xi32, #tpu.memory_space<vmem>>
      %dma_start3A_179 = tpu.memref_squeeze %dma_start3A_178 : memref<1x80xi32, #tpu.memory_space<vmem>> -> memref<80xi32, #tpu.memory_space<vmem>>
      %dma_start3A_180 = arith.constant 0 : i32
      %dma_start3A_181 = arith.constant 0 : i32
      %dma_start3A_182 = tpu.memref_slice %arg2[%dma_start3A_180, %dma_start3A_181] : memref<10000x128xf32, #tpu.memory_space<hbm>> -> memref<10000x128xf32, #tpu.memory_space<hbm>>
      tpu.enqueue_indirect_dma source(%dma_start3A_182 : memref<10000x128xf32, #tpu.memory_space<hbm>>) target(%arg13 : memref<80x128xf32, #tpu.memory_space<vmem>>) offsets(%dma_start3A_179 : memref<80xi32, #tpu.memory_space<vmem>>) semaphore(%arg18 : memref<!tpu.dma_semaphore, #tpu.memory_space<semaphore_mem>>)
      %dma_wait3A_183 = arith.constant 4 : i32
      %dma_wait3A_184 = arith.constant 0 : i32
      %dma_wait3A_185 = tpu.memref_slice %arg8[%dma_wait3A_183, %dma_wait3A_184] : memref<25x80xi32, #tpu.memory_space<vmem>> -> memref<1x80xi32, #tpu.memory_space<vmem>>
      %dma_wait3A_186 = tpu.memref_squeeze %dma_wait3A_185 : memref<1x80xi32, #tpu.memory_space<vmem>> -> memref<80xi32, #tpu.memory_space<vmem>>
      %dma_wait3A_187 = arith.constant 0 : i32
      %dma_wait3A_188 = arith.constant 0 : i32
      %dma_wait3A_189 = tpu.memref_slice %arg2[%dma_wait3A_187, %dma_wait3A_188] : memref<10000x128xf32, #tpu.memory_space<hbm>> -> memref<10000x128xf32, #tpu.memory_space<hbm>>
      tpu.wait_indirect_dma semaphore(%arg17 : memref<!tpu.dma_semaphore, #tpu.memory_space<semaphore_mem>>) src(%dma_wait3A_189 : memref<10000x128xf32, #tpu.memory_space<hbm>>) dst(%arg12 : memref<80x128xf32, #tpu.memory_space<vmem>>)
      %dma_start3A_190 = arith.constant 4 : i32
      %dma_start3A_191 = arith.constant 0 : i32
      %dma_start3A_192 = tpu.memref_slice %arg9[%dma_start3A_190, %dma_start3A_191] : memref<25x80xi32, #tpu.memory_space<vmem>> -> memref<1x80xi32, #tpu.memory_space<vmem>>
      %dma_start3A_193 = tpu.memref_squeeze %dma_start3A_192 : memref<1x80xi32, #tpu.memory_space<vmem>> -> memref<80xi32, #tpu.memory_space<vmem>>
      %dma_start3A_194 = arith.constant 0 : i32
      %dma_start3A_195 = arith.constant 0 : i32
      %dma_start3A_196 = tpu.memref_slice %arg14[%dma_start3A_194, %dma_start3A_195] : memref<10112x128xf32, #tpu.memory_space<vmem_shared>> -> memref<10112x128xf32, #tpu.memory_space<vmem_shared>>
      tpu.enqueue_indirect_dma source(%arg12 : memref<80x128xf32, #tpu.memory_space<vmem>>) target(%dma_start3A_196 : memref<10112x128xf32, #tpu.memory_space<vmem_shared>>) offsets(%dma_start3A_193 : memref<80xi32, #tpu.memory_space<vmem>>) semaphore(%arg20 : memref<!tpu.dma_semaphore, #tpu.memory_space<semaphore_mem>>) {add = true}
      %dma_start3A_197 = arith.constant 4 : i32
      %dma_start3A_198 = arith.constant 0 : i32
      %dma_start3A_199 = tpu.memref_slice %arg9[%dma_start3A_197, %dma_start3A_198] : memref<25x80xi32, #tpu.memory_space<vmem>> -> memref<1x80xi32, #tpu.memory_space<vmem>>
      %dma_start3A_200 = tpu.memref_squeeze %dma_start3A_199 : memref<1x80xi32, #tpu.memory_space<vmem>> -> memref<80xi32, #tpu.memory_space<vmem>>
      %dma_start3A_201 = arith.constant 0 : i32
      %dma_start3A_202 = arith.constant 0 : i32
      %dma_start3A_203 = tpu.memref_slice %arg15[%dma_start3A_201, %dma_start3A_202] : memref<10112x8xf32, #tpu.memory_space<vmem_shared>> -> memref<10112x8xf32, #tpu.memory_space<vmem_shared>>
      tpu.enqueue_indirect_dma source(%arg10 : memref<80x8xf32, #tpu.memory_space<vmem>>) target(%dma_start3A_203 : memref<10112x8xf32, #tpu.memory_space<vmem_shared>>) offsets(%dma_start3A_200 : memref<80xi32, #tpu.memory_space<vmem>>) semaphore(%arg22 : memref<!tpu.dma_semaphore, #tpu.memory_space<semaphore_mem>>) {add = true}
      %dma_wait3A_204 = arith.constant 3 : i32
      %dma_wait3A_205 = arith.constant 0 : i32
      %dma_wait3A_206 = tpu.memref_slice %arg9[%dma_wait3A_204, %dma_wait3A_205] : memref<25x80xi32, #tpu.memory_space<vmem>> -> memref<1x80xi32, #tpu.memory_space<vmem>>
      %dma_wait3A_207 = tpu.memref_squeeze %dma_wait3A_206 : memref<1x80xi32, #tpu.memory_space<vmem>> -> memref<80xi32, #tpu.memory_space<vmem>>
      %dma_wait3A_208 = arith.constant 0 : i32
      %dma_wait3A_209 = arith.constant 0 : i32
      %dma_wait3A_210 = tpu.memref_slice %arg15[%dma_wait3A_208, %dma_wait3A_209] : memref<10112x8xf32, #tpu.memory_space<vmem_shared>> -> memref<10112x8xf32, #tpu.memory_space<vmem_shared>>
      tpu.wait_indirect_dma semaphore(%arg22 : memref<!tpu.dma_semaphore, #tpu.memory_space<semaphore_mem>>) src(%arg10 : memref<80x8xf32, #tpu.memory_space<vmem>>) dst(%dma_wait3A_210 : memref<10112x8xf32, #tpu.memory_space<vmem_shared>>)
      %dma_wait3A_211 = arith.constant 3 : i32
      %dma_wait3A_212 = arith.constant 0 : i32
      %dma_wait3A_213 = tpu.memref_slice %arg9[%dma_wait3A_211, %dma_wait3A_212] : memref<25x80xi32, #tpu.memory_space<vmem>> -> memref<1x80xi32, #tpu.memory_space<vmem>>
      %dma_wait3A_214 = tpu.memref_squeeze %dma_wait3A_213 : memref<1x80xi32, #tpu.memory_space<vmem>> -> memref<80xi32, #tpu.memory_space<vmem>>
      %dma_wait3A_215 = arith.constant 0 : i32
      %dma_wait3A_216 = arith.constant 0 : i32
      %dma_wait3A_217 = tpu.memref_slice %arg14[%dma_wait3A_215, %dma_wait3A_216] : memref<10112x128xf32, #tpu.memory_space<vmem_shared>> -> memref<10112x128xf32, #tpu.memory_space<vmem_shared>>
      tpu.wait_indirect_dma semaphore(%arg19 : memref<!tpu.dma_semaphore, #tpu.memory_space<semaphore_mem>>) src(%arg11 : memref<80x128xf32, #tpu.memory_space<vmem>>) dst(%dma_wait3A_217 : memref<10112x128xf32, #tpu.memory_space<vmem_shared>>)
      %dma_start3A_218 = arith.constant 6 : i32
      %dma_start3A_219 = arith.constant 0 : i32
      %dma_start3A_220 = tpu.memref_slice %arg8[%dma_start3A_218, %dma_start3A_219] : memref<25x80xi32, #tpu.memory_space<vmem>> -> memref<1x80xi32, #tpu.memory_space<vmem>>
      %dma_start3A_221 = tpu.memref_squeeze %dma_start3A_220 : memref<1x80xi32, #tpu.memory_space<vmem>> -> memref<80xi32, #tpu.memory_space<vmem>>
      %dma_start3A_222 = arith.constant 0 : i32
      %dma_start3A_223 = arith.constant 0 : i32
      %dma_start3A_224 = tpu.memref_slice %arg2[%dma_start3A_222, %dma_start3A_223] : memref<10000x128xf32, #tpu.memory_space<hbm>> -> memref<10000x128xf32, #tpu.memory_space<hbm>>
      tpu.enqueue_indirect_dma source(%dma_start3A_224 : memref<10000x128xf32, #tpu.memory_space<hbm>>) target(%arg11 : memref<80x128xf32, #tpu.memory_space<vmem>>) offsets(%dma_start3A_221 : memref<80xi32, #tpu.memory_space<vmem>>) semaphore(%arg16 : memref<!tpu.dma_semaphore, #tpu.memory_space<semaphore_mem>>)
      %dma_wait3A_225 = arith.constant 5 : i32
      %dma_wait3A_226 = arith.constant 0 : i32
      %dma_wait3A_227 = tpu.memref_slice %arg8[%dma_wait3A_225, %dma_wait3A_226] : memref<25x80xi32, #tpu.memory_space<vmem>> -> memref<1x80xi32, #tpu.memory_space<vmem>>
      %dma_wait3A_228 = tpu.memref_squeeze %dma_wait3A_227 : memref<1x80xi32, #tpu.memory_space<vmem>> -> memref<80xi32, #tpu.memory_space<vmem>>
      %dma_wait3A_229 = arith.constant 0 : i32
      %dma_wait3A_230 = arith.constant 0 : i32
      %dma_wait3A_231 = tpu.memref_slice %arg2[%dma_wait3A_229, %dma_wait3A_230] : memref<10000x128xf32, #tpu.memory_space<hbm>> -> memref<10000x128xf32, #tpu.memory_space<hbm>>
      tpu.wait_indirect_dma semaphore(%arg18 : memref<!tpu.dma_semaphore, #tpu.memory_space<semaphore_mem>>) src(%dma_wait3A_231 : memref<10000x128xf32, #tpu.memory_space<hbm>>) dst(%arg13 : memref<80x128xf32, #tpu.memory_space<vmem>>)
      %dma_start3A_232 = arith.constant 5 : i32
      %dma_start3A_233 = arith.constant 0 : i32
      %dma_start3A_234 = tpu.memref_slice %arg9[%dma_start3A_232, %dma_start3A_233] : memref<25x80xi32, #tpu.memory_space<vmem>> -> memref<1x80xi32, #tpu.memory_space<vmem>>
      %dma_start3A_235 = tpu.memref_squeeze %dma_start3A_234 : memref<1x80xi32, #tpu.memory_space<vmem>> -> memref<80xi32, #tpu.memory_space<vmem>>
      %dma_start3A_236 = arith.constant 0 : i32
      %dma_start3A_237 = arith.constant 0 : i32
      %dma_start3A_238 = tpu.memref_slice %arg14[%dma_start3A_236, %dma_start3A_237] : memref<10112x128xf32, #tpu.memory_space<vmem_shared>> -> memref<10112x128xf32, #tpu.memory_space<vmem_shared>>
      tpu.enqueue_indirect_dma source(%arg13 : memref<80x128xf32, #tpu.memory_space<vmem>>) target(%dma_start3A_238 : memref<10112x128xf32, #tpu.memory_space<vmem_shared>>) offsets(%dma_start3A_235 : memref<80xi32, #tpu.memory_space<vmem>>) semaphore(%arg21 : memref<!tpu.dma_semaphore, #tpu.memory_space<semaphore_mem>>) {add = true}
      %dma_start3A_239 = arith.constant 5 : i32
      %dma_start3A_240 = arith.constant 0 : i32
      %dma_start3A_241 = tpu.memref_slice %arg9[%dma_start3A_239, %dma_start3A_240] : memref<25x80xi32, #tpu.memory_space<vmem>> -> memref<1x80xi32, #tpu.memory_space<vmem>>
      %dma_start3A_242 = tpu.memref_squeeze %dma_start3A_241 : memref<1x80xi32, #tpu.memory_space<vmem>> -> memref<80xi32, #tpu.memory_space<vmem>>
      %dma_start3A_243 = arith.constant 0 : i32
      %dma_start3A_244 = arith.constant 0 : i32
      %dma_start3A_245 = tpu.memref_slice %arg15[%dma_start3A_243, %dma_start3A_244] : memref<10112x8xf32, #tpu.memory_space<vmem_shared>> -> memref<10112x8xf32, #tpu.memory_space<vmem_shared>>
      tpu.enqueue_indirect_dma source(%arg10 : memref<80x8xf32, #tpu.memory_space<vmem>>) target(%dma_start3A_245 : memref<10112x8xf32, #tpu.memory_space<vmem_shared>>) offsets(%dma_start3A_242 : memref<80xi32, #tpu.memory_space<vmem>>) semaphore(%arg22 : memref<!tpu.dma_semaphore, #tpu.memory_space<semaphore_mem>>) {add = true}
      %dma_wait3A_246 = arith.constant 4 : i32
      %dma_wait3A_247 = arith.constant 0 : i32
      %dma_wait3A_248 = tpu.memref_slice %arg9[%dma_wait3A_246, %dma_wait3A_247] : memref<25x80xi32, #tpu.memory_space<vmem>> -> memref<1x80xi32, #tpu.memory_space<vmem>>
      %dma_wait3A_249 = tpu.memref_squeeze %dma_wait3A_248 : memref<1x80xi32, #tpu.memory_space<vmem>> -> memref<80xi32, #tpu.memory_space<vmem>>
      %dma_wait3A_250 = arith.constant 0 : i32
      %dma_wait3A_251 = arith.constant 0 : i32
      %dma_wait3A_252 = tpu.memref_slice %arg15[%dma_wait3A_250, %dma_wait3A_251] : memref<10112x8xf32, #tpu.memory_space<vmem_shared>> -> memref<10112x8xf32, #tpu.memory_space<vmem_shared>>
      tpu.wait_indirect_dma semaphore(%arg22 : memref<!tpu.dma_semaphore, #tpu.memory_space<semaphore_mem>>) src(%arg10 : memref<80x8xf32, #tpu.memory_space<vmem>>) dst(%dma_wait3A_252 : memref<10112x8xf32, #tpu.memory_space<vmem_shared>>)
      %dma_wait3A_253 = arith.constant 4 : i32
      %dma_wait3A_254 = arith.constant 0 : i32
      %dma_wait3A_255 = tpu.memref_slice %arg9[%dma_wait3A_253, %dma_wait3A_254] : memref<25x80xi32, #tpu.memory_space<vmem>> -> memref<1x80xi32, #tpu.memory_space<vmem>>
      %dma_wait3A_256 = tpu.memref_squeeze %dma_wait3A_255 : memref<1x80xi32, #tpu.memory_space<vmem>> -> memref<80xi32, #tpu.memory_space<vmem>>
      %dma_wait3A_257 = arith.constant 0 : i32
      %dma_wait3A_258 = arith.constant 0 : i32
      %dma_wait3A_259 = tpu.memref_slice %arg14[%dma_wait3A_257, %dma_wait3A_258] : memref<10112x128xf32, #tpu.memory_space<vmem_shared>> -> memref<10112x128xf32, #tpu.memory_space<vmem_shared>>
      tpu.wait_indirect_dma semaphore(%arg20 : memref<!tpu.dma_semaphore, #tpu.memory_space<semaphore_mem>>) src(%arg12 : memref<80x128xf32, #tpu.memory_space<vmem>>) dst(%dma_wait3A_259 : memref<10112x128xf32, #tpu.memory_space<vmem_shared>>)
      %dma_start3A_260 = arith.constant 7 : i32
      %dma_start3A_261 = arith.constant 0 : i32
      %dma_start3A_262 = tpu.memref_slice %arg8[%dma_start3A_260, %dma_start3A_261] : memref<25x80xi32, #tpu.memory_space<vmem>> -> memref<1x80xi32, #tpu.memory_space<vmem>>
      %dma_start3A_263 = tpu.memref_squeeze %dma_start3A_262 : memref<1x80xi32, #tpu.memory_space<vmem>> -> memref<80xi32, #tpu.memory_space<vmem>>
      %dma_start3A_264 = arith.constant 0 : i32
      %dma_start3A_265 = arith.constant 0 : i32
      %dma_start3A_266 = tpu.memref_slice %arg2[%dma_start3A_264, %dma_start3A_265] : memref<10000x128xf32, #tpu.memory_space<hbm>> -> memref<10000x128xf32, #tpu.memory_space<hbm>>
      tpu.enqueue_indirect_dma source(%dma_start3A_266 : memref<10000x128xf32, #tpu.memory_space<hbm>>) target(%arg12 : memref<80x128xf32, #tpu.memory_space<vmem>>) offsets(%dma_start3A_263 : memref<80xi32, #tpu.memory_space<vmem>>) semaphore(%arg17 : memref<!tpu.dma_semaphore, #tpu.memory_space<semaphore_mem>>)
      %dma_wait3A_267 = arith.constant 6 : i32
      %dma_wait3A_268 = arith.constant 0 : i32
      %dma_wait3A_269 = tpu.memref_slice %arg8[%dma_wait3A_267, %dma_wait3A_268] : memref<25x80xi32, #tpu.memory_space<vmem>> -> memref<1x80xi32, #tpu.memory_space<vmem>>
      %dma_wait3A_270 = tpu.memref_squeeze %dma_wait3A_269 : memref<1x80xi32, #tpu.memory_space<vmem>> -> memref<80xi32, #tpu.memory_space<vmem>>
      %dma_wait3A_271 = arith.constant 0 : i32
      %dma_wait3A_272 = arith.constant 0 : i32
      %dma_wait3A_273 = tpu.memref_slice %arg2[%dma_wait3A_271, %dma_wait3A_272] : memref<10000x128xf32, #tpu.memory_space<hbm>> -> memref<10000x128xf32, #tpu.memory_space<hbm>>
      tpu.wait_indirect_dma semaphore(%arg16 : memref<!tpu.dma_semaphore, #tpu.memory_space<semaphore_mem>>) src(%dma_wait3A_273 : memref<10000x128xf32, #tpu.memory_space<hbm>>) dst(%arg11 : memref<80x128xf32, #tpu.memory_space<vmem>>)
      %dma_start3A_274 = arith.constant 6 : i32
      %dma_start3A_275 = arith.constant 0 : i32
      %dma_start3A_276 = tpu.memref_slice %arg9[%dma_start3A_274, %dma_start3A_275] : memref<25x80xi32, #tpu.memory_space<vmem>> -> memref<1x80xi32, #tpu.memory_space<vmem>>
      %dma_start3A_277 = tpu.memref_squeeze %dma_start3A_276 : memref<1x80xi32, #tpu.memory_space<vmem>> -> memref<80xi32, #tpu.memory_space<vmem>>
      %dma_start3A_278 = arith.constant 0 : i32
      %dma_start3A_279 = arith.constant 0 : i32
      %dma_start3A_280 = tpu.memref_slice %arg14[%dma_start3A_278, %dma_start3A_279] : memref<10112x128xf32, #tpu.memory_space<vmem_shared>> -> memref<10112x128xf32, #tpu.memory_space<vmem_shared>>
      tpu.enqueue_indirect_dma source(%arg11 : memref<80x128xf32, #tpu.memory_space<vmem>>) target(%dma_start3A_280 : memref<10112x128xf32, #tpu.memory_space<vmem_shared>>) offsets(%dma_start3A_277 : memref<80xi32, #tpu.memory_space<vmem>>) semaphore(%arg19 : memref<!tpu.dma_semaphore, #tpu.memory_space<semaphore_mem>>) {add = true}
      %dma_start3A_281 = arith.constant 6 : i32
      %dma_start3A_282 = arith.constant 0 : i32
      %dma_start3A_283 = tpu.memref_slice %arg9[%dma_start3A_281, %dma_start3A_282] : memref<25x80xi32, #tpu.memory_space<vmem>> -> memref<1x80xi32, #tpu.memory_space<vmem>>
      %dma_start3A_284 = tpu.memref_squeeze %dma_start3A_283 : memref<1x80xi32, #tpu.memory_space<vmem>> -> memref<80xi32, #tpu.memory_space<vmem>>
      %dma_start3A_285 = arith.constant 0 : i32
      %dma_start3A_286 = arith.constant 0 : i32
      %dma_start3A_287 = tpu.memref_slice %arg15[%dma_start3A_285, %dma_start3A_286] : memref<10112x8xf32, #tpu.memory_space<vmem_shared>> -> memref<10112x8xf32, #tpu.memory_space<vmem_shared>>
      tpu.enqueue_indirect_dma source(%arg10 : memref<80x8xf32, #tpu.memory_space<vmem>>) target(%dma_start3A_287 : memref<10112x8xf32, #tpu.memory_space<vmem_shared>>) offsets(%dma_start3A_284 : memref<80xi32, #tpu.memory_space<vmem>>) semaphore(%arg22 : memref<!tpu.dma_semaphore, #tpu.memory_space<semaphore_mem>>) {add = true}
      %dma_wait3A_288 = arith.constant 5 : i32
      %dma_wait3A_289 = arith.constant 0 : i32
      %dma_wait3A_290 = tpu.memref_slice %arg9[%dma_wait3A_288, %dma_wait3A_289] : memref<25x80xi32, #tpu.memory_space<vmem>> -> memref<1x80xi32, #tpu.memory_space<vmem>>
      %dma_wait3A_291 = tpu.memref_squeeze %dma_wait3A_290 : memref<1x80xi32, #tpu.memory_space<vmem>> -> memref<80xi32, #tpu.memory_space<vmem>>
      %dma_wait3A_292 = arith.constant 0 : i32
      %dma_wait3A_293 = arith.constant 0 : i32
      %dma_wait3A_294 = tpu.memref_slice %arg15[%dma_wait3A_292, %dma_wait3A_293] : memref<10112x8xf32, #tpu.memory_space<vmem_shared>> -> memref<10112x8xf32, #tpu.memory_space<vmem_shared>>
      tpu.wait_indirect_dma semaphore(%arg22 : memref<!tpu.dma_semaphore, #tpu.memory_space<semaphore_mem>>) src(%arg10 : memref<80x8xf32, #tpu.memory_space<vmem>>) dst(%dma_wait3A_294 : memref<10112x8xf32, #tpu.memory_space<vmem_shared>>)
      %dma_wait3A_295 = arith.constant 5 : i32
      %dma_wait3A_296 = arith.constant 0 : i32
      %dma_wait3A_297 = tpu.memref_slice %arg9[%dma_wait3A_295, %dma_wait3A_296] : memref<25x80xi32, #tpu.memory_space<vmem>> -> memref<1x80xi32, #tpu.memory_space<vmem>>
      %dma_wait3A_298 = tpu.memref_squeeze %dma_wait3A_297 : memref<1x80xi32, #tpu.memory_space<vmem>> -> memref<80xi32, #tpu.memory_space<vmem>>
      %dma_wait3A_299 = arith.constant 0 : i32
      %dma_wait3A_300 = arith.constant 0 : i32
      %dma_wait3A_301 = tpu.memref_slice %arg14[%dma_wait3A_299, %dma_wait3A_300] : memref<10112x128xf32, #tpu.memory_space<vmem_shared>> -> memref<10112x128xf32, #tpu.memory_space<vmem_shared>>
      tpu.wait_indirect_dma semaphore(%arg21 : memref<!tpu.dma_semaphore, #tpu.memory_space<semaphore_mem>>) src(%arg13 : memref<80x128xf32, #tpu.memory_space<vmem>>) dst(%dma_wait3A_301 : memref<10112x128xf32, #tpu.memory_space<vmem_shared>>)
      %dma_start3A_302 = arith.constant 8 : i32
      %dma_start3A_303 = arith.constant 0 : i32
      %dma_start3A_304 = tpu.memref_slice %arg8[%dma_start3A_302, %dma_start3A_303] : memref<25x80xi32, #tpu.memory_space<vmem>> -> memref<1x80xi32, #tpu.memory_space<vmem>>
      %dma_start3A_305 = tpu.memref_squeeze %dma_start3A_304 : memref<1x80xi32, #tpu.memory_space<vmem>> -> memref<80xi32, #tpu.memory_space<vmem>>
      %dma_start3A_306 = arith.constant 0 : i32
      %dma_start3A_307 = arith.constant 0 : i32
      %dma_start3A_308 = tpu.memref_slice %arg2[%dma_start3A_306, %dma_start3A_307] : memref<10000x128xf32, #tpu.memory_space<hbm>> -> memref<10000x128xf32, #tpu.memory_space<hbm>>
      tpu.enqueue_indirect_dma source(%dma_start3A_308 : memref<10000x128xf32, #tpu.memory_space<hbm>>) target(%arg13 : memref<80x128xf32, #tpu.memory_space<vmem>>) offsets(%dma_start3A_305 : memref<80xi32, #tpu.memory_space<vmem>>) semaphore(%arg18 : memref<!tpu.dma_semaphore, #tpu.memory_space<semaphore_mem>>)
      %dma_wait3A_309 = arith.constant 7 : i32
      %dma_wait3A_310 = arith.constant 0 : i32
      %dma_wait3A_311 = tpu.memref_slice %arg8[%dma_wait3A_309, %dma_wait3A_310] : memref<25x80xi32, #tpu.memory_space<vmem>> -> memref<1x80xi32, #tpu.memory_space<vmem>>
      %dma_wait3A_312 = tpu.memref_squeeze %dma_wait3A_311 : memref<1x80xi32, #tpu.memory_space<vmem>> -> memref<80xi32, #tpu.memory_space<vmem>>
      %dma_wait3A_313 = arith.constant 0 : i32
      %dma_wait3A_314 = arith.constant 0 : i32
      %dma_wait3A_315 = tpu.memref_slice %arg2[%dma_wait3A_313, %dma_wait3A_314] : memref<10000x128xf32, #tpu.memory_space<hbm>> -> memref<10000x128xf32, #tpu.memory_space<hbm>>
      tpu.wait_indirect_dma semaphore(%arg17 : memref<!tpu.dma_semaphore, #tpu.memory_space<semaphore_mem>>) src(%dma_wait3A_315 : memref<10000x128xf32, #tpu.memory_space<hbm>>) dst(%arg12 : memref<80x128xf32, #tpu.memory_space<vmem>>)
      %dma_start3A_316 = arith.constant 7 : i32
      %dma_start3A_317 = arith.constant 0 : i32
      %dma_start3A_318 = tpu.memref_slice %arg9[%dma_start3A_316, %dma_start3A_317] : memref<25x80xi32, #tpu.memory_space<vmem>> -> memref<1x80xi32, #tpu.memory_space<vmem>>
      %dma_start3A_319 = tpu.memref_squeeze %dma_start3A_318 : memref<1x80xi32, #tpu.memory_space<vmem>> -> memref<80xi32, #tpu.memory_space<vmem>>
      %dma_start3A_320 = arith.constant 0 : i32
      %dma_start3A_321 = arith.constant 0 : i32
      %dma_start3A_322 = tpu.memref_slice %arg14[%dma_start3A_320, %dma_start3A_321] : memref<10112x128xf32, #tpu.memory_space<vmem_shared>> -> memref<10112x128xf32, #tpu.memory_space<vmem_shared>>
      tpu.enqueue_indirect_dma source(%arg12 : memref<80x128xf32, #tpu.memory_space<vmem>>) target(%dma_start3A_322 : memref<10112x128xf32, #tpu.memory_space<vmem_shared>>) offsets(%dma_start3A_319 : memref<80xi32, #tpu.memory_space<vmem>>) semaphore(%arg20 : memref<!tpu.dma_semaphore, #tpu.memory_space<semaphore_mem>>) {add = true}
      %dma_start3A_323 = arith.constant 7 : i32
      %dma_start3A_324 = arith.constant 0 : i32
      %dma_start3A_325 = tpu.memref_slice %arg9[%dma_start3A_323, %dma_start3A_324] : memref<25x80xi32, #tpu.memory_space<vmem>> -> memref<1x80xi32, #tpu.memory_space<vmem>>
      %dma_start3A_326 = tpu.memref_squeeze %dma_start3A_325 : memref<1x80xi32, #tpu.memory_space<vmem>> -> memref<80xi32, #tpu.memory_space<vmem>>
      %dma_start3A_327 = arith.constant 0 : i32
      %dma_start3A_328 = arith.constant 0 : i32
      %dma_start3A_329 = tpu.memref_slice %arg15[%dma_start3A_327, %dma_start3A_328] : memref<10112x8xf32, #tpu.memory_space<vmem_shared>> -> memref<10112x8xf32, #tpu.memory_space<vmem_shared>>
      tpu.enqueue_indirect_dma source(%arg10 : memref<80x8xf32, #tpu.memory_space<vmem>>) target(%dma_start3A_329 : memref<10112x8xf32, #tpu.memory_space<vmem_shared>>) offsets(%dma_start3A_326 : memref<80xi32, #tpu.memory_space<vmem>>) semaphore(%arg22 : memref<!tpu.dma_semaphore, #tpu.memory_space<semaphore_mem>>) {add = true}
      %dma_wait3A_330 = arith.constant 6 : i32
      %dma_wait3A_331 = arith.constant 0 : i32
      %dma_wait3A_332 = tpu.memref_slice %arg9[%dma_wait3A_330, %dma_wait3A_331] : memref<25x80xi32, #tpu.memory_space<vmem>> -> memref<1x80xi32, #tpu.memory_space<vmem>>
      %dma_wait3A_333 = tpu.memref_squeeze %dma_wait3A_332 : memref<1x80xi32, #tpu.memory_space<vmem>> -> memref<80xi32, #tpu.memory_space<vmem>>
      %dma_wait3A_334 = arith.constant 0 : i32
      %dma_wait3A_335 = arith.constant 0 : i32
      %dma_wait3A_336 = tpu.memref_slice %arg15[%dma_wait3A_334, %dma_wait3A_335] : memref<10112x8xf32, #tpu.memory_space<vmem_shared>> -> memref<10112x8xf32, #tpu.memory_space<vmem_shared>>
      tpu.wait_indirect_dma semaphore(%arg22 : memref<!tpu.dma_semaphore, #tpu.memory_space<semaphore_mem>>) src(%arg10 : memref<80x8xf32, #tpu.memory_space<vmem>>) dst(%dma_wait3A_336 : memref<10112x8xf32, #tpu.memory_space<vmem_shared>>)
      %dma_wait3A_337 = arith.constant 6 : i32
      %dma_wait3A_338 = arith.constant 0 : i32
      %dma_wait3A_339 = tpu.memref_slice %arg9[%dma_wait3A_337, %dma_wait3A_338] : memref<25x80xi32, #tpu.memory_space<vmem>> -> memref<1x80xi32, #tpu.memory_space<vmem>>
      %dma_wait3A_340 = tpu.memref_squeeze %dma_wait3A_339 : memref<1x80xi32, #tpu.memory_space<vmem>> -> memref<80xi32, #tpu.memory_space<vmem>>
      %dma_wait3A_341 = arith.constant 0 : i32
      %dma_wait3A_342 = arith.constant 0 : i32
      %dma_wait3A_343 = tpu.memref_slice %arg14[%dma_wait3A_341, %dma_wait3A_342] : memref<10112x128xf32, #tpu.memory_space<vmem_shared>> -> memref<10112x128xf32, #tpu.memory_space<vmem_shared>>
      tpu.wait_indirect_dma semaphore(%arg19 : memref<!tpu.dma_semaphore, #tpu.memory_space<semaphore_mem>>) src(%arg11 : memref<80x128xf32, #tpu.memory_space<vmem>>) dst(%dma_wait3A_343 : memref<10112x128xf32, #tpu.memory_space<vmem_shared>>)
      %dma_start3A_344 = arith.constant 9 : i32
      %dma_start3A_345 = arith.constant 0 : i32
      %dma_start3A_346 = tpu.memref_slice %arg8[%dma_start3A_344, %dma_start3A_345] : memref<25x80xi32, #tpu.memory_space<vmem>> -> memref<1x80xi32, #tpu.memory_space<vmem>>
      %dma_start3A_347 = tpu.memref_squeeze %dma_start3A_346 : memref<1x80xi32, #tpu.memory_space<vmem>> -> memref<80xi32, #tpu.memory_space<vmem>>
      %dma_start3A_348 = arith.constant 0 : i32
      %dma_start3A_349 = arith.constant 0 : i32
      %dma_start3A_350 = tpu.memref_slice %arg2[%dma_start3A_348, %dma_start3A_349] : memref<10000x128xf32, #tpu.memory_space<hbm>> -> memref<10000x128xf32, #tpu.memory_space<hbm>>
      tpu.enqueue_indirect_dma source(%dma_start3A_350 : memref<10000x128xf32, #tpu.memory_space<hbm>>) target(%arg11 : memref<80x128xf32, #tpu.memory_space<vmem>>) offsets(%dma_start3A_347 : memref<80xi32, #tpu.memory_space<vmem>>) semaphore(%arg16 : memref<!tpu.dma_semaphore, #tpu.memory_space<semaphore_mem>>)
      %dma_wait3A_351 = arith.constant 8 : i32
      %dma_wait3A_352 = arith.constant 0 : i32
      %dma_wait3A_353 = tpu.memref_slice %arg8[%dma_wait3A_351, %dma_wait3A_352] : memref<25x80xi32, #tpu.memory_space<vmem>> -> memref<1x80xi32, #tpu.memory_space<vmem>>
      %dma_wait3A_354 = tpu.memref_squeeze %dma_wait3A_353 : memref<1x80xi32, #tpu.memory_space<vmem>> -> memref<80xi32, #tpu.memory_space<vmem>>
      %dma_wait3A_355 = arith.constant 0 : i32
      %dma_wait3A_356 = arith.constant 0 : i32
      %dma_wait3A_357 = tpu.memref_slice %arg2[%dma_wait3A_355, %dma_wait3A_356] : memref<10000x128xf32, #tpu.memory_space<hbm>> -> memref<10000x128xf32, #tpu.memory_space<hbm>>
      tpu.wait_indirect_dma semaphore(%arg18 : memref<!tpu.dma_semaphore, #tpu.memory_space<semaphore_mem>>) src(%dma_wait3A_357 : memref<10000x128xf32, #tpu.memory_space<hbm>>) dst(%arg13 : memref<80x128xf32, #tpu.memory_space<vmem>>)
      %dma_start3A_358 = arith.constant 8 : i32
      %dma_start3A_359 = arith.constant 0 : i32
      %dma_start3A_360 = tpu.memref_slice %arg9[%dma_start3A_358, %dma_start3A_359] : memref<25x80xi32, #tpu.memory_space<vmem>> -> memref<1x80xi32, #tpu.memory_space<vmem>>
      %dma_start3A_361 = tpu.memref_squeeze %dma_start3A_360 : memref<1x80xi32, #tpu.memory_space<vmem>> -> memref<80xi32, #tpu.memory_space<vmem>>
      %dma_start3A_362 = arith.constant 0 : i32
      %dma_start3A_363 = arith.constant 0 : i32
      %dma_start3A_364 = tpu.memref_slice %arg14[%dma_start3A_362, %dma_start3A_363] : memref<10112x128xf32, #tpu.memory_space<vmem_shared>> -> memref<10112x128xf32, #tpu.memory_space<vmem_shared>>
      tpu.enqueue_indirect_dma source(%arg13 : memref<80x128xf32, #tpu.memory_space<vmem>>) target(%dma_start3A_364 : memref<10112x128xf32, #tpu.memory_space<vmem_shared>>) offsets(%dma_start3A_361 : memref<80xi32, #tpu.memory_space<vmem>>) semaphore(%arg21 : memref<!tpu.dma_semaphore, #tpu.memory_space<semaphore_mem>>) {add = true}
      %dma_start3A_365 = arith.constant 8 : i32
      %dma_start3A_366 = arith.constant 0 : i32
      %dma_start3A_367 = tpu.memref_slice %arg9[%dma_start3A_365, %dma_start3A_366] : memref<25x80xi32, #tpu.memory_space<vmem>> -> memref<1x80xi32, #tpu.memory_space<vmem>>
      %dma_start3A_368 = tpu.memref_squeeze %dma_start3A_367 : memref<1x80xi32, #tpu.memory_space<vmem>> -> memref<80xi32, #tpu.memory_space<vmem>>
      %dma_start3A_369 = arith.constant 0 : i32
      %dma_start3A_370 = arith.constant 0 : i32
      %dma_start3A_371 = tpu.memref_slice %arg15[%dma_start3A_369, %dma_start3A_370] : memref<10112x8xf32, #tpu.memory_space<vmem_shared>> -> memref<10112x8xf32, #tpu.memory_space<vmem_shared>>
      tpu.enqueue_indirect_dma source(%arg10 : memref<80x8xf32, #tpu.memory_space<vmem>>) target(%dma_start3A_371 : memref<10112x8xf32, #tpu.memory_space<vmem_shared>>) offsets(%dma_start3A_368 : memref<80xi32, #tpu.memory_space<vmem>>) semaphore(%arg22 : memref<!tpu.dma_semaphore, #tpu.memory_space<semaphore_mem>>) {add = true}
      %dma_wait3A_372 = arith.constant 7 : i32
      %dma_wait3A_373 = arith.constant 0 : i32
      %dma_wait3A_374 = tpu.memref_slice %arg9[%dma_wait3A_372, %dma_wait3A_373] : memref<25x80xi32, #tpu.memory_space<vmem>> -> memref<1x80xi32, #tpu.memory_space<vmem>>
      %dma_wait3A_375 = tpu.memref_squeeze %dma_wait3A_374 : memref<1x80xi32, #tpu.memory_space<vmem>> -> memref<80xi32, #tpu.memory_space<vmem>>
      %dma_wait3A_376 = arith.constant 0 : i32
      %dma_wait3A_377 = arith.constant 0 : i32
      %dma_wait3A_378 = tpu.memref_slice %arg15[%dma_wait3A_376, %dma_wait3A_377] : memref<10112x8xf32, #tpu.memory_space<vmem_shared>> -> memref<10112x8xf32, #tpu.memory_space<vmem_shared>>
      tpu.wait_indirect_dma semaphore(%arg22 : memref<!tpu.dma_semaphore, #tpu.memory_space<semaphore_mem>>) src(%arg10 : memref<80x8xf32, #tpu.memory_space<vmem>>) dst(%dma_wait3A_378 : memref<10112x8xf32, #tpu.memory_space<vmem_shared>>)
      %dma_wait3A_379 = arith.constant 7 : i32
      %dma_wait3A_380 = arith.constant 0 : i32
      %dma_wait3A_381 = tpu.memref_slice %arg9[%dma_wait3A_379, %dma_wait3A_380] : memref<25x80xi32, #tpu.memory_space<vmem>> -> memref<1x80xi32, #tpu.memory_space<vmem>>
      %dma_wait3A_382 = tpu.memref_squeeze %dma_wait3A_381 : memref<1x80xi32, #tpu.memory_space<vmem>> -> memref<80xi32, #tpu.memory_space<vmem>>
      %dma_wait3A_383 = arith.constant 0 : i32
      %dma_wait3A_384 = arith.constant 0 : i32
      %dma_wait3A_385 = tpu.memref_slice %arg14[%dma_wait3A_383, %dma_wait3A_384] : memref<10112x128xf32, #tpu.memory_space<vmem_shared>> -> memref<10112x128xf32, #tpu.memory_space<vmem_shared>>
      tpu.wait_indirect_dma semaphore(%arg20 : memref<!tpu.dma_semaphore, #tpu.memory_space<semaphore_mem>>) src(%arg12 : memref<80x128xf32, #tpu.memory_space<vmem>>) dst(%dma_wait3A_385 : memref<10112x128xf32, #tpu.memory_space<vmem_shared>>)
      %dma_start3A_386 = arith.constant 10 : i32
      %dma_start3A_387 = arith.constant 0 : i32
      %dma_start3A_388 = tpu.memref_slice %arg8[%dma_start3A_386, %dma_start3A_387] : memref<25x80xi32, #tpu.memory_space<vmem>> -> memref<1x80xi32, #tpu.memory_space<vmem>>
      %dma_start3A_389 = tpu.memref_squeeze %dma_start3A_388 : memref<1x80xi32, #tpu.memory_space<vmem>> -> memref<80xi32, #tpu.memory_space<vmem>>
      %dma_start3A_390 = arith.constant 0 : i32
      %dma_start3A_391 = arith.constant 0 : i32
      %dma_start3A_392 = tpu.memref_slice %arg2[%dma_start3A_390, %dma_start3A_391] : memref<10000x128xf32, #tpu.memory_space<hbm>> -> memref<10000x128xf32, #tpu.memory_space<hbm>>
      tpu.enqueue_indirect_dma source(%dma_start3A_392 : memref<10000x128xf32, #tpu.memory_space<hbm>>) target(%arg12 : memref<80x128xf32, #tpu.memory_space<vmem>>) offsets(%dma_start3A_389 : memref<80xi32, #tpu.memory_space<vmem>>) semaphore(%arg17 : memref<!tpu.dma_semaphore, #tpu.memory_space<semaphore_mem>>)
      %dma_wait3A_393 = arith.constant 9 : i32
      %dma_wait3A_394 = arith.constant 0 : i32
      %dma_wait3A_395 = tpu.memref_slice %arg8[%dma_wait3A_393, %dma_wait3A_394] : memref<25x80xi32, #tpu.memory_space<vmem>> -> memref<1x80xi32, #tpu.memory_space<vmem>>
      %dma_wait3A_396 = tpu.memref_squeeze %dma_wait3A_395 : memref<1x80xi32, #tpu.memory_space<vmem>> -> memref<80xi32, #tpu.memory_space<vmem>>
      %dma_wait3A_397 = arith.constant 0 : i32
      %dma_wait3A_398 = arith.constant 0 : i32
      %dma_wait3A_399 = tpu.memref_slice %arg2[%dma_wait3A_397, %dma_wait3A_398] : memref<10000x128xf32, #tpu.memory_space<hbm>> -> memref<10000x128xf32, #tpu.memory_space<hbm>>
      tpu.wait_indirect_dma semaphore(%arg16 : memref<!tpu.dma_semaphore, #tpu.memory_space<semaphore_mem>>) src(%dma_wait3A_399 : memref<10000x128xf32, #tpu.memory_space<hbm>>) dst(%arg11 : memref<80x128xf32, #tpu.memory_space<vmem>>)
      %dma_start3A_400 = arith.constant 9 : i32
      %dma_start3A_401 = arith.constant 0 : i32
      %dma_start3A_402 = tpu.memref_slice %arg9[%dma_start3A_400, %dma_start3A_401] : memref<25x80xi32, #tpu.memory_space<vmem>> -> memref<1x80xi32, #tpu.memory_space<vmem>>
      %dma_start3A_403 = tpu.memref_squeeze %dma_start3A_402 : memref<1x80xi32, #tpu.memory_space<vmem>> -> memref<80xi32, #tpu.memory_space<vmem>>
      %dma_start3A_404 = arith.constant 0 : i32
      %dma_start3A_405 = arith.constant 0 : i32
      %dma_start3A_406 = tpu.memref_slice %arg14[%dma_start3A_404, %dma_start3A_405] : memref<10112x128xf32, #tpu.memory_space<vmem_shared>> -> memref<10112x128xf32, #tpu.memory_space<vmem_shared>>
      tpu.enqueue_indirect_dma source(%arg11 : memref<80x128xf32, #tpu.memory_space<vmem>>) target(%dma_start3A_406 : memref<10112x128xf32, #tpu.memory_space<vmem_shared>>) offsets(%dma_start3A_403 : memref<80xi32, #tpu.memory_space<vmem>>) semaphore(%arg19 : memref<!tpu.dma_semaphore, #tpu.memory_space<semaphore_mem>>) {add = true}
      %dma_start3A_407 = arith.constant 9 : i32
      %dma_start3A_408 = arith.constant 0 : i32
      %dma_start3A_409 = tpu.memref_slice %arg9[%dma_start3A_407, %dma_start3A_408] : memref<25x80xi32, #tpu.memory_space<vmem>> -> memref<1x80xi32, #tpu.memory_space<vmem>>
      %dma_start3A_410 = tpu.memref_squeeze %dma_start3A_409 : memref<1x80xi32, #tpu.memory_space<vmem>> -> memref<80xi32, #tpu.memory_space<vmem>>
      %dma_start3A_411 = arith.constant 0 : i32
      %dma_start3A_412 = arith.constant 0 : i32
      %dma_start3A_413 = tpu.memref_slice %arg15[%dma_start3A_411, %dma_start3A_412] : memref<10112x8xf32, #tpu.memory_space<vmem_shared>> -> memref<10112x8xf32, #tpu.memory_space<vmem_shared>>
      tpu.enqueue_indirect_dma source(%arg10 : memref<80x8xf32, #tpu.memory_space<vmem>>) target(%dma_start3A_413 : memref<10112x8xf32, #tpu.memory_space<vmem_shared>>) offsets(%dma_start3A_410 : memref<80xi32, #tpu.memory_space<vmem>>) semaphore(%arg22 : memref<!tpu.dma_semaphore, #tpu.memory_space<semaphore_mem>>) {add = true}
      %dma_wait3A_414 = arith.constant 8 : i32
      %dma_wait3A_415 = arith.constant 0 : i32
      %dma_wait3A_416 = tpu.memref_slice %arg9[%dma_wait3A_414, %dma_wait3A_415] : memref<25x80xi32, #tpu.memory_space<vmem>> -> memref<1x80xi32, #tpu.memory_space<vmem>>
      %dma_wait3A_417 = tpu.memref_squeeze %dma_wait3A_416 : memref<1x80xi32, #tpu.memory_space<vmem>> -> memref<80xi32, #tpu.memory_space<vmem>>
      %dma_wait3A_418 = arith.constant 0 : i32
      %dma_wait3A_419 = arith.constant 0 : i32
      %dma_wait3A_420 = tpu.memref_slice %arg15[%dma_wait3A_418, %dma_wait3A_419] : memref<10112x8xf32, #tpu.memory_space<vmem_shared>> -> memref<10112x8xf32, #tpu.memory_space<vmem_shared>>
      tpu.wait_indirect_dma semaphore(%arg22 : memref<!tpu.dma_semaphore, #tpu.memory_space<semaphore_mem>>) src(%arg10 : memref<80x8xf32, #tpu.memory_space<vmem>>) dst(%dma_wait3A_420 : memref<10112x8xf32, #tpu.memory_space<vmem_shared>>)
      %dma_wait3A_421 = arith.constant 8 : i32
      %dma_wait3A_422 = arith.constant 0 : i32
      %dma_wait3A_423 = tpu.memref_slice %arg9[%dma_wait3A_421, %dma_wait3A_422] : memref<25x80xi32, #tpu.memory_space<vmem>> -> memref<1x80xi32, #tpu.memory_space<vmem>>
      %dma_wait3A_424 = tpu.memref_squeeze %dma_wait3A_423 : memref<1x80xi32, #tpu.memory_space<vmem>> -> memref<80xi32, #tpu.memory_space<vmem>>
      %dma_wait3A_425 = arith.constant 0 : i32
      %dma_wait3A_426 = arith.constant 0 : i32
      %dma_wait3A_427 = tpu.memref_slice %arg14[%dma_wait3A_425, %dma_wait3A_426] : memref<10112x128xf32, #tpu.memory_space<vmem_shared>> -> memref<10112x128xf32, #tpu.memory_space<vmem_shared>>
      tpu.wait_indirect_dma semaphore(%arg21 : memref<!tpu.dma_semaphore, #tpu.memory_space<semaphore_mem>>) src(%arg13 : memref<80x128xf32, #tpu.memory_space<vmem>>) dst(%dma_wait3A_427 : memref<10112x128xf32, #tpu.memory_space<vmem_shared>>)
      %dma_start3A_428 = arith.constant 11 : i32
      %dma_start3A_429 = arith.constant 0 : i32
      %dma_start3A_430 = tpu.memref_slice %arg8[%dma_start3A_428, %dma_start3A_429] : memref<25x80xi32, #tpu.memory_space<vmem>> -> memref<1x80xi32, #tpu.memory_space<vmem>>
      %dma_start3A_431 = tpu.memref_squeeze %dma_start3A_430 : memref<1x80xi32, #tpu.memory_space<vmem>> -> memref<80xi32, #tpu.memory_space<vmem>>
      %dma_start3A_432 = arith.constant 0 : i32
      %dma_start3A_433 = arith.constant 0 : i32
      %dma_start3A_434 = tpu.memref_slice %arg2[%dma_start3A_432, %dma_start3A_433] : memref<10000x128xf32, #tpu.memory_space<hbm>> -> memref<10000x128xf32, #tpu.memory_space<hbm>>
      tpu.enqueue_indirect_dma source(%dma_start3A_434 : memref<10000x128xf32, #tpu.memory_space<hbm>>) target(%arg13 : memref<80x128xf32, #tpu.memory_space<vmem>>) offsets(%dma_start3A_431 : memref<80xi32, #tpu.memory_space<vmem>>) semaphore(%arg18 : memref<!tpu.dma_semaphore, #tpu.memory_space<semaphore_mem>>)
      %dma_wait3A_435 = arith.constant 10 : i32
      %dma_wait3A_436 = arith.constant 0 : i32
      %dma_wait3A_437 = tpu.memref_slice %arg8[%dma_wait3A_435, %dma_wait3A_436] : memref<25x80xi32, #tpu.memory_space<vmem>> -> memref<1x80xi32, #tpu.memory_space<vmem>>
      %dma_wait3A_438 = tpu.memref_squeeze %dma_wait3A_437 : memref<1x80xi32, #tpu.memory_space<vmem>> -> memref<80xi32, #tpu.memory_space<vmem>>
      %dma_wait3A_439 = arith.constant 0 : i32
      %dma_wait3A_440 = arith.constant 0 : i32
      %dma_wait3A_441 = tpu.memref_slice %arg2[%dma_wait3A_439, %dma_wait3A_440] : memref<10000x128xf32, #tpu.memory_space<hbm>> -> memref<10000x128xf32, #tpu.memory_space<hbm>>
      tpu.wait_indirect_dma semaphore(%arg17 : memref<!tpu.dma_semaphore, #tpu.memory_space<semaphore_mem>>) src(%dma_wait3A_441 : memref<10000x128xf32, #tpu.memory_space<hbm>>) dst(%arg12 : memref<80x128xf32, #tpu.memory_space<vmem>>)
      %dma_start3A_442 = arith.constant 10 : i32
      %dma_start3A_443 = arith.constant 0 : i32
      %dma_start3A_444 = tpu.memref_slice %arg9[%dma_start3A_442, %dma_start3A_443] : memref<25x80xi32, #tpu.memory_space<vmem>> -> memref<1x80xi32, #tpu.memory_space<vmem>>
      %dma_start3A_445 = tpu.memref_squeeze %dma_start3A_444 : memref<1x80xi32, #tpu.memory_space<vmem>> -> memref<80xi32, #tpu.memory_space<vmem>>
      %dma_start3A_446 = arith.constant 0 : i32
      %dma_start3A_447 = arith.constant 0 : i32
      %dma_start3A_448 = tpu.memref_slice %arg14[%dma_start3A_446, %dma_start3A_447] : memref<10112x128xf32, #tpu.memory_space<vmem_shared>> -> memref<10112x128xf32, #tpu.memory_space<vmem_shared>>
      tpu.enqueue_indirect_dma source(%arg12 : memref<80x128xf32, #tpu.memory_space<vmem>>) target(%dma_start3A_448 : memref<10112x128xf32, #tpu.memory_space<vmem_shared>>) offsets(%dma_start3A_445 : memref<80xi32, #tpu.memory_space<vmem>>) semaphore(%arg20 : memref<!tpu.dma_semaphore, #tpu.memory_space<semaphore_mem>>) {add = true}
      %dma_start3A_449 = arith.constant 10 : i32
      %dma_start3A_450 = arith.constant 0 : i32
      %dma_start3A_451 = tpu.memref_slice %arg9[%dma_start3A_449, %dma_start3A_450] : memref<25x80xi32, #tpu.memory_space<vmem>> -> memref<1x80xi32, #tpu.memory_space<vmem>>
      %dma_start3A_452 = tpu.memref_squeeze %dma_start3A_451 : memref<1x80xi32, #tpu.memory_space<vmem>> -> memref<80xi32, #tpu.memory_space<vmem>>
      %dma_start3A_453 = arith.constant 0 : i32
      %dma_start3A_454 = arith.constant 0 : i32
      %dma_start3A_455 = tpu.memref_slice %arg15[%dma_start3A_453, %dma_start3A_454] : memref<10112x8xf32, #tpu.memory_space<vmem_shared>> -> memref<10112x8xf32, #tpu.memory_space<vmem_shared>>
      tpu.enqueue_indirect_dma source(%arg10 : memref<80x8xf32, #tpu.memory_space<vmem>>) target(%dma_start3A_455 : memref<10112x8xf32, #tpu.memory_space<vmem_shared>>) offsets(%dma_start3A_452 : memref<80xi32, #tpu.memory_space<vmem>>) semaphore(%arg22 : memref<!tpu.dma_semaphore, #tpu.memory_space<semaphore_mem>>) {add = true}
      %dma_wait3A_456 = arith.constant 9 : i32
      %dma_wait3A_457 = arith.constant 0 : i32
      %dma_wait3A_458 = tpu.memref_slice %arg9[%dma_wait3A_456, %dma_wait3A_457] : memref<25x80xi32, #tpu.memory_space<vmem>> -> memref<1x80xi32, #tpu.memory_space<vmem>>
      %dma_wait3A_459 = tpu.memref_squeeze %dma_wait3A_458 : memref<1x80xi32, #tpu.memory_space<vmem>> -> memref<80xi32, #tpu.memory_space<vmem>>
      %dma_wait3A_460 = arith.constant 0 : i32
      %dma_wait3A_461 = arith.constant 0 : i32
      %dma_wait3A_462 = tpu.memref_slice %arg15[%dma_wait3A_460, %dma_wait3A_461] : memref<10112x8xf32, #tpu.memory_space<vmem_shared>> -> memref<10112x8xf32, #tpu.memory_space<vmem_shared>>
      tpu.wait_indirect_dma semaphore(%arg22 : memref<!tpu.dma_semaphore, #tpu.memory_space<semaphore_mem>>) src(%arg10 : memref<80x8xf32, #tpu.memory_space<vmem>>) dst(%dma_wait3A_462 : memref<10112x8xf32, #tpu.memory_space<vmem_shared>>)
      %dma_wait3A_463 = arith.constant 9 : i32
      %dma_wait3A_464 = arith.constant 0 : i32
      %dma_wait3A_465 = tpu.memref_slice %arg9[%dma_wait3A_463, %dma_wait3A_464] : memref<25x80xi32, #tpu.memory_space<vmem>> -> memref<1x80xi32, #tpu.memory_space<vmem>>
      %dma_wait3A_466 = tpu.memref_squeeze %dma_wait3A_465 : memref<1x80xi32, #tpu.memory_space<vmem>> -> memref<80xi32, #tpu.memory_space<vmem>>
      %dma_wait3A_467 = arith.constant 0 : i32
      %dma_wait3A_468 = arith.constant 0 : i32
      %dma_wait3A_469 = tpu.memref_slice %arg14[%dma_wait3A_467, %dma_wait3A_468] : memref<10112x128xf32, #tpu.memory_space<vmem_shared>> -> memref<10112x128xf32, #tpu.memory_space<vmem_shared>>
      tpu.wait_indirect_dma semaphore(%arg19 : memref<!tpu.dma_semaphore, #tpu.memory_space<semaphore_mem>>) src(%arg11 : memref<80x128xf32, #tpu.memory_space<vmem>>) dst(%dma_wait3A_469 : memref<10112x128xf32, #tpu.memory_space<vmem_shared>>)
      %dma_start3A_470 = arith.constant 12 : i32
      %dma_start3A_471 = arith.constant 0 : i32
      %dma_start3A_472 = tpu.memref_slice %arg8[%dma_start3A_470, %dma_start3A_471] : memref<25x80xi32, #tpu.memory_space<vmem>> -> memref<1x80xi32, #tpu.memory_space<vmem>>
      %dma_start3A_473 = tpu.memref_squeeze %dma_start3A_472 : memref<1x80xi32, #tpu.memory_space<vmem>> -> memref<80xi32, #tpu.memory_space<vmem>>
      %dma_start3A_474 = arith.constant 0 : i32
      %dma_start3A_475 = arith.constant 0 : i32
      %dma_start3A_476 = tpu.memref_slice %arg2[%dma_start3A_474, %dma_start3A_475] : memref<10000x128xf32, #tpu.memory_space<hbm>> -> memref<10000x128xf32, #tpu.memory_space<hbm>>
      tpu.enqueue_indirect_dma source(%dma_start3A_476 : memref<10000x128xf32, #tpu.memory_space<hbm>>) target(%arg11 : memref<80x128xf32, #tpu.memory_space<vmem>>) offsets(%dma_start3A_473 : memref<80xi32, #tpu.memory_space<vmem>>) semaphore(%arg16 : memref<!tpu.dma_semaphore, #tpu.memory_space<semaphore_mem>>)
      %dma_wait3A_477 = arith.constant 11 : i32
      %dma_wait3A_478 = arith.constant 0 : i32
      %dma_wait3A_479 = tpu.memref_slice %arg8[%dma_wait3A_477, %dma_wait3A_478] : memref<25x80xi32, #tpu.memory_space<vmem>> -> memref<1x80xi32, #tpu.memory_space<vmem>>
      %dma_wait3A_480 = tpu.memref_squeeze %dma_wait3A_479 : memref<1x80xi32, #tpu.memory_space<vmem>> -> memref<80xi32, #tpu.memory_space<vmem>>
      %dma_wait3A_481 = arith.constant 0 : i32
      %dma_wait3A_482 = arith.constant 0 : i32
      %dma_wait3A_483 = tpu.memref_slice %arg2[%dma_wait3A_481, %dma_wait3A_482] : memref<10000x128xf32, #tpu.memory_space<hbm>> -> memref<10000x128xf32, #tpu.memory_space<hbm>>
      tpu.wait_indirect_dma semaphore(%arg18 : memref<!tpu.dma_semaphore, #tpu.memory_space<semaphore_mem>>) src(%dma_wait3A_483 : memref<10000x128xf32, #tpu.memory_space<hbm>>) dst(%arg13 : memref<80x128xf32, #tpu.memory_space<vmem>>)
      %dma_start3A_484 = arith.constant 11 : i32
      %dma_start3A_485 = arith.constant 0 : i32
      %dma_start3A_486 = tpu.memref_slice %arg9[%dma_start3A_484, %dma_start3A_485] : memref<25x80xi32, #tpu.memory_space<vmem>> -> memref<1x80xi32, #tpu.memory_space<vmem>>
      %dma_start3A_487 = tpu.memref_squeeze %dma_start3A_486 : memref<1x80xi32, #tpu.memory_space<vmem>> -> memref<80xi32, #tpu.memory_space<vmem>>
      %dma_start3A_488 = arith.constant 0 : i32
      %dma_start3A_489 = arith.constant 0 : i32
      %dma_start3A_490 = tpu.memref_slice %arg14[%dma_start3A_488, %dma_start3A_489] : memref<10112x128xf32, #tpu.memory_space<vmem_shared>> -> memref<10112x128xf32, #tpu.memory_space<vmem_shared>>
      tpu.enqueue_indirect_dma source(%arg13 : memref<80x128xf32, #tpu.memory_space<vmem>>) target(%dma_start3A_490 : memref<10112x128xf32, #tpu.memory_space<vmem_shared>>) offsets(%dma_start3A_487 : memref<80xi32, #tpu.memory_space<vmem>>) semaphore(%arg21 : memref<!tpu.dma_semaphore, #tpu.memory_space<semaphore_mem>>) {add = true}
      %dma_start3A_491 = arith.constant 11 : i32
      %dma_start3A_492 = arith.constant 0 : i32
      %dma_start3A_493 = tpu.memref_slice %arg9[%dma_start3A_491, %dma_start3A_492] : memref<25x80xi32, #tpu.memory_space<vmem>> -> memref<1x80xi32, #tpu.memory_space<vmem>>
      %dma_start3A_494 = tpu.memref_squeeze %dma_start3A_493 : memref<1x80xi32, #tpu.memory_space<vmem>> -> memref<80xi32, #tpu.memory_space<vmem>>
      %dma_start3A_495 = arith.constant 0 : i32
      %dma_start3A_496 = arith.constant 0 : i32
      %dma_start3A_497 = tpu.memref_slice %arg15[%dma_start3A_495, %dma_start3A_496] : memref<10112x8xf32, #tpu.memory_space<vmem_shared>> -> memref<10112x8xf32, #tpu.memory_space<vmem_shared>>
      tpu.enqueue_indirect_dma source(%arg10 : memref<80x8xf32, #tpu.memory_space<vmem>>) target(%dma_start3A_497 : memref<10112x8xf32, #tpu.memory_space<vmem_shared>>) offsets(%dma_start3A_494 : memref<80xi32, #tpu.memory_space<vmem>>) semaphore(%arg22 : memref<!tpu.dma_semaphore, #tpu.memory_space<semaphore_mem>>) {add = true}
      %dma_wait3A_498 = arith.constant 10 : i32
      %dma_wait3A_499 = arith.constant 0 : i32
      %dma_wait3A_500 = tpu.memref_slice %arg9[%dma_wait3A_498, %dma_wait3A_499] : memref<25x80xi32, #tpu.memory_space<vmem>> -> memref<1x80xi32, #tpu.memory_space<vmem>>
      %dma_wait3A_501 = tpu.memref_squeeze %dma_wait3A_500 : memref<1x80xi32, #tpu.memory_space<vmem>> -> memref<80xi32, #tpu.memory_space<vmem>>
      %dma_wait3A_502 = arith.constant 0 : i32
      %dma_wait3A_503 = arith.constant 0 : i32
      %dma_wait3A_504 = tpu.memref_slice %arg15[%dma_wait3A_502, %dma_wait3A_503] : memref<10112x8xf32, #tpu.memory_space<vmem_shared>> -> memref<10112x8xf32, #tpu.memory_space<vmem_shared>>
      tpu.wait_indirect_dma semaphore(%arg22 : memref<!tpu.dma_semaphore, #tpu.memory_space<semaphore_mem>>) src(%arg10 : memref<80x8xf32, #tpu.memory_space<vmem>>) dst(%dma_wait3A_504 : memref<10112x8xf32, #tpu.memory_space<vmem_shared>>)
      %dma_wait3A_505 = arith.constant 10 : i32
      %dma_wait3A_506 = arith.constant 0 : i32
      %dma_wait3A_507 = tpu.memref_slice %arg9[%dma_wait3A_505, %dma_wait3A_506] : memref<25x80xi32, #tpu.memory_space<vmem>> -> memref<1x80xi32, #tpu.memory_space<vmem>>
      %dma_wait3A_508 = tpu.memref_squeeze %dma_wait3A_507 : memref<1x80xi32, #tpu.memory_space<vmem>> -> memref<80xi32, #tpu.memory_space<vmem>>
      %dma_wait3A_509 = arith.constant 0 : i32
      %dma_wait3A_510 = arith.constant 0 : i32
      %dma_wait3A_511 = tpu.memref_slice %arg14[%dma_wait3A_509, %dma_wait3A_510] : memref<10112x128xf32, #tpu.memory_space<vmem_shared>> -> memref<10112x128xf32, #tpu.memory_space<vmem_shared>>
      tpu.wait_indirect_dma semaphore(%arg20 : memref<!tpu.dma_semaphore, #tpu.memory_space<semaphore_mem>>) src(%arg12 : memref<80x128xf32, #tpu.memory_space<vmem>>) dst(%dma_wait3A_511 : memref<10112x128xf32, #tpu.memory_space<vmem_shared>>)
      %dma_start3A_512 = arith.constant 13 : i32
      %dma_start3A_513 = arith.constant 0 : i32
      %dma_start3A_514 = tpu.memref_slice %arg8[%dma_start3A_512, %dma_start3A_513] : memref<25x80xi32, #tpu.memory_space<vmem>> -> memref<1x80xi32, #tpu.memory_space<vmem>>
      %dma_start3A_515 = tpu.memref_squeeze %dma_start3A_514 : memref<1x80xi32, #tpu.memory_space<vmem>> -> memref<80xi32, #tpu.memory_space<vmem>>
      %dma_start3A_516 = arith.constant 0 : i32
      %dma_start3A_517 = arith.constant 0 : i32
      %dma_start3A_518 = tpu.memref_slice %arg2[%dma_start3A_516, %dma_start3A_517] : memref<10000x128xf32, #tpu.memory_space<hbm>> -> memref<10000x128xf32, #tpu.memory_space<hbm>>
      tpu.enqueue_indirect_dma source(%dma_start3A_518 : memref<10000x128xf32, #tpu.memory_space<hbm>>) target(%arg12 : memref<80x128xf32, #tpu.memory_space<vmem>>) offsets(%dma_start3A_515 : memref<80xi32, #tpu.memory_space<vmem>>) semaphore(%arg17 : memref<!tpu.dma_semaphore, #tpu.memory_space<semaphore_mem>>)
      %dma_wait3A_519 = arith.constant 12 : i32
      %dma_wait3A_520 = arith.constant 0 : i32
      %dma_wait3A_521 = tpu.memref_slice %arg8[%dma_wait3A_519, %dma_wait3A_520] : memref<25x80xi32, #tpu.memory_space<vmem>> -> memref<1x80xi32, #tpu.memory_space<vmem>>
      %dma_wait3A_522 = tpu.memref_squeeze %dma_wait3A_521 : memref<1x80xi32, #tpu.memory_space<vmem>> -> memref<80xi32, #tpu.memory_space<vmem>>
      %dma_wait3A_523 = arith.constant 0 : i32
      %dma_wait3A_524 = arith.constant 0 : i32
      %dma_wait3A_525 = tpu.memref_slice %arg2[%dma_wait3A_523, %dma_wait3A_524] : memref<10000x128xf32, #tpu.memory_space<hbm>> -> memref<10000x128xf32, #tpu.memory_space<hbm>>
      tpu.wait_indirect_dma semaphore(%arg16 : memref<!tpu.dma_semaphore, #tpu.memory_space<semaphore_mem>>) src(%dma_wait3A_525 : memref<10000x128xf32, #tpu.memory_space<hbm>>) dst(%arg11 : memref<80x128xf32, #tpu.memory_space<vmem>>)
      %dma_start3A_526 = arith.constant 12 : i32
      %dma_start3A_527 = arith.constant 0 : i32
      %dma_start3A_528 = tpu.memref_slice %arg9[%dma_start3A_526, %dma_start3A_527] : memref<25x80xi32, #tpu.memory_space<vmem>> -> memref<1x80xi32, #tpu.memory_space<vmem>>
      %dma_start3A_529 = tpu.memref_squeeze %dma_start3A_528 : memref<1x80xi32, #tpu.memory_space<vmem>> -> memref<80xi32, #tpu.memory_space<vmem>>
      %dma_start3A_530 = arith.constant 0 : i32
      %dma_start3A_531 = arith.constant 0 : i32
      %dma_start3A_532 = tpu.memref_slice %arg14[%dma_start3A_530, %dma_start3A_531] : memref<10112x128xf32, #tpu.memory_space<vmem_shared>> -> memref<10112x128xf32, #tpu.memory_space<vmem_shared>>
      tpu.enqueue_indirect_dma source(%arg11 : memref<80x128xf32, #tpu.memory_space<vmem>>) target(%dma_start3A_532 : memref<10112x128xf32, #tpu.memory_space<vmem_shared>>) offsets(%dma_start3A_529 : memref<80xi32, #tpu.memory_space<vmem>>) semaphore(%arg19 : memref<!tpu.dma_semaphore, #tpu.memory_space<semaphore_mem>>) {add = true}
      %dma_start3A_533 = arith.constant 12 : i32
      %dma_start3A_534 = arith.constant 0 : i32
      %dma_start3A_535 = tpu.memref_slice %arg9[%dma_start3A_533, %dma_start3A_534] : memref<25x80xi32, #tpu.memory_space<vmem>> -> memref<1x80xi32, #tpu.memory_space<vmem>>
      %dma_start3A_536 = tpu.memref_squeeze %dma_start3A_535 : memref<1x80xi32, #tpu.memory_space<vmem>> -> memref<80xi32, #tpu.memory_space<vmem>>
      %dma_start3A_537 = arith.constant 0 : i32
      %dma_start3A_538 = arith.constant 0 : i32
      %dma_start3A_539 = tpu.memref_slice %arg15[%dma_start3A_537, %dma_start3A_538] : memref<10112x8xf32, #tpu.memory_space<vmem_shared>> -> memref<10112x8xf32, #tpu.memory_space<vmem_shared>>
      tpu.enqueue_indirect_dma source(%arg10 : memref<80x8xf32, #tpu.memory_space<vmem>>) target(%dma_start3A_539 : memref<10112x8xf32, #tpu.memory_space<vmem_shared>>) offsets(%dma_start3A_536 : memref<80xi32, #tpu.memory_space<vmem>>) semaphore(%arg22 : memref<!tpu.dma_semaphore, #tpu.memory_space<semaphore_mem>>) {add = true}
      %dma_wait3A_540 = arith.constant 11 : i32
      %dma_wait3A_541 = arith.constant 0 : i32
      %dma_wait3A_542 = tpu.memref_slice %arg9[%dma_wait3A_540, %dma_wait3A_541] : memref<25x80xi32, #tpu.memory_space<vmem>> -> memref<1x80xi32, #tpu.memory_space<vmem>>
      %dma_wait3A_543 = tpu.memref_squeeze %dma_wait3A_542 : memref<1x80xi32, #tpu.memory_space<vmem>> -> memref<80xi32, #tpu.memory_space<vmem>>
      %dma_wait3A_544 = arith.constant 0 : i32
      %dma_wait3A_545 = arith.constant 0 : i32
      %dma_wait3A_546 = tpu.memref_slice %arg15[%dma_wait3A_544, %dma_wait3A_545] : memref<10112x8xf32, #tpu.memory_space<vmem_shared>> -> memref<10112x8xf32, #tpu.memory_space<vmem_shared>>
      tpu.wait_indirect_dma semaphore(%arg22 : memref<!tpu.dma_semaphore, #tpu.memory_space<semaphore_mem>>) src(%arg10 : memref<80x8xf32, #tpu.memory_space<vmem>>) dst(%dma_wait3A_546 : memref<10112x8xf32, #tpu.memory_space<vmem_shared>>)
      %dma_wait3A_547 = arith.constant 11 : i32
      %dma_wait3A_548 = arith.constant 0 : i32
      %dma_wait3A_549 = tpu.memref_slice %arg9[%dma_wait3A_547, %dma_wait3A_548] : memref<25x80xi32, #tpu.memory_space<vmem>> -> memref<1x80xi32, #tpu.memory_space<vmem>>
      %dma_wait3A_550 = tpu.memref_squeeze %dma_wait3A_549 : memref<1x80xi32, #tpu.memory_space<vmem>> -> memref<80xi32, #tpu.memory_space<vmem>>
      %dma_wait3A_551 = arith.constant 0 : i32
      %dma_wait3A_552 = arith.constant 0 : i32
      %dma_wait3A_553 = tpu.memref_slice %arg14[%dma_wait3A_551, %dma_wait3A_552] : memref<10112x128xf32, #tpu.memory_space<vmem_shared>> -> memref<10112x128xf32, #tpu.memory_space<vmem_shared>>
      tpu.wait_indirect_dma semaphore(%arg21 : memref<!tpu.dma_semaphore, #tpu.memory_space<semaphore_mem>>) src(%arg13 : memref<80x128xf32, #tpu.memory_space<vmem>>) dst(%dma_wait3A_553 : memref<10112x128xf32, #tpu.memory_space<vmem_shared>>)
      %dma_start3A_554 = arith.constant 14 : i32
      %dma_start3A_555 = arith.constant 0 : i32
      %dma_start3A_556 = tpu.memref_slice %arg8[%dma_start3A_554, %dma_start3A_555] : memref<25x80xi32, #tpu.memory_space<vmem>> -> memref<1x80xi32, #tpu.memory_space<vmem>>
      %dma_start3A_557 = tpu.memref_squeeze %dma_start3A_556 : memref<1x80xi32, #tpu.memory_space<vmem>> -> memref<80xi32, #tpu.memory_space<vmem>>
      %dma_start3A_558 = arith.constant 0 : i32
      %dma_start3A_559 = arith.constant 0 : i32
      %dma_start3A_560 = tpu.memref_slice %arg2[%dma_start3A_558, %dma_start3A_559] : memref<10000x128xf32, #tpu.memory_space<hbm>> -> memref<10000x128xf32, #tpu.memory_space<hbm>>
      tpu.enqueue_indirect_dma source(%dma_start3A_560 : memref<10000x128xf32, #tpu.memory_space<hbm>>) target(%arg13 : memref<80x128xf32, #tpu.memory_space<vmem>>) offsets(%dma_start3A_557 : memref<80xi32, #tpu.memory_space<vmem>>) semaphore(%arg18 : memref<!tpu.dma_semaphore, #tpu.memory_space<semaphore_mem>>)
      %dma_wait3A_561 = arith.constant 13 : i32
      %dma_wait3A_562 = arith.constant 0 : i32
      %dma_wait3A_563 = tpu.memref_slice %arg8[%dma_wait3A_561, %dma_wait3A_562] : memref<25x80xi32, #tpu.memory_space<vmem>> -> memref<1x80xi32, #tpu.memory_space<vmem>>
      %dma_wait3A_564 = tpu.memref_squeeze %dma_wait3A_563 : memref<1x80xi32, #tpu.memory_space<vmem>> -> memref<80xi32, #tpu.memory_space<vmem>>
      %dma_wait3A_565 = arith.constant 0 : i32
      %dma_wait3A_566 = arith.constant 0 : i32
      %dma_wait3A_567 = tpu.memref_slice %arg2[%dma_wait3A_565, %dma_wait3A_566] : memref<10000x128xf32, #tpu.memory_space<hbm>> -> memref<10000x128xf32, #tpu.memory_space<hbm>>
      tpu.wait_indirect_dma semaphore(%arg17 : memref<!tpu.dma_semaphore, #tpu.memory_space<semaphore_mem>>) src(%dma_wait3A_567 : memref<10000x128xf32, #tpu.memory_space<hbm>>) dst(%arg12 : memref<80x128xf32, #tpu.memory_space<vmem>>)
      %dma_start3A_568 = arith.constant 13 : i32
      %dma_start3A_569 = arith.constant 0 : i32
      %dma_start3A_570 = tpu.memref_slice %arg9[%dma_start3A_568, %dma_start3A_569] : memref<25x80xi32, #tpu.memory_space<vmem>> -> memref<1x80xi32, #tpu.memory_space<vmem>>
      %dma_start3A_571 = tpu.memref_squeeze %dma_start3A_570 : memref<1x80xi32, #tpu.memory_space<vmem>> -> memref<80xi32, #tpu.memory_space<vmem>>
      %dma_start3A_572 = arith.constant 0 : i32
      %dma_start3A_573 = arith.constant 0 : i32
      %dma_start3A_574 = tpu.memref_slice %arg14[%dma_start3A_572, %dma_start3A_573] : memref<10112x128xf32, #tpu.memory_space<vmem_shared>> -> memref<10112x128xf32, #tpu.memory_space<vmem_shared>>
      tpu.enqueue_indirect_dma source(%arg12 : memref<80x128xf32, #tpu.memory_space<vmem>>) target(%dma_start3A_574 : memref<10112x128xf32, #tpu.memory_space<vmem_shared>>) offsets(%dma_start3A_571 : memref<80xi32, #tpu.memory_space<vmem>>) semaphore(%arg20 : memref<!tpu.dma_semaphore, #tpu.memory_space<semaphore_mem>>) {add = true}
      %dma_start3A_575 = arith.constant 13 : i32
      %dma_start3A_576 = arith.constant 0 : i32
      %dma_start3A_577 = tpu.memref_slice %arg9[%dma_start3A_575, %dma_start3A_576] : memref<25x80xi32, #tpu.memory_space<vmem>> -> memref<1x80xi32, #tpu.memory_space<vmem>>
      %dma_start3A_578 = tpu.memref_squeeze %dma_start3A_577 : memref<1x80xi32, #tpu.memory_space<vmem>> -> memref<80xi32, #tpu.memory_space<vmem>>
      %dma_start3A_579 = arith.constant 0 : i32
      %dma_start3A_580 = arith.constant 0 : i32
      %dma_start3A_581 = tpu.memref_slice %arg15[%dma_start3A_579, %dma_start3A_580] : memref<10112x8xf32, #tpu.memory_space<vmem_shared>> -> memref<10112x8xf32, #tpu.memory_space<vmem_shared>>
      tpu.enqueue_indirect_dma source(%arg10 : memref<80x8xf32, #tpu.memory_space<vmem>>) target(%dma_start3A_581 : memref<10112x8xf32, #tpu.memory_space<vmem_shared>>) offsets(%dma_start3A_578 : memref<80xi32, #tpu.memory_space<vmem>>) semaphore(%arg22 : memref<!tpu.dma_semaphore, #tpu.memory_space<semaphore_mem>>) {add = true}
      %dma_wait3A_582 = arith.constant 12 : i32
      %dma_wait3A_583 = arith.constant 0 : i32
      %dma_wait3A_584 = tpu.memref_slice %arg9[%dma_wait3A_582, %dma_wait3A_583] : memref<25x80xi32, #tpu.memory_space<vmem>> -> memref<1x80xi32, #tpu.memory_space<vmem>>
      %dma_wait3A_585 = tpu.memref_squeeze %dma_wait3A_584 : memref<1x80xi32, #tpu.memory_space<vmem>> -> memref<80xi32, #tpu.memory_space<vmem>>
      %dma_wait3A_586 = arith.constant 0 : i32
      %dma_wait3A_587 = arith.constant 0 : i32
      %dma_wait3A_588 = tpu.memref_slice %arg15[%dma_wait3A_586, %dma_wait3A_587] : memref<10112x8xf32, #tpu.memory_space<vmem_shared>> -> memref<10112x8xf32, #tpu.memory_space<vmem_shared>>
      tpu.wait_indirect_dma semaphore(%arg22 : memref<!tpu.dma_semaphore, #tpu.memory_space<semaphore_mem>>) src(%arg10 : memref<80x8xf32, #tpu.memory_space<vmem>>) dst(%dma_wait3A_588 : memref<10112x8xf32, #tpu.memory_space<vmem_shared>>)
      %dma_wait3A_589 = arith.constant 12 : i32
      %dma_wait3A_590 = arith.constant 0 : i32
      %dma_wait3A_591 = tpu.memref_slice %arg9[%dma_wait3A_589, %dma_wait3A_590] : memref<25x80xi32, #tpu.memory_space<vmem>> -> memref<1x80xi32, #tpu.memory_space<vmem>>
      %dma_wait3A_592 = tpu.memref_squeeze %dma_wait3A_591 : memref<1x80xi32, #tpu.memory_space<vmem>> -> memref<80xi32, #tpu.memory_space<vmem>>
      %dma_wait3A_593 = arith.constant 0 : i32
      %dma_wait3A_594 = arith.constant 0 : i32
      %dma_wait3A_595 = tpu.memref_slice %arg14[%dma_wait3A_593, %dma_wait3A_594] : memref<10112x128xf32, #tpu.memory_space<vmem_shared>> -> memref<10112x128xf32, #tpu.memory_space<vmem_shared>>
      tpu.wait_indirect_dma semaphore(%arg19 : memref<!tpu.dma_semaphore, #tpu.memory_space<semaphore_mem>>) src(%arg11 : memref<80x128xf32, #tpu.memory_space<vmem>>) dst(%dma_wait3A_595 : memref<10112x128xf32, #tpu.memory_space<vmem_shared>>)
      %dma_start3A_596 = arith.constant 15 : i32
      %dma_start3A_597 = arith.constant 0 : i32
      %dma_start3A_598 = tpu.memref_slice %arg8[%dma_start3A_596, %dma_start3A_597] : memref<25x80xi32, #tpu.memory_space<vmem>> -> memref<1x80xi32, #tpu.memory_space<vmem>>
      %dma_start3A_599 = tpu.memref_squeeze %dma_start3A_598 : memref<1x80xi32, #tpu.memory_space<vmem>> -> memref<80xi32, #tpu.memory_space<vmem>>
      %dma_start3A_600 = arith.constant 0 : i32
      %dma_start3A_601 = arith.constant 0 : i32
      %dma_start3A_602 = tpu.memref_slice %arg2[%dma_start3A_600, %dma_start3A_601] : memref<10000x128xf32, #tpu.memory_space<hbm>> -> memref<10000x128xf32, #tpu.memory_space<hbm>>
      tpu.enqueue_indirect_dma source(%dma_start3A_602 : memref<10000x128xf32, #tpu.memory_space<hbm>>) target(%arg11 : memref<80x128xf32, #tpu.memory_space<vmem>>) offsets(%dma_start3A_599 : memref<80xi32, #tpu.memory_space<vmem>>) semaphore(%arg16 : memref<!tpu.dma_semaphore, #tpu.memory_space<semaphore_mem>>)
      %dma_wait3A_603 = arith.constant 14 : i32
      %dma_wait3A_604 = arith.constant 0 : i32
      %dma_wait3A_605 = tpu.memref_slice %arg8[%dma_wait3A_603, %dma_wait3A_604] : memref<25x80xi32, #tpu.memory_space<vmem>> -> memref<1x80xi32, #tpu.memory_space<vmem>>
      %dma_wait3A_606 = tpu.memref_squeeze %dma_wait3A_605 : memref<1x80xi32, #tpu.memory_space<vmem>> -> memref<80xi32, #tpu.memory_space<vmem>>
      %dma_wait3A_607 = arith.constant 0 : i32
      %dma_wait3A_608 = arith.constant 0 : i32
      %dma_wait3A_609 = tpu.memref_slice %arg2[%dma_wait3A_607, %dma_wait3A_608] : memref<10000x128xf32, #tpu.memory_space<hbm>> -> memref<10000x128xf32, #tpu.memory_space<hbm>>
      tpu.wait_indirect_dma semaphore(%arg18 : memref<!tpu.dma_semaphore, #tpu.memory_space<semaphore_mem>>) src(%dma_wait3A_609 : memref<10000x128xf32, #tpu.memory_space<hbm>>) dst(%arg13 : memref<80x128xf32, #tpu.memory_space<vmem>>)
      %dma_start3A_610 = arith.constant 14 : i32
      %dma_start3A_611 = arith.constant 0 : i32
      %dma_start3A_612 = tpu.memref_slice %arg9[%dma_start3A_610, %dma_start3A_611] : memref<25x80xi32, #tpu.memory_space<vmem>> -> memref<1x80xi32, #tpu.memory_space<vmem>>
      %dma_start3A_613 = tpu.memref_squeeze %dma_start3A_612 : memref<1x80xi32, #tpu.memory_space<vmem>> -> memref<80xi32, #tpu.memory_space<vmem>>
      %dma_start3A_614 = arith.constant 0 : i32
      %dma_start3A_615 = arith.constant 0 : i32
      %dma_start3A_616 = tpu.memref_slice %arg14[%dma_start3A_614, %dma_start3A_615] : memref<10112x128xf32, #tpu.memory_space<vmem_shared>> -> memref<10112x128xf32, #tpu.memory_space<vmem_shared>>
      tpu.enqueue_indirect_dma source(%arg13 : memref<80x128xf32, #tpu.memory_space<vmem>>) target(%dma_start3A_616 : memref<10112x128xf32, #tpu.memory_space<vmem_shared>>) offsets(%dma_start3A_613 : memref<80xi32, #tpu.memory_space<vmem>>) semaphore(%arg21 : memref<!tpu.dma_semaphore, #tpu.memory_space<semaphore_mem>>) {add = true}
      %dma_start3A_617 = arith.constant 14 : i32
      %dma_start3A_618 = arith.constant 0 : i32
      %dma_start3A_619 = tpu.memref_slice %arg9[%dma_start3A_617, %dma_start3A_618] : memref<25x80xi32, #tpu.memory_space<vmem>> -> memref<1x80xi32, #tpu.memory_space<vmem>>
      %dma_start3A_620 = tpu.memref_squeeze %dma_start3A_619 : memref<1x80xi32, #tpu.memory_space<vmem>> -> memref<80xi32, #tpu.memory_space<vmem>>
      %dma_start3A_621 = arith.constant 0 : i32
      %dma_start3A_622 = arith.constant 0 : i32
      %dma_start3A_623 = tpu.memref_slice %arg15[%dma_start3A_621, %dma_start3A_622] : memref<10112x8xf32, #tpu.memory_space<vmem_shared>> -> memref<10112x8xf32, #tpu.memory_space<vmem_shared>>
      tpu.enqueue_indirect_dma source(%arg10 : memref<80x8xf32, #tpu.memory_space<vmem>>) target(%dma_start3A_623 : memref<10112x8xf32, #tpu.memory_space<vmem_shared>>) offsets(%dma_start3A_620 : memref<80xi32, #tpu.memory_space<vmem>>) semaphore(%arg22 : memref<!tpu.dma_semaphore, #tpu.memory_space<semaphore_mem>>) {add = true}
      %dma_wait3A_624 = arith.constant 13 : i32
      %dma_wait3A_625 = arith.constant 0 : i32
      %dma_wait3A_626 = tpu.memref_slice %arg9[%dma_wait3A_624, %dma_wait3A_625] : memref<25x80xi32, #tpu.memory_space<vmem>> -> memref<1x80xi32, #tpu.memory_space<vmem>>
      %dma_wait3A_627 = tpu.memref_squeeze %dma_wait3A_626 : memref<1x80xi32, #tpu.memory_space<vmem>> -> memref<80xi32, #tpu.memory_space<vmem>>
      %dma_wait3A_628 = arith.constant 0 : i32
      %dma_wait3A_629 = arith.constant 0 : i32
      %dma_wait3A_630 = tpu.memref_slice %arg15[%dma_wait3A_628, %dma_wait3A_629] : memref<10112x8xf32, #tpu.memory_space<vmem_shared>> -> memref<10112x8xf32, #tpu.memory_space<vmem_shared>>
      tpu.wait_indirect_dma semaphore(%arg22 : memref<!tpu.dma_semaphore, #tpu.memory_space<semaphore_mem>>) src(%arg10 : memref<80x8xf32, #tpu.memory_space<vmem>>) dst(%dma_wait3A_630 : memref<10112x8xf32, #tpu.memory_space<vmem_shared>>)
      %dma_wait3A_631 = arith.constant 13 : i32
      %dma_wait3A_632 = arith.constant 0 : i32
      %dma_wait3A_633 = tpu.memref_slice %arg9[%dma_wait3A_631, %dma_wait3A_632] : memref<25x80xi32, #tpu.memory_space<vmem>> -> memref<1x80xi32, #tpu.memory_space<vmem>>
      %dma_wait3A_634 = tpu.memref_squeeze %dma_wait3A_633 : memref<1x80xi32, #tpu.memory_space<vmem>> -> memref<80xi32, #tpu.memory_space<vmem>>
      %dma_wait3A_635 = arith.constant 0 : i32
      %dma_wait3A_636 = arith.constant 0 : i32
      %dma_wait3A_637 = tpu.memref_slice %arg14[%dma_wait3A_635, %dma_wait3A_636] : memref<10112x128xf32, #tpu.memory_space<vmem_shared>> -> memref<10112x128xf32, #tpu.memory_space<vmem_shared>>
      tpu.wait_indirect_dma semaphore(%arg20 : memref<!tpu.dma_semaphore, #tpu.memory_space<semaphore_mem>>) src(%arg12 : memref<80x128xf32, #tpu.memory_space<vmem>>) dst(%dma_wait3A_637 : memref<10112x128xf32, #tpu.memory_space<vmem_shared>>)
      %dma_start3A_638 = arith.constant 16 : i32
      %dma_start3A_639 = arith.constant 0 : i32
      %dma_start3A_640 = tpu.memref_slice %arg8[%dma_start3A_638, %dma_start3A_639] : memref<25x80xi32, #tpu.memory_space<vmem>> -> memref<1x80xi32, #tpu.memory_space<vmem>>
      %dma_start3A_641 = tpu.memref_squeeze %dma_start3A_640 : memref<1x80xi32, #tpu.memory_space<vmem>> -> memref<80xi32, #tpu.memory_space<vmem>>
      %dma_start3A_642 = arith.constant 0 : i32
      %dma_start3A_643 = arith.constant 0 : i32
      %dma_start3A_644 = tpu.memref_slice %arg2[%dma_start3A_642, %dma_start3A_643] : memref<10000x128xf32, #tpu.memory_space<hbm>> -> memref<10000x128xf32, #tpu.memory_space<hbm>>
      tpu.enqueue_indirect_dma source(%dma_start3A_644 : memref<10000x128xf32, #tpu.memory_space<hbm>>) target(%arg12 : memref<80x128xf32, #tpu.memory_space<vmem>>) offsets(%dma_start3A_641 : memref<80xi32, #tpu.memory_space<vmem>>) semaphore(%arg17 : memref<!tpu.dma_semaphore, #tpu.memory_space<semaphore_mem>>)
      %dma_wait3A_645 = arith.constant 15 : i32
      %dma_wait3A_646 = arith.constant 0 : i32
      %dma_wait3A_647 = tpu.memref_slice %arg8[%dma_wait3A_645, %dma_wait3A_646] : memref<25x80xi32, #tpu.memory_space<vmem>> -> memref<1x80xi32, #tpu.memory_space<vmem>>
      %dma_wait3A_648 = tpu.memref_squeeze %dma_wait3A_647 : memref<1x80xi32, #tpu.memory_space<vmem>> -> memref<80xi32, #tpu.memory_space<vmem>>
      %dma_wait3A_649 = arith.constant 0 : i32
      %dma_wait3A_650 = arith.constant 0 : i32
      %dma_wait3A_651 = tpu.memref_slice %arg2[%dma_wait3A_649, %dma_wait3A_650] : memref<10000x128xf32, #tpu.memory_space<hbm>> -> memref<10000x128xf32, #tpu.memory_space<hbm>>
      tpu.wait_indirect_dma semaphore(%arg16 : memref<!tpu.dma_semaphore, #tpu.memory_space<semaphore_mem>>) src(%dma_wait3A_651 : memref<10000x128xf32, #tpu.memory_space<hbm>>) dst(%arg11 : memref<80x128xf32, #tpu.memory_space<vmem>>)
      %dma_start3A_652 = arith.constant 15 : i32
      %dma_start3A_653 = arith.constant 0 : i32
      %dma_start3A_654 = tpu.memref_slice %arg9[%dma_start3A_652, %dma_start3A_653] : memref<25x80xi32, #tpu.memory_space<vmem>> -> memref<1x80xi32, #tpu.memory_space<vmem>>
      %dma_start3A_655 = tpu.memref_squeeze %dma_start3A_654 : memref<1x80xi32, #tpu.memory_space<vmem>> -> memref<80xi32, #tpu.memory_space<vmem>>
      %dma_start3A_656 = arith.constant 0 : i32
      %dma_start3A_657 = arith.constant 0 : i32
      %dma_start3A_658 = tpu.memref_slice %arg14[%dma_start3A_656, %dma_start3A_657] : memref<10112x128xf32, #tpu.memory_space<vmem_shared>> -> memref<10112x128xf32, #tpu.memory_space<vmem_shared>>
      tpu.enqueue_indirect_dma source(%arg11 : memref<80x128xf32, #tpu.memory_space<vmem>>) target(%dma_start3A_658 : memref<10112x128xf32, #tpu.memory_space<vmem_shared>>) offsets(%dma_start3A_655 : memref<80xi32, #tpu.memory_space<vmem>>) semaphore(%arg19 : memref<!tpu.dma_semaphore, #tpu.memory_space<semaphore_mem>>) {add = true}
      %dma_start3A_659 = arith.constant 15 : i32
      %dma_start3A_660 = arith.constant 0 : i32
      %dma_start3A_661 = tpu.memref_slice %arg9[%dma_start3A_659, %dma_start3A_660] : memref<25x80xi32, #tpu.memory_space<vmem>> -> memref<1x80xi32, #tpu.memory_space<vmem>>
      %dma_start3A_662 = tpu.memref_squeeze %dma_start3A_661 : memref<1x80xi32, #tpu.memory_space<vmem>> -> memref<80xi32, #tpu.memory_space<vmem>>
      %dma_start3A_663 = arith.constant 0 : i32
      %dma_start3A_664 = arith.constant 0 : i32
      %dma_start3A_665 = tpu.memref_slice %arg15[%dma_start3A_663, %dma_start3A_664] : memref<10112x8xf32, #tpu.memory_space<vmem_shared>> -> memref<10112x8xf32, #tpu.memory_space<vmem_shared>>
      tpu.enqueue_indirect_dma source(%arg10 : memref<80x8xf32, #tpu.memory_space<vmem>>) target(%dma_start3A_665 : memref<10112x8xf32, #tpu.memory_space<vmem_shared>>) offsets(%dma_start3A_662 : memref<80xi32, #tpu.memory_space<vmem>>) semaphore(%arg22 : memref<!tpu.dma_semaphore, #tpu.memory_space<semaphore_mem>>) {add = true}
      %dma_wait3A_666 = arith.constant 14 : i32
      %dma_wait3A_667 = arith.constant 0 : i32
      %dma_wait3A_668 = tpu.memref_slice %arg9[%dma_wait3A_666, %dma_wait3A_667] : memref<25x80xi32, #tpu.memory_space<vmem>> -> memref<1x80xi32, #tpu.memory_space<vmem>>
      %dma_wait3A_669 = tpu.memref_squeeze %dma_wait3A_668 : memref<1x80xi32, #tpu.memory_space<vmem>> -> memref<80xi32, #tpu.memory_space<vmem>>
      %dma_wait3A_670 = arith.constant 0 : i32
      %dma_wait3A_671 = arith.constant 0 : i32
      %dma_wait3A_672 = tpu.memref_slice %arg15[%dma_wait3A_670, %dma_wait3A_671] : memref<10112x8xf32, #tpu.memory_space<vmem_shared>> -> memref<10112x8xf32, #tpu.memory_space<vmem_shared>>
      tpu.wait_indirect_dma semaphore(%arg22 : memref<!tpu.dma_semaphore, #tpu.memory_space<semaphore_mem>>) src(%arg10 : memref<80x8xf32, #tpu.memory_space<vmem>>) dst(%dma_wait3A_672 : memref<10112x8xf32, #tpu.memory_space<vmem_shared>>)
      %dma_wait3A_673 = arith.constant 14 : i32
      %dma_wait3A_674 = arith.constant 0 : i32
      %dma_wait3A_675 = tpu.memref_slice %arg9[%dma_wait3A_673, %dma_wait3A_674] : memref<25x80xi32, #tpu.memory_space<vmem>> -> memref<1x80xi32, #tpu.memory_space<vmem>>
      %dma_wait3A_676 = tpu.memref_squeeze %dma_wait3A_675 : memref<1x80xi32, #tpu.memory_space<vmem>> -> memref<80xi32, #tpu.memory_space<vmem>>
      %dma_wait3A_677 = arith.constant 0 : i32
      %dma_wait3A_678 = arith.constant 0 : i32
      %dma_wait3A_679 = tpu.memref_slice %arg14[%dma_wait3A_677, %dma_wait3A_678] : memref<10112x128xf32, #tpu.memory_space<vmem_shared>> -> memref<10112x128xf32, #tpu.memory_space<vmem_shared>>
      tpu.wait_indirect_dma semaphore(%arg21 : memref<!tpu.dma_semaphore, #tpu.memory_space<semaphore_mem>>) src(%arg13 : memref<80x128xf32, #tpu.memory_space<vmem>>) dst(%dma_wait3A_679 : memref<10112x128xf32, #tpu.memory_space<vmem_shared>>)
      %dma_start3A_680 = arith.constant 17 : i32
      %dma_start3A_681 = arith.constant 0 : i32
      %dma_start3A_682 = tpu.memref_slice %arg8[%dma_start3A_680, %dma_start3A_681] : memref<25x80xi32, #tpu.memory_space<vmem>> -> memref<1x80xi32, #tpu.memory_space<vmem>>
      %dma_start3A_683 = tpu.memref_squeeze %dma_start3A_682 : memref<1x80xi32, #tpu.memory_space<vmem>> -> memref<80xi32, #tpu.memory_space<vmem>>
      %dma_start3A_684 = arith.constant 0 : i32
      %dma_start3A_685 = arith.constant 0 : i32
      %dma_start3A_686 = tpu.memref_slice %arg2[%dma_start3A_684, %dma_start3A_685] : memref<10000x128xf32, #tpu.memory_space<hbm>> -> memref<10000x128xf32, #tpu.memory_space<hbm>>
      tpu.enqueue_indirect_dma source(%dma_start3A_686 : memref<10000x128xf32, #tpu.memory_space<hbm>>) target(%arg13 : memref<80x128xf32, #tpu.memory_space<vmem>>) offsets(%dma_start3A_683 : memref<80xi32, #tpu.memory_space<vmem>>) semaphore(%arg18 : memref<!tpu.dma_semaphore, #tpu.memory_space<semaphore_mem>>)
      %dma_wait3A_687 = arith.constant 16 : i32
      %dma_wait3A_688 = arith.constant 0 : i32
      %dma_wait3A_689 = tpu.memref_slice %arg8[%dma_wait3A_687, %dma_wait3A_688] : memref<25x80xi32, #tpu.memory_space<vmem>> -> memref<1x80xi32, #tpu.memory_space<vmem>>
      %dma_wait3A_690 = tpu.memref_squeeze %dma_wait3A_689 : memref<1x80xi32, #tpu.memory_space<vmem>> -> memref<80xi32, #tpu.memory_space<vmem>>
      %dma_wait3A_691 = arith.constant 0 : i32
      %dma_wait3A_692 = arith.constant 0 : i32
      %dma_wait3A_693 = tpu.memref_slice %arg2[%dma_wait3A_691, %dma_wait3A_692] : memref<10000x128xf32, #tpu.memory_space<hbm>> -> memref<10000x128xf32, #tpu.memory_space<hbm>>
      tpu.wait_indirect_dma semaphore(%arg17 : memref<!tpu.dma_semaphore, #tpu.memory_space<semaphore_mem>>) src(%dma_wait3A_693 : memref<10000x128xf32, #tpu.memory_space<hbm>>) dst(%arg12 : memref<80x128xf32, #tpu.memory_space<vmem>>)
      %dma_start3A_694 = arith.constant 16 : i32
      %dma_start3A_695 = arith.constant 0 : i32
      %dma_start3A_696 = tpu.memref_slice %arg9[%dma_start3A_694, %dma_start3A_695] : memref<25x80xi32, #tpu.memory_space<vmem>> -> memref<1x80xi32, #tpu.memory_space<vmem>>
      %dma_start3A_697 = tpu.memref_squeeze %dma_start3A_696 : memref<1x80xi32, #tpu.memory_space<vmem>> -> memref<80xi32, #tpu.memory_space<vmem>>
      %dma_start3A_698 = arith.constant 0 : i32
      %dma_start3A_699 = arith.constant 0 : i32
      %dma_start3A_700 = tpu.memref_slice %arg14[%dma_start3A_698, %dma_start3A_699] : memref<10112x128xf32, #tpu.memory_space<vmem_shared>> -> memref<10112x128xf32, #tpu.memory_space<vmem_shared>>
      tpu.enqueue_indirect_dma source(%arg12 : memref<80x128xf32, #tpu.memory_space<vmem>>) target(%dma_start3A_700 : memref<10112x128xf32, #tpu.memory_space<vmem_shared>>) offsets(%dma_start3A_697 : memref<80xi32, #tpu.memory_space<vmem>>) semaphore(%arg20 : memref<!tpu.dma_semaphore, #tpu.memory_space<semaphore_mem>>) {add = true}
      %dma_start3A_701 = arith.constant 16 : i32
      %dma_start3A_702 = arith.constant 0 : i32
      %dma_start3A_703 = tpu.memref_slice %arg9[%dma_start3A_701, %dma_start3A_702] : memref<25x80xi32, #tpu.memory_space<vmem>> -> memref<1x80xi32, #tpu.memory_space<vmem>>
      %dma_start3A_704 = tpu.memref_squeeze %dma_start3A_703 : memref<1x80xi32, #tpu.memory_space<vmem>> -> memref<80xi32, #tpu.memory_space<vmem>>
      %dma_start3A_705 = arith.constant 0 : i32
      %dma_start3A_706 = arith.constant 0 : i32
      %dma_start3A_707 = tpu.memref_slice %arg15[%dma_start3A_705, %dma_start3A_706] : memref<10112x8xf32, #tpu.memory_space<vmem_shared>> -> memref<10112x8xf32, #tpu.memory_space<vmem_shared>>
      tpu.enqueue_indirect_dma source(%arg10 : memref<80x8xf32, #tpu.memory_space<vmem>>) target(%dma_start3A_707 : memref<10112x8xf32, #tpu.memory_space<vmem_shared>>) offsets(%dma_start3A_704 : memref<80xi32, #tpu.memory_space<vmem>>) semaphore(%arg22 : memref<!tpu.dma_semaphore, #tpu.memory_space<semaphore_mem>>) {add = true}
      %dma_wait3A_708 = arith.constant 15 : i32
      %dma_wait3A_709 = arith.constant 0 : i32
      %dma_wait3A_710 = tpu.memref_slice %arg9[%dma_wait3A_708, %dma_wait3A_709] : memref<25x80xi32, #tpu.memory_space<vmem>> -> memref<1x80xi32, #tpu.memory_space<vmem>>
      %dma_wait3A_711 = tpu.memref_squeeze %dma_wait3A_710 : memref<1x80xi32, #tpu.memory_space<vmem>> -> memref<80xi32, #tpu.memory_space<vmem>>
      %dma_wait3A_712 = arith.constant 0 : i32
      %dma_wait3A_713 = arith.constant 0 : i32
      %dma_wait3A_714 = tpu.memref_slice %arg15[%dma_wait3A_712, %dma_wait3A_713] : memref<10112x8xf32, #tpu.memory_space<vmem_shared>> -> memref<10112x8xf32, #tpu.memory_space<vmem_shared>>
      tpu.wait_indirect_dma semaphore(%arg22 : memref<!tpu.dma_semaphore, #tpu.memory_space<semaphore_mem>>) src(%arg10 : memref<80x8xf32, #tpu.memory_space<vmem>>) dst(%dma_wait3A_714 : memref<10112x8xf32, #tpu.memory_space<vmem_shared>>)
      %dma_wait3A_715 = arith.constant 15 : i32
      %dma_wait3A_716 = arith.constant 0 : i32
      %dma_wait3A_717 = tpu.memref_slice %arg9[%dma_wait3A_715, %dma_wait3A_716] : memref<25x80xi32, #tpu.memory_space<vmem>> -> memref<1x80xi32, #tpu.memory_space<vmem>>
      %dma_wait3A_718 = tpu.memref_squeeze %dma_wait3A_717 : memref<1x80xi32, #tpu.memory_space<vmem>> -> memref<80xi32, #tpu.memory_space<vmem>>
      %dma_wait3A_719 = arith.constant 0 : i32
      %dma_wait3A_720 = arith.constant 0 : i32
      %dma_wait3A_721 = tpu.memref_slice %arg14[%dma_wait3A_719, %dma_wait3A_720] : memref<10112x128xf32, #tpu.memory_space<vmem_shared>> -> memref<10112x128xf32, #tpu.memory_space<vmem_shared>>
      tpu.wait_indirect_dma semaphore(%arg19 : memref<!tpu.dma_semaphore, #tpu.memory_space<semaphore_mem>>) src(%arg11 : memref<80x128xf32, #tpu.memory_space<vmem>>) dst(%dma_wait3A_721 : memref<10112x128xf32, #tpu.memory_space<vmem_shared>>)
      %dma_start3A_722 = arith.constant 18 : i32
      %dma_start3A_723 = arith.constant 0 : i32
      %dma_start3A_724 = tpu.memref_slice %arg8[%dma_start3A_722, %dma_start3A_723] : memref<25x80xi32, #tpu.memory_space<vmem>> -> memref<1x80xi32, #tpu.memory_space<vmem>>
      %dma_start3A_725 = tpu.memref_squeeze %dma_start3A_724 : memref<1x80xi32, #tpu.memory_space<vmem>> -> memref<80xi32, #tpu.memory_space<vmem>>
      %dma_start3A_726 = arith.constant 0 : i32
      %dma_start3A_727 = arith.constant 0 : i32
      %dma_start3A_728 = tpu.memref_slice %arg2[%dma_start3A_726, %dma_start3A_727] : memref<10000x128xf32, #tpu.memory_space<hbm>> -> memref<10000x128xf32, #tpu.memory_space<hbm>>
      tpu.enqueue_indirect_dma source(%dma_start3A_728 : memref<10000x128xf32, #tpu.memory_space<hbm>>) target(%arg11 : memref<80x128xf32, #tpu.memory_space<vmem>>) offsets(%dma_start3A_725 : memref<80xi32, #tpu.memory_space<vmem>>) semaphore(%arg16 : memref<!tpu.dma_semaphore, #tpu.memory_space<semaphore_mem>>)
      %dma_wait3A_729 = arith.constant 17 : i32
      %dma_wait3A_730 = arith.constant 0 : i32
      %dma_wait3A_731 = tpu.memref_slice %arg8[%dma_wait3A_729, %dma_wait3A_730] : memref<25x80xi32, #tpu.memory_space<vmem>> -> memref<1x80xi32, #tpu.memory_space<vmem>>
      %dma_wait3A_732 = tpu.memref_squeeze %dma_wait3A_731 : memref<1x80xi32, #tpu.memory_space<vmem>> -> memref<80xi32, #tpu.memory_space<vmem>>
      %dma_wait3A_733 = arith.constant 0 : i32
      %dma_wait3A_734 = arith.constant 0 : i32
      %dma_wait3A_735 = tpu.memref_slice %arg2[%dma_wait3A_733, %dma_wait3A_734] : memref<10000x128xf32, #tpu.memory_space<hbm>> -> memref<10000x128xf32, #tpu.memory_space<hbm>>
      tpu.wait_indirect_dma semaphore(%arg18 : memref<!tpu.dma_semaphore, #tpu.memory_space<semaphore_mem>>) src(%dma_wait3A_735 : memref<10000x128xf32, #tpu.memory_space<hbm>>) dst(%arg13 : memref<80x128xf32, #tpu.memory_space<vmem>>)
      %dma_start3A_736 = arith.constant 17 : i32
      %dma_start3A_737 = arith.constant 0 : i32
      %dma_start3A_738 = tpu.memref_slice %arg9[%dma_start3A_736, %dma_start3A_737] : memref<25x80xi32, #tpu.memory_space<vmem>> -> memref<1x80xi32, #tpu.memory_space<vmem>>
      %dma_start3A_739 = tpu.memref_squeeze %dma_start3A_738 : memref<1x80xi32, #tpu.memory_space<vmem>> -> memref<80xi32, #tpu.memory_space<vmem>>
      %dma_start3A_740 = arith.constant 0 : i32
      %dma_start3A_741 = arith.constant 0 : i32
      %dma_start3A_742 = tpu.memref_slice %arg14[%dma_start3A_740, %dma_start3A_741] : memref<10112x128xf32, #tpu.memory_space<vmem_shared>> -> memref<10112x128xf32, #tpu.memory_space<vmem_shared>>
      tpu.enqueue_indirect_dma source(%arg13 : memref<80x128xf32, #tpu.memory_space<vmem>>) target(%dma_start3A_742 : memref<10112x128xf32, #tpu.memory_space<vmem_shared>>) offsets(%dma_start3A_739 : memref<80xi32, #tpu.memory_space<vmem>>) semaphore(%arg21 : memref<!tpu.dma_semaphore, #tpu.memory_space<semaphore_mem>>) {add = true}
      %dma_start3A_743 = arith.constant 17 : i32
      %dma_start3A_744 = arith.constant 0 : i32
      %dma_start3A_745 = tpu.memref_slice %arg9[%dma_start3A_743, %dma_start3A_744] : memref<25x80xi32, #tpu.memory_space<vmem>> -> memref<1x80xi32, #tpu.memory_space<vmem>>
      %dma_start3A_746 = tpu.memref_squeeze %dma_start3A_745 : memref<1x80xi32, #tpu.memory_space<vmem>> -> memref<80xi32, #tpu.memory_space<vmem>>
      %dma_start3A_747 = arith.constant 0 : i32
      %dma_start3A_748 = arith.constant 0 : i32
      %dma_start3A_749 = tpu.memref_slice %arg15[%dma_start3A_747, %dma_start3A_748] : memref<10112x8xf32, #tpu.memory_space<vmem_shared>> -> memref<10112x8xf32, #tpu.memory_space<vmem_shared>>
      tpu.enqueue_indirect_dma source(%arg10 : memref<80x8xf32, #tpu.memory_space<vmem>>) target(%dma_start3A_749 : memref<10112x8xf32, #tpu.memory_space<vmem_shared>>) offsets(%dma_start3A_746 : memref<80xi32, #tpu.memory_space<vmem>>) semaphore(%arg22 : memref<!tpu.dma_semaphore, #tpu.memory_space<semaphore_mem>>) {add = true}
      %dma_wait3A_750 = arith.constant 16 : i32
      %dma_wait3A_751 = arith.constant 0 : i32
      %dma_wait3A_752 = tpu.memref_slice %arg9[%dma_wait3A_750, %dma_wait3A_751] : memref<25x80xi32, #tpu.memory_space<vmem>> -> memref<1x80xi32, #tpu.memory_space<vmem>>
      %dma_wait3A_753 = tpu.memref_squeeze %dma_wait3A_752 : memref<1x80xi32, #tpu.memory_space<vmem>> -> memref<80xi32, #tpu.memory_space<vmem>>
      %dma_wait3A_754 = arith.constant 0 : i32
      %dma_wait3A_755 = arith.constant 0 : i32
      %dma_wait3A_756 = tpu.memref_slice %arg15[%dma_wait3A_754, %dma_wait3A_755] : memref<10112x8xf32, #tpu.memory_space<vmem_shared>> -> memref<10112x8xf32, #tpu.memory_space<vmem_shared>>
      tpu.wait_indirect_dma semaphore(%arg22 : memref<!tpu.dma_semaphore, #tpu.memory_space<semaphore_mem>>) src(%arg10 : memref<80x8xf32, #tpu.memory_space<vmem>>) dst(%dma_wait3A_756 : memref<10112x8xf32, #tpu.memory_space<vmem_shared>>)
      %dma_wait3A_757 = arith.constant 16 : i32
      %dma_wait3A_758 = arith.constant 0 : i32
      %dma_wait3A_759 = tpu.memref_slice %arg9[%dma_wait3A_757, %dma_wait3A_758] : memref<25x80xi32, #tpu.memory_space<vmem>> -> memref<1x80xi32, #tpu.memory_space<vmem>>
      %dma_wait3A_760 = tpu.memref_squeeze %dma_wait3A_759 : memref<1x80xi32, #tpu.memory_space<vmem>> -> memref<80xi32, #tpu.memory_space<vmem>>
      %dma_wait3A_761 = arith.constant 0 : i32
      %dma_wait3A_762 = arith.constant 0 : i32
      %dma_wait3A_763 = tpu.memref_slice %arg14[%dma_wait3A_761, %dma_wait3A_762] : memref<10112x128xf32, #tpu.memory_space<vmem_shared>> -> memref<10112x128xf32, #tpu.memory_space<vmem_shared>>
      tpu.wait_indirect_dma semaphore(%arg20 : memref<!tpu.dma_semaphore, #tpu.memory_space<semaphore_mem>>) src(%arg12 : memref<80x128xf32, #tpu.memory_space<vmem>>) dst(%dma_wait3A_763 : memref<10112x128xf32, #tpu.memory_space<vmem_shared>>)
      %dma_start3A_764 = arith.constant 19 : i32
      %dma_start3A_765 = arith.constant 0 : i32
      %dma_start3A_766 = tpu.memref_slice %arg8[%dma_start3A_764, %dma_start3A_765] : memref<25x80xi32, #tpu.memory_space<vmem>> -> memref<1x80xi32, #tpu.memory_space<vmem>>
      %dma_start3A_767 = tpu.memref_squeeze %dma_start3A_766 : memref<1x80xi32, #tpu.memory_space<vmem>> -> memref<80xi32, #tpu.memory_space<vmem>>
      %dma_start3A_768 = arith.constant 0 : i32
      %dma_start3A_769 = arith.constant 0 : i32
      %dma_start3A_770 = tpu.memref_slice %arg2[%dma_start3A_768, %dma_start3A_769] : memref<10000x128xf32, #tpu.memory_space<hbm>> -> memref<10000x128xf32, #tpu.memory_space<hbm>>
      tpu.enqueue_indirect_dma source(%dma_start3A_770 : memref<10000x128xf32, #tpu.memory_space<hbm>>) target(%arg12 : memref<80x128xf32, #tpu.memory_space<vmem>>) offsets(%dma_start3A_767 : memref<80xi32, #tpu.memory_space<vmem>>) semaphore(%arg17 : memref<!tpu.dma_semaphore, #tpu.memory_space<semaphore_mem>>)
      %dma_wait3A_771 = arith.constant 18 : i32
      %dma_wait3A_772 = arith.constant 0 : i32
      %dma_wait3A_773 = tpu.memref_slice %arg8[%dma_wait3A_771, %dma_wait3A_772] : memref<25x80xi32, #tpu.memory_space<vmem>> -> memref<1x80xi32, #tpu.memory_space<vmem>>
      %dma_wait3A_774 = tpu.memref_squeeze %dma_wait3A_773 : memref<1x80xi32, #tpu.memory_space<vmem>> -> memref<80xi32, #tpu.memory_space<vmem>>
      %dma_wait3A_775 = arith.constant 0 : i32
      %dma_wait3A_776 = arith.constant 0 : i32
      %dma_wait3A_777 = tpu.memref_slice %arg2[%dma_wait3A_775, %dma_wait3A_776] : memref<10000x128xf32, #tpu.memory_space<hbm>> -> memref<10000x128xf32, #tpu.memory_space<hbm>>
      tpu.wait_indirect_dma semaphore(%arg16 : memref<!tpu.dma_semaphore, #tpu.memory_space<semaphore_mem>>) src(%dma_wait3A_777 : memref<10000x128xf32, #tpu.memory_space<hbm>>) dst(%arg11 : memref<80x128xf32, #tpu.memory_space<vmem>>)
      %dma_start3A_778 = arith.constant 18 : i32
      %dma_start3A_779 = arith.constant 0 : i32
      %dma_start3A_780 = tpu.memref_slice %arg9[%dma_start3A_778, %dma_start3A_779] : memref<25x80xi32, #tpu.memory_space<vmem>> -> memref<1x80xi32, #tpu.memory_space<vmem>>
      %dma_start3A_781 = tpu.memref_squeeze %dma_start3A_780 : memref<1x80xi32, #tpu.memory_space<vmem>> -> memref<80xi32, #tpu.memory_space<vmem>>
      %dma_start3A_782 = arith.constant 0 : i32
      %dma_start3A_783 = arith.constant 0 : i32
      %dma_start3A_784 = tpu.memref_slice %arg14[%dma_start3A_782, %dma_start3A_783] : memref<10112x128xf32, #tpu.memory_space<vmem_shared>> -> memref<10112x128xf32, #tpu.memory_space<vmem_shared>>
      tpu.enqueue_indirect_dma source(%arg11 : memref<80x128xf32, #tpu.memory_space<vmem>>) target(%dma_start3A_784 : memref<10112x128xf32, #tpu.memory_space<vmem_shared>>) offsets(%dma_start3A_781 : memref<80xi32, #tpu.memory_space<vmem>>) semaphore(%arg19 : memref<!tpu.dma_semaphore, #tpu.memory_space<semaphore_mem>>) {add = true}
      %dma_start3A_785 = arith.constant 18 : i32
      %dma_start3A_786 = arith.constant 0 : i32
      %dma_start3A_787 = tpu.memref_slice %arg9[%dma_start3A_785, %dma_start3A_786] : memref<25x80xi32, #tpu.memory_space<vmem>> -> memref<1x80xi32, #tpu.memory_space<vmem>>
      %dma_start3A_788 = tpu.memref_squeeze %dma_start3A_787 : memref<1x80xi32, #tpu.memory_space<vmem>> -> memref<80xi32, #tpu.memory_space<vmem>>
      %dma_start3A_789 = arith.constant 0 : i32
      %dma_start3A_790 = arith.constant 0 : i32
      %dma_start3A_791 = tpu.memref_slice %arg15[%dma_start3A_789, %dma_start3A_790] : memref<10112x8xf32, #tpu.memory_space<vmem_shared>> -> memref<10112x8xf32, #tpu.memory_space<vmem_shared>>
      tpu.enqueue_indirect_dma source(%arg10 : memref<80x8xf32, #tpu.memory_space<vmem>>) target(%dma_start3A_791 : memref<10112x8xf32, #tpu.memory_space<vmem_shared>>) offsets(%dma_start3A_788 : memref<80xi32, #tpu.memory_space<vmem>>) semaphore(%arg22 : memref<!tpu.dma_semaphore, #tpu.memory_space<semaphore_mem>>) {add = true}
      %dma_wait3A_792 = arith.constant 17 : i32
      %dma_wait3A_793 = arith.constant 0 : i32
      %dma_wait3A_794 = tpu.memref_slice %arg9[%dma_wait3A_792, %dma_wait3A_793] : memref<25x80xi32, #tpu.memory_space<vmem>> -> memref<1x80xi32, #tpu.memory_space<vmem>>
      %dma_wait3A_795 = tpu.memref_squeeze %dma_wait3A_794 : memref<1x80xi32, #tpu.memory_space<vmem>> -> memref<80xi32, #tpu.memory_space<vmem>>
      %dma_wait3A_796 = arith.constant 0 : i32
      %dma_wait3A_797 = arith.constant 0 : i32
      %dma_wait3A_798 = tpu.memref_slice %arg15[%dma_wait3A_796, %dma_wait3A_797] : memref<10112x8xf32, #tpu.memory_space<vmem_shared>> -> memref<10112x8xf32, #tpu.memory_space<vmem_shared>>
      tpu.wait_indirect_dma semaphore(%arg22 : memref<!tpu.dma_semaphore, #tpu.memory_space<semaphore_mem>>) src(%arg10 : memref<80x8xf32, #tpu.memory_space<vmem>>) dst(%dma_wait3A_798 : memref<10112x8xf32, #tpu.memory_space<vmem_shared>>)
      %dma_wait3A_799 = arith.constant 17 : i32
      %dma_wait3A_800 = arith.constant 0 : i32
      %dma_wait3A_801 = tpu.memref_slice %arg9[%dma_wait3A_799, %dma_wait3A_800] : memref<25x80xi32, #tpu.memory_space<vmem>> -> memref<1x80xi32, #tpu.memory_space<vmem>>
      %dma_wait3A_802 = tpu.memref_squeeze %dma_wait3A_801 : memref<1x80xi32, #tpu.memory_space<vmem>> -> memref<80xi32, #tpu.memory_space<vmem>>
      %dma_wait3A_803 = arith.constant 0 : i32
      %dma_wait3A_804 = arith.constant 0 : i32
      %dma_wait3A_805 = tpu.memref_slice %arg14[%dma_wait3A_803, %dma_wait3A_804] : memref<10112x128xf32, #tpu.memory_space<vmem_shared>> -> memref<10112x128xf32, #tpu.memory_space<vmem_shared>>
      tpu.wait_indirect_dma semaphore(%arg21 : memref<!tpu.dma_semaphore, #tpu.memory_space<semaphore_mem>>) src(%arg13 : memref<80x128xf32, #tpu.memory_space<vmem>>) dst(%dma_wait3A_805 : memref<10112x128xf32, #tpu.memory_space<vmem_shared>>)
      %dma_start3A_806 = arith.constant 20 : i32
      %dma_start3A_807 = arith.constant 0 : i32
      %dma_start3A_808 = tpu.memref_slice %arg8[%dma_start3A_806, %dma_start3A_807] : memref<25x80xi32, #tpu.memory_space<vmem>> -> memref<1x80xi32, #tpu.memory_space<vmem>>
      %dma_start3A_809 = tpu.memref_squeeze %dma_start3A_808 : memref<1x80xi32, #tpu.memory_space<vmem>> -> memref<80xi32, #tpu.memory_space<vmem>>
      %dma_start3A_810 = arith.constant 0 : i32
      %dma_start3A_811 = arith.constant 0 : i32
      %dma_start3A_812 = tpu.memref_slice %arg2[%dma_start3A_810, %dma_start3A_811] : memref<10000x128xf32, #tpu.memory_space<hbm>> -> memref<10000x128xf32, #tpu.memory_space<hbm>>
      tpu.enqueue_indirect_dma source(%dma_start3A_812 : memref<10000x128xf32, #tpu.memory_space<hbm>>) target(%arg13 : memref<80x128xf32, #tpu.memory_space<vmem>>) offsets(%dma_start3A_809 : memref<80xi32, #tpu.memory_space<vmem>>) semaphore(%arg18 : memref<!tpu.dma_semaphore, #tpu.memory_space<semaphore_mem>>)
      %dma_wait3A_813 = arith.constant 19 : i32
      %dma_wait3A_814 = arith.constant 0 : i32
      %dma_wait3A_815 = tpu.memref_slice %arg8[%dma_wait3A_813, %dma_wait3A_814] : memref<25x80xi32, #tpu.memory_space<vmem>> -> memref<1x80xi32, #tpu.memory_space<vmem>>
      %dma_wait3A_816 = tpu.memref_squeeze %dma_wait3A_815 : memref<1x80xi32, #tpu.memory_space<vmem>> -> memref<80xi32, #tpu.memory_space<vmem>>
      %dma_wait3A_817 = arith.constant 0 : i32
      %dma_wait3A_818 = arith.constant 0 : i32
      %dma_wait3A_819 = tpu.memref_slice %arg2[%dma_wait3A_817, %dma_wait3A_818] : memref<10000x128xf32, #tpu.memory_space<hbm>> -> memref<10000x128xf32, #tpu.memory_space<hbm>>
      tpu.wait_indirect_dma semaphore(%arg17 : memref<!tpu.dma_semaphore, #tpu.memory_space<semaphore_mem>>) src(%dma_wait3A_819 : memref<10000x128xf32, #tpu.memory_space<hbm>>) dst(%arg12 : memref<80x128xf32, #tpu.memory_space<vmem>>)
      %dma_start3A_820 = arith.constant 19 : i32
      %dma_start3A_821 = arith.constant 0 : i32
      %dma_start3A_822 = tpu.memref_slice %arg9[%dma_start3A_820, %dma_start3A_821] : memref<25x80xi32, #tpu.memory_space<vmem>> -> memref<1x80xi32, #tpu.memory_space<vmem>>
      %dma_start3A_823 = tpu.memref_squeeze %dma_start3A_822 : memref<1x80xi32, #tpu.memory_space<vmem>> -> memref<80xi32, #tpu.memory_space<vmem>>
      %dma_start3A_824 = arith.constant 0 : i32
      %dma_start3A_825 = arith.constant 0 : i32
      %dma_start3A_826 = tpu.memref_slice %arg14[%dma_start3A_824, %dma_start3A_825] : memref<10112x128xf32, #tpu.memory_space<vmem_shared>> -> memref<10112x128xf32, #tpu.memory_space<vmem_shared>>
      tpu.enqueue_indirect_dma source(%arg12 : memref<80x128xf32, #tpu.memory_space<vmem>>) target(%dma_start3A_826 : memref<10112x128xf32, #tpu.memory_space<vmem_shared>>) offsets(%dma_start3A_823 : memref<80xi32, #tpu.memory_space<vmem>>) semaphore(%arg20 : memref<!tpu.dma_semaphore, #tpu.memory_space<semaphore_mem>>) {add = true}
      %dma_start3A_827 = arith.constant 19 : i32
      %dma_start3A_828 = arith.constant 0 : i32
      %dma_start3A_829 = tpu.memref_slice %arg9[%dma_start3A_827, %dma_start3A_828] : memref<25x80xi32, #tpu.memory_space<vmem>> -> memref<1x80xi32, #tpu.memory_space<vmem>>
      %dma_start3A_830 = tpu.memref_squeeze %dma_start3A_829 : memref<1x80xi32, #tpu.memory_space<vmem>> -> memref<80xi32, #tpu.memory_space<vmem>>
      %dma_start3A_831 = arith.constant 0 : i32
      %dma_start3A_832 = arith.constant 0 : i32
      %dma_start3A_833 = tpu.memref_slice %arg15[%dma_start3A_831, %dma_start3A_832] : memref<10112x8xf32, #tpu.memory_space<vmem_shared>> -> memref<10112x8xf32, #tpu.memory_space<vmem_shared>>
      tpu.enqueue_indirect_dma source(%arg10 : memref<80x8xf32, #tpu.memory_space<vmem>>) target(%dma_start3A_833 : memref<10112x8xf32, #tpu.memory_space<vmem_shared>>) offsets(%dma_start3A_830 : memref<80xi32, #tpu.memory_space<vmem>>) semaphore(%arg22 : memref<!tpu.dma_semaphore, #tpu.memory_space<semaphore_mem>>) {add = true}
      %dma_wait3A_834 = arith.constant 18 : i32
      %dma_wait3A_835 = arith.constant 0 : i32
      %dma_wait3A_836 = tpu.memref_slice %arg9[%dma_wait3A_834, %dma_wait3A_835] : memref<25x80xi32, #tpu.memory_space<vmem>> -> memref<1x80xi32, #tpu.memory_space<vmem>>
      %dma_wait3A_837 = tpu.memref_squeeze %dma_wait3A_836 : memref<1x80xi32, #tpu.memory_space<vmem>> -> memref<80xi32, #tpu.memory_space<vmem>>
      %dma_wait3A_838 = arith.constant 0 : i32
      %dma_wait3A_839 = arith.constant 0 : i32
      %dma_wait3A_840 = tpu.memref_slice %arg15[%dma_wait3A_838, %dma_wait3A_839] : memref<10112x8xf32, #tpu.memory_space<vmem_shared>> -> memref<10112x8xf32, #tpu.memory_space<vmem_shared>>
      tpu.wait_indirect_dma semaphore(%arg22 : memref<!tpu.dma_semaphore, #tpu.memory_space<semaphore_mem>>) src(%arg10 : memref<80x8xf32, #tpu.memory_space<vmem>>) dst(%dma_wait3A_840 : memref<10112x8xf32, #tpu.memory_space<vmem_shared>>)
      %dma_wait3A_841 = arith.constant 18 : i32
      %dma_wait3A_842 = arith.constant 0 : i32
      %dma_wait3A_843 = tpu.memref_slice %arg9[%dma_wait3A_841, %dma_wait3A_842] : memref<25x80xi32, #tpu.memory_space<vmem>> -> memref<1x80xi32, #tpu.memory_space<vmem>>
      %dma_wait3A_844 = tpu.memref_squeeze %dma_wait3A_843 : memref<1x80xi32, #tpu.memory_space<vmem>> -> memref<80xi32, #tpu.memory_space<vmem>>
      %dma_wait3A_845 = arith.constant 0 : i32
      %dma_wait3A_846 = arith.constant 0 : i32
      %dma_wait3A_847 = tpu.memref_slice %arg14[%dma_wait3A_845, %dma_wait3A_846] : memref<10112x128xf32, #tpu.memory_space<vmem_shared>> -> memref<10112x128xf32, #tpu.memory_space<vmem_shared>>
      tpu.wait_indirect_dma semaphore(%arg19 : memref<!tpu.dma_semaphore, #tpu.memory_space<semaphore_mem>>) src(%arg11 : memref<80x128xf32, #tpu.memory_space<vmem>>) dst(%dma_wait3A_847 : memref<10112x128xf32, #tpu.memory_space<vmem_shared>>)
      %dma_start3A_848 = arith.constant 21 : i32
      %dma_start3A_849 = arith.constant 0 : i32
      %dma_start3A_850 = tpu.memref_slice %arg8[%dma_start3A_848, %dma_start3A_849] : memref<25x80xi32, #tpu.memory_space<vmem>> -> memref<1x80xi32, #tpu.memory_space<vmem>>
      %dma_start3A_851 = tpu.memref_squeeze %dma_start3A_850 : memref<1x80xi32, #tpu.memory_space<vmem>> -> memref<80xi32, #tpu.memory_space<vmem>>
      %dma_start3A_852 = arith.constant 0 : i32
      %dma_start3A_853 = arith.constant 0 : i32
      %dma_start3A_854 = tpu.memref_slice %arg2[%dma_start3A_852, %dma_start3A_853] : memref<10000x128xf32, #tpu.memory_space<hbm>> -> memref<10000x128xf32, #tpu.memory_space<hbm>>
      tpu.enqueue_indirect_dma source(%dma_start3A_854 : memref<10000x128xf32, #tpu.memory_space<hbm>>) target(%arg11 : memref<80x128xf32, #tpu.memory_space<vmem>>) offsets(%dma_start3A_851 : memref<80xi32, #tpu.memory_space<vmem>>) semaphore(%arg16 : memref<!tpu.dma_semaphore, #tpu.memory_space<semaphore_mem>>)
      %dma_wait3A_855 = arith.constant 20 : i32
      %dma_wait3A_856 = arith.constant 0 : i32
      %dma_wait3A_857 = tpu.memref_slice %arg8[%dma_wait3A_855, %dma_wait3A_856] : memref<25x80xi32, #tpu.memory_space<vmem>> -> memref<1x80xi32, #tpu.memory_space<vmem>>
      %dma_wait3A_858 = tpu.memref_squeeze %dma_wait3A_857 : memref<1x80xi32, #tpu.memory_space<vmem>> -> memref<80xi32, #tpu.memory_space<vmem>>
      %dma_wait3A_859 = arith.constant 0 : i32
      %dma_wait3A_860 = arith.constant 0 : i32
      %dma_wait3A_861 = tpu.memref_slice %arg2[%dma_wait3A_859, %dma_wait3A_860] : memref<10000x128xf32, #tpu.memory_space<hbm>> -> memref<10000x128xf32, #tpu.memory_space<hbm>>
      tpu.wait_indirect_dma semaphore(%arg18 : memref<!tpu.dma_semaphore, #tpu.memory_space<semaphore_mem>>) src(%dma_wait3A_861 : memref<10000x128xf32, #tpu.memory_space<hbm>>) dst(%arg13 : memref<80x128xf32, #tpu.memory_space<vmem>>)
      %dma_start3A_862 = arith.constant 20 : i32
      %dma_start3A_863 = arith.constant 0 : i32
      %dma_start3A_864 = tpu.memref_slice %arg9[%dma_start3A_862, %dma_start3A_863] : memref<25x80xi32, #tpu.memory_space<vmem>> -> memref<1x80xi32, #tpu.memory_space<vmem>>
      %dma_start3A_865 = tpu.memref_squeeze %dma_start3A_864 : memref<1x80xi32, #tpu.memory_space<vmem>> -> memref<80xi32, #tpu.memory_space<vmem>>
      %dma_start3A_866 = arith.constant 0 : i32
      %dma_start3A_867 = arith.constant 0 : i32
      %dma_start3A_868 = tpu.memref_slice %arg14[%dma_start3A_866, %dma_start3A_867] : memref<10112x128xf32, #tpu.memory_space<vmem_shared>> -> memref<10112x128xf32, #tpu.memory_space<vmem_shared>>
      tpu.enqueue_indirect_dma source(%arg13 : memref<80x128xf32, #tpu.memory_space<vmem>>) target(%dma_start3A_868 : memref<10112x128xf32, #tpu.memory_space<vmem_shared>>) offsets(%dma_start3A_865 : memref<80xi32, #tpu.memory_space<vmem>>) semaphore(%arg21 : memref<!tpu.dma_semaphore, #tpu.memory_space<semaphore_mem>>) {add = true}
      %dma_start3A_869 = arith.constant 20 : i32
      %dma_start3A_870 = arith.constant 0 : i32
      %dma_start3A_871 = tpu.memref_slice %arg9[%dma_start3A_869, %dma_start3A_870] : memref<25x80xi32, #tpu.memory_space<vmem>> -> memref<1x80xi32, #tpu.memory_space<vmem>>
      %dma_start3A_872 = tpu.memref_squeeze %dma_start3A_871 : memref<1x80xi32, #tpu.memory_space<vmem>> -> memref<80xi32, #tpu.memory_space<vmem>>
      %dma_start3A_873 = arith.constant 0 : i32
      %dma_start3A_874 = arith.constant 0 : i32
      %dma_start3A_875 = tpu.memref_slice %arg15[%dma_start3A_873, %dma_start3A_874] : memref<10112x8xf32, #tpu.memory_space<vmem_shared>> -> memref<10112x8xf32, #tpu.memory_space<vmem_shared>>
      tpu.enqueue_indirect_dma source(%arg10 : memref<80x8xf32, #tpu.memory_space<vmem>>) target(%dma_start3A_875 : memref<10112x8xf32, #tpu.memory_space<vmem_shared>>) offsets(%dma_start3A_872 : memref<80xi32, #tpu.memory_space<vmem>>) semaphore(%arg22 : memref<!tpu.dma_semaphore, #tpu.memory_space<semaphore_mem>>) {add = true}
      %dma_wait3A_876 = arith.constant 19 : i32
      %dma_wait3A_877 = arith.constant 0 : i32
      %dma_wait3A_878 = tpu.memref_slice %arg9[%dma_wait3A_876, %dma_wait3A_877] : memref<25x80xi32, #tpu.memory_space<vmem>> -> memref<1x80xi32, #tpu.memory_space<vmem>>
      %dma_wait3A_879 = tpu.memref_squeeze %dma_wait3A_878 : memref<1x80xi32, #tpu.memory_space<vmem>> -> memref<80xi32, #tpu.memory_space<vmem>>
      %dma_wait3A_880 = arith.constant 0 : i32
      %dma_wait3A_881 = arith.constant 0 : i32
      %dma_wait3A_882 = tpu.memref_slice %arg15[%dma_wait3A_880, %dma_wait3A_881] : memref<10112x8xf32, #tpu.memory_space<vmem_shared>> -> memref<10112x8xf32, #tpu.memory_space<vmem_shared>>
      tpu.wait_indirect_dma semaphore(%arg22 : memref<!tpu.dma_semaphore, #tpu.memory_space<semaphore_mem>>) src(%arg10 : memref<80x8xf32, #tpu.memory_space<vmem>>) dst(%dma_wait3A_882 : memref<10112x8xf32, #tpu.memory_space<vmem_shared>>)
      %dma_wait3A_883 = arith.constant 19 : i32
      %dma_wait3A_884 = arith.constant 0 : i32
      %dma_wait3A_885 = tpu.memref_slice %arg9[%dma_wait3A_883, %dma_wait3A_884] : memref<25x80xi32, #tpu.memory_space<vmem>> -> memref<1x80xi32, #tpu.memory_space<vmem>>
      %dma_wait3A_886 = tpu.memref_squeeze %dma_wait3A_885 : memref<1x80xi32, #tpu.memory_space<vmem>> -> memref<80xi32, #tpu.memory_space<vmem>>
      %dma_wait3A_887 = arith.constant 0 : i32
      %dma_wait3A_888 = arith.constant 0 : i32
      %dma_wait3A_889 = tpu.memref_slice %arg14[%dma_wait3A_887, %dma_wait3A_888] : memref<10112x128xf32, #tpu.memory_space<vmem_shared>> -> memref<10112x128xf32, #tpu.memory_space<vmem_shared>>
      tpu.wait_indirect_dma semaphore(%arg20 : memref<!tpu.dma_semaphore, #tpu.memory_space<semaphore_mem>>) src(%arg12 : memref<80x128xf32, #tpu.memory_space<vmem>>) dst(%dma_wait3A_889 : memref<10112x128xf32, #tpu.memory_space<vmem_shared>>)
      %dma_start3A_890 = arith.constant 22 : i32
      %dma_start3A_891 = arith.constant 0 : i32
      %dma_start3A_892 = tpu.memref_slice %arg8[%dma_start3A_890, %dma_start3A_891] : memref<25x80xi32, #tpu.memory_space<vmem>> -> memref<1x80xi32, #tpu.memory_space<vmem>>
      %dma_start3A_893 = tpu.memref_squeeze %dma_start3A_892 : memref<1x80xi32, #tpu.memory_space<vmem>> -> memref<80xi32, #tpu.memory_space<vmem>>
      %dma_start3A_894 = arith.constant 0 : i32
      %dma_start3A_895 = arith.constant 0 : i32
      %dma_start3A_896 = tpu.memref_slice %arg2[%dma_start3A_894, %dma_start3A_895] : memref<10000x128xf32, #tpu.memory_space<hbm>> -> memref<10000x128xf32, #tpu.memory_space<hbm>>
      tpu.enqueue_indirect_dma source(%dma_start3A_896 : memref<10000x128xf32, #tpu.memory_space<hbm>>) target(%arg12 : memref<80x128xf32, #tpu.memory_space<vmem>>) offsets(%dma_start3A_893 : memref<80xi32, #tpu.memory_space<vmem>>) semaphore(%arg17 : memref<!tpu.dma_semaphore, #tpu.memory_space<semaphore_mem>>)
      %dma_wait3A_897 = arith.constant 21 : i32
      %dma_wait3A_898 = arith.constant 0 : i32
      %dma_wait3A_899 = tpu.memref_slice %arg8[%dma_wait3A_897, %dma_wait3A_898] : memref<25x80xi32, #tpu.memory_space<vmem>> -> memref<1x80xi32, #tpu.memory_space<vmem>>
      %dma_wait3A_900 = tpu.memref_squeeze %dma_wait3A_899 : memref<1x80xi32, #tpu.memory_space<vmem>> -> memref<80xi32, #tpu.memory_space<vmem>>
      %dma_wait3A_901 = arith.constant 0 : i32
      %dma_wait3A_902 = arith.constant 0 : i32
      %dma_wait3A_903 = tpu.memref_slice %arg2[%dma_wait3A_901, %dma_wait3A_902] : memref<10000x128xf32, #tpu.memory_space<hbm>> -> memref<10000x128xf32, #tpu.memory_space<hbm>>
      tpu.wait_indirect_dma semaphore(%arg16 : memref<!tpu.dma_semaphore, #tpu.memory_space<semaphore_mem>>) src(%dma_wait3A_903 : memref<10000x128xf32, #tpu.memory_space<hbm>>) dst(%arg11 : memref<80x128xf32, #tpu.memory_space<vmem>>)
      %dma_start3A_904 = arith.constant 21 : i32
      %dma_start3A_905 = arith.constant 0 : i32
      %dma_start3A_906 = tpu.memref_slice %arg9[%dma_start3A_904, %dma_start3A_905] : memref<25x80xi32, #tpu.memory_space<vmem>> -> memref<1x80xi32, #tpu.memory_space<vmem>>
      %dma_start3A_907 = tpu.memref_squeeze %dma_start3A_906 : memref<1x80xi32, #tpu.memory_space<vmem>> -> memref<80xi32, #tpu.memory_space<vmem>>
      %dma_start3A_908 = arith.constant 0 : i32
      %dma_start3A_909 = arith.constant 0 : i32
      %dma_start3A_910 = tpu.memref_slice %arg14[%dma_start3A_908, %dma_start3A_909] : memref<10112x128xf32, #tpu.memory_space<vmem_shared>> -> memref<10112x128xf32, #tpu.memory_space<vmem_shared>>
      tpu.enqueue_indirect_dma source(%arg11 : memref<80x128xf32, #tpu.memory_space<vmem>>) target(%dma_start3A_910 : memref<10112x128xf32, #tpu.memory_space<vmem_shared>>) offsets(%dma_start3A_907 : memref<80xi32, #tpu.memory_space<vmem>>) semaphore(%arg19 : memref<!tpu.dma_semaphore, #tpu.memory_space<semaphore_mem>>) {add = true}
      %dma_start3A_911 = arith.constant 21 : i32
      %dma_start3A_912 = arith.constant 0 : i32
      %dma_start3A_913 = tpu.memref_slice %arg9[%dma_start3A_911, %dma_start3A_912] : memref<25x80xi32, #tpu.memory_space<vmem>> -> memref<1x80xi32, #tpu.memory_space<vmem>>
      %dma_start3A_914 = tpu.memref_squeeze %dma_start3A_913 : memref<1x80xi32, #tpu.memory_space<vmem>> -> memref<80xi32, #tpu.memory_space<vmem>>
      %dma_start3A_915 = arith.constant 0 : i32
      %dma_start3A_916 = arith.constant 0 : i32
      %dma_start3A_917 = tpu.memref_slice %arg15[%dma_start3A_915, %dma_start3A_916] : memref<10112x8xf32, #tpu.memory_space<vmem_shared>> -> memref<10112x8xf32, #tpu.memory_space<vmem_shared>>
      tpu.enqueue_indirect_dma source(%arg10 : memref<80x8xf32, #tpu.memory_space<vmem>>) target(%dma_start3A_917 : memref<10112x8xf32, #tpu.memory_space<vmem_shared>>) offsets(%dma_start3A_914 : memref<80xi32, #tpu.memory_space<vmem>>) semaphore(%arg22 : memref<!tpu.dma_semaphore, #tpu.memory_space<semaphore_mem>>) {add = true}
      %dma_wait3A_918 = arith.constant 20 : i32
      %dma_wait3A_919 = arith.constant 0 : i32
      %dma_wait3A_920 = tpu.memref_slice %arg9[%dma_wait3A_918, %dma_wait3A_919] : memref<25x80xi32, #tpu.memory_space<vmem>> -> memref<1x80xi32, #tpu.memory_space<vmem>>
      %dma_wait3A_921 = tpu.memref_squeeze %dma_wait3A_920 : memref<1x80xi32, #tpu.memory_space<vmem>> -> memref<80xi32, #tpu.memory_space<vmem>>
      %dma_wait3A_922 = arith.constant 0 : i32
      %dma_wait3A_923 = arith.constant 0 : i32
      %dma_wait3A_924 = tpu.memref_slice %arg15[%dma_wait3A_922, %dma_wait3A_923] : memref<10112x8xf32, #tpu.memory_space<vmem_shared>> -> memref<10112x8xf32, #tpu.memory_space<vmem_shared>>
      tpu.wait_indirect_dma semaphore(%arg22 : memref<!tpu.dma_semaphore, #tpu.memory_space<semaphore_mem>>) src(%arg10 : memref<80x8xf32, #tpu.memory_space<vmem>>) dst(%dma_wait3A_924 : memref<10112x8xf32, #tpu.memory_space<vmem_shared>>)
      %dma_wait3A_925 = arith.constant 20 : i32
      %dma_wait3A_926 = arith.constant 0 : i32
      %dma_wait3A_927 = tpu.memref_slice %arg9[%dma_wait3A_925, %dma_wait3A_926] : memref<25x80xi32, #tpu.memory_space<vmem>> -> memref<1x80xi32, #tpu.memory_space<vmem>>
      %dma_wait3A_928 = tpu.memref_squeeze %dma_wait3A_927 : memref<1x80xi32, #tpu.memory_space<vmem>> -> memref<80xi32, #tpu.memory_space<vmem>>
      %dma_wait3A_929 = arith.constant 0 : i32
      %dma_wait3A_930 = arith.constant 0 : i32
      %dma_wait3A_931 = tpu.memref_slice %arg14[%dma_wait3A_929, %dma_wait3A_930] : memref<10112x128xf32, #tpu.memory_space<vmem_shared>> -> memref<10112x128xf32, #tpu.memory_space<vmem_shared>>
      tpu.wait_indirect_dma semaphore(%arg21 : memref<!tpu.dma_semaphore, #tpu.memory_space<semaphore_mem>>) src(%arg13 : memref<80x128xf32, #tpu.memory_space<vmem>>) dst(%dma_wait3A_931 : memref<10112x128xf32, #tpu.memory_space<vmem_shared>>)
      %dma_start3A_932 = arith.constant 23 : i32
      %dma_start3A_933 = arith.constant 0 : i32
      %dma_start3A_934 = tpu.memref_slice %arg8[%dma_start3A_932, %dma_start3A_933] : memref<25x80xi32, #tpu.memory_space<vmem>> -> memref<1x80xi32, #tpu.memory_space<vmem>>
      %dma_start3A_935 = tpu.memref_squeeze %dma_start3A_934 : memref<1x80xi32, #tpu.memory_space<vmem>> -> memref<80xi32, #tpu.memory_space<vmem>>
      %dma_start3A_936 = arith.constant 0 : i32
      %dma_start3A_937 = arith.constant 0 : i32
      %dma_start3A_938 = tpu.memref_slice %arg2[%dma_start3A_936, %dma_start3A_937] : memref<10000x128xf32, #tpu.memory_space<hbm>> -> memref<10000x128xf32, #tpu.memory_space<hbm>>
      tpu.enqueue_indirect_dma source(%dma_start3A_938 : memref<10000x128xf32, #tpu.memory_space<hbm>>) target(%arg13 : memref<80x128xf32, #tpu.memory_space<vmem>>) offsets(%dma_start3A_935 : memref<80xi32, #tpu.memory_space<vmem>>) semaphore(%arg18 : memref<!tpu.dma_semaphore, #tpu.memory_space<semaphore_mem>>)
      %dma_wait3A_939 = arith.constant 22 : i32
      %dma_wait3A_940 = arith.constant 0 : i32
      %dma_wait3A_941 = tpu.memref_slice %arg8[%dma_wait3A_939, %dma_wait3A_940] : memref<25x80xi32, #tpu.memory_space<vmem>> -> memref<1x80xi32, #tpu.memory_space<vmem>>
      %dma_wait3A_942 = tpu.memref_squeeze %dma_wait3A_941 : memref<1x80xi32, #tpu.memory_space<vmem>> -> memref<80xi32, #tpu.memory_space<vmem>>
      %dma_wait3A_943 = arith.constant 0 : i32
      %dma_wait3A_944 = arith.constant 0 : i32
      %dma_wait3A_945 = tpu.memref_slice %arg2[%dma_wait3A_943, %dma_wait3A_944] : memref<10000x128xf32, #tpu.memory_space<hbm>> -> memref<10000x128xf32, #tpu.memory_space<hbm>>
      tpu.wait_indirect_dma semaphore(%arg17 : memref<!tpu.dma_semaphore, #tpu.memory_space<semaphore_mem>>) src(%dma_wait3A_945 : memref<10000x128xf32, #tpu.memory_space<hbm>>) dst(%arg12 : memref<80x128xf32, #tpu.memory_space<vmem>>)
      %dma_start3A_946 = arith.constant 22 : i32
      %dma_start3A_947 = arith.constant 0 : i32
      %dma_start3A_948 = tpu.memref_slice %arg9[%dma_start3A_946, %dma_start3A_947] : memref<25x80xi32, #tpu.memory_space<vmem>> -> memref<1x80xi32, #tpu.memory_space<vmem>>
      %dma_start3A_949 = tpu.memref_squeeze %dma_start3A_948 : memref<1x80xi32, #tpu.memory_space<vmem>> -> memref<80xi32, #tpu.memory_space<vmem>>
      %dma_start3A_950 = arith.constant 0 : i32
      %dma_start3A_951 = arith.constant 0 : i32
      %dma_start3A_952 = tpu.memref_slice %arg14[%dma_start3A_950, %dma_start3A_951] : memref<10112x128xf32, #tpu.memory_space<vmem_shared>> -> memref<10112x128xf32, #tpu.memory_space<vmem_shared>>
      tpu.enqueue_indirect_dma source(%arg12 : memref<80x128xf32, #tpu.memory_space<vmem>>) target(%dma_start3A_952 : memref<10112x128xf32, #tpu.memory_space<vmem_shared>>) offsets(%dma_start3A_949 : memref<80xi32, #tpu.memory_space<vmem>>) semaphore(%arg20 : memref<!tpu.dma_semaphore, #tpu.memory_space<semaphore_mem>>) {add = true}
      %dma_start3A_953 = arith.constant 22 : i32
      %dma_start3A_954 = arith.constant 0 : i32
      %dma_start3A_955 = tpu.memref_slice %arg9[%dma_start3A_953, %dma_start3A_954] : memref<25x80xi32, #tpu.memory_space<vmem>> -> memref<1x80xi32, #tpu.memory_space<vmem>>
      %dma_start3A_956 = tpu.memref_squeeze %dma_start3A_955 : memref<1x80xi32, #tpu.memory_space<vmem>> -> memref<80xi32, #tpu.memory_space<vmem>>
      %dma_start3A_957 = arith.constant 0 : i32
      %dma_start3A_958 = arith.constant 0 : i32
      %dma_start3A_959 = tpu.memref_slice %arg15[%dma_start3A_957, %dma_start3A_958] : memref<10112x8xf32, #tpu.memory_space<vmem_shared>> -> memref<10112x8xf32, #tpu.memory_space<vmem_shared>>
      tpu.enqueue_indirect_dma source(%arg10 : memref<80x8xf32, #tpu.memory_space<vmem>>) target(%dma_start3A_959 : memref<10112x8xf32, #tpu.memory_space<vmem_shared>>) offsets(%dma_start3A_956 : memref<80xi32, #tpu.memory_space<vmem>>) semaphore(%arg22 : memref<!tpu.dma_semaphore, #tpu.memory_space<semaphore_mem>>) {add = true}
      %dma_wait3A_960 = arith.constant 21 : i32
      %dma_wait3A_961 = arith.constant 0 : i32
      %dma_wait3A_962 = tpu.memref_slice %arg9[%dma_wait3A_960, %dma_wait3A_961] : memref<25x80xi32, #tpu.memory_space<vmem>> -> memref<1x80xi32, #tpu.memory_space<vmem>>
      %dma_wait3A_963 = tpu.memref_squeeze %dma_wait3A_962 : memref<1x80xi32, #tpu.memory_space<vmem>> -> memref<80xi32, #tpu.memory_space<vmem>>
      %dma_wait3A_964 = arith.constant 0 : i32
      %dma_wait3A_965 = arith.constant 0 : i32
      %dma_wait3A_966 = tpu.memref_slice %arg15[%dma_wait3A_964, %dma_wait3A_965] : memref<10112x8xf32, #tpu.memory_space<vmem_shared>> -> memref<10112x8xf32, #tpu.memory_space<vmem_shared>>
      tpu.wait_indirect_dma semaphore(%arg22 : memref<!tpu.dma_semaphore, #tpu.memory_space<semaphore_mem>>) src(%arg10 : memref<80x8xf32, #tpu.memory_space<vmem>>) dst(%dma_wait3A_966 : memref<10112x8xf32, #tpu.memory_space<vmem_shared>>)
      %dma_wait3A_967 = arith.constant 21 : i32
      %dma_wait3A_968 = arith.constant 0 : i32
      %dma_wait3A_969 = tpu.memref_slice %arg9[%dma_wait3A_967, %dma_wait3A_968] : memref<25x80xi32, #tpu.memory_space<vmem>> -> memref<1x80xi32, #tpu.memory_space<vmem>>
      %dma_wait3A_970 = tpu.memref_squeeze %dma_wait3A_969 : memref<1x80xi32, #tpu.memory_space<vmem>> -> memref<80xi32, #tpu.memory_space<vmem>>
      %dma_wait3A_971 = arith.constant 0 : i32
      %dma_wait3A_972 = arith.constant 0 : i32
      %dma_wait3A_973 = tpu.memref_slice %arg14[%dma_wait3A_971, %dma_wait3A_972] : memref<10112x128xf32, #tpu.memory_space<vmem_shared>> -> memref<10112x128xf32, #tpu.memory_space<vmem_shared>>
      tpu.wait_indirect_dma semaphore(%arg19 : memref<!tpu.dma_semaphore, #tpu.memory_space<semaphore_mem>>) src(%arg11 : memref<80x128xf32, #tpu.memory_space<vmem>>) dst(%dma_wait3A_973 : memref<10112x128xf32, #tpu.memory_space<vmem_shared>>)
      %dma_start3A_974 = arith.constant 24 : i32
      %dma_start3A_975 = arith.constant 0 : i32
      %dma_start3A_976 = tpu.memref_slice %arg8[%dma_start3A_974, %dma_start3A_975] : memref<25x80xi32, #tpu.memory_space<vmem>> -> memref<1x80xi32, #tpu.memory_space<vmem>>
      %dma_start3A_977 = tpu.memref_squeeze %dma_start3A_976 : memref<1x80xi32, #tpu.memory_space<vmem>> -> memref<80xi32, #tpu.memory_space<vmem>>
      %dma_start3A_978 = arith.constant 0 : i32
      %dma_start3A_979 = arith.constant 0 : i32
      %dma_start3A_980 = tpu.memref_slice %arg2[%dma_start3A_978, %dma_start3A_979] : memref<10000x128xf32, #tpu.memory_space<hbm>> -> memref<10000x128xf32, #tpu.memory_space<hbm>>
      tpu.enqueue_indirect_dma source(%dma_start3A_980 : memref<10000x128xf32, #tpu.memory_space<hbm>>) target(%arg11 : memref<80x128xf32, #tpu.memory_space<vmem>>) offsets(%dma_start3A_977 : memref<80xi32, #tpu.memory_space<vmem>>) semaphore(%arg16 : memref<!tpu.dma_semaphore, #tpu.memory_space<semaphore_mem>>)
      %dma_wait3A_981 = arith.constant 23 : i32
      %dma_wait3A_982 = arith.constant 0 : i32
      %dma_wait3A_983 = tpu.memref_slice %arg8[%dma_wait3A_981, %dma_wait3A_982] : memref<25x80xi32, #tpu.memory_space<vmem>> -> memref<1x80xi32, #tpu.memory_space<vmem>>
      %dma_wait3A_984 = tpu.memref_squeeze %dma_wait3A_983 : memref<1x80xi32, #tpu.memory_space<vmem>> -> memref<80xi32, #tpu.memory_space<vmem>>
      %dma_wait3A_985 = arith.constant 0 : i32
      %dma_wait3A_986 = arith.constant 0 : i32
      %dma_wait3A_987 = tpu.memref_slice %arg2[%dma_wait3A_985, %dma_wait3A_986] : memref<10000x128xf32, #tpu.memory_space<hbm>> -> memref<10000x128xf32, #tpu.memory_space<hbm>>
      tpu.wait_indirect_dma semaphore(%arg18 : memref<!tpu.dma_semaphore, #tpu.memory_space<semaphore_mem>>) src(%dma_wait3A_987 : memref<10000x128xf32, #tpu.memory_space<hbm>>) dst(%arg13 : memref<80x128xf32, #tpu.memory_space<vmem>>)
      %dma_start3A_988 = arith.constant 23 : i32
      %dma_start3A_989 = arith.constant 0 : i32
      %dma_start3A_990 = tpu.memref_slice %arg9[%dma_start3A_988, %dma_start3A_989] : memref<25x80xi32, #tpu.memory_space<vmem>> -> memref<1x80xi32, #tpu.memory_space<vmem>>
      %dma_start3A_991 = tpu.memref_squeeze %dma_start3A_990 : memref<1x80xi32, #tpu.memory_space<vmem>> -> memref<80xi32, #tpu.memory_space<vmem>>
      %dma_start3A_992 = arith.constant 0 : i32
      %dma_start3A_993 = arith.constant 0 : i32
      %dma_start3A_994 = tpu.memref_slice %arg14[%dma_start3A_992, %dma_start3A_993] : memref<10112x128xf32, #tpu.memory_space<vmem_shared>> -> memref<10112x128xf32, #tpu.memory_space<vmem_shared>>
      tpu.enqueue_indirect_dma source(%arg13 : memref<80x128xf32, #tpu.memory_space<vmem>>) target(%dma_start3A_994 : memref<10112x128xf32, #tpu.memory_space<vmem_shared>>) offsets(%dma_start3A_991 : memref<80xi32, #tpu.memory_space<vmem>>) semaphore(%arg21 : memref<!tpu.dma_semaphore, #tpu.memory_space<semaphore_mem>>) {add = true}
      %dma_start3A_995 = arith.constant 23 : i32
      %dma_start3A_996 = arith.constant 0 : i32
      %dma_start3A_997 = tpu.memref_slice %arg9[%dma_start3A_995, %dma_start3A_996] : memref<25x80xi32, #tpu.memory_space<vmem>> -> memref<1x80xi32, #tpu.memory_space<vmem>>
      %dma_start3A_998 = tpu.memref_squeeze %dma_start3A_997 : memref<1x80xi32, #tpu.memory_space<vmem>> -> memref<80xi32, #tpu.memory_space<vmem>>
      %dma_start3A_999 = arith.constant 0 : i32
      %dma_start3A_1000 = arith.constant 0 : i32
      %dma_start3A_1001 = tpu.memref_slice %arg15[%dma_start3A_999, %dma_start3A_1000] : memref<10112x8xf32, #tpu.memory_space<vmem_shared>> -> memref<10112x8xf32, #tpu.memory_space<vmem_shared>>
      tpu.enqueue_indirect_dma source(%arg10 : memref<80x8xf32, #tpu.memory_space<vmem>>) target(%dma_start3A_1001 : memref<10112x8xf32, #tpu.memory_space<vmem_shared>>) offsets(%dma_start3A_998 : memref<80xi32, #tpu.memory_space<vmem>>) semaphore(%arg22 : memref<!tpu.dma_semaphore, #tpu.memory_space<semaphore_mem>>) {add = true}
      %dma_wait3A_1002 = arith.constant 22 : i32
      %dma_wait3A_1003 = arith.constant 0 : i32
      %dma_wait3A_1004 = tpu.memref_slice %arg9[%dma_wait3A_1002, %dma_wait3A_1003] : memref<25x80xi32, #tpu.memory_space<vmem>> -> memref<1x80xi32, #tpu.memory_space<vmem>>
      %dma_wait3A_1005 = tpu.memref_squeeze %dma_wait3A_1004 : memref<1x80xi32, #tpu.memory_space<vmem>> -> memref<80xi32, #tpu.memory_space<vmem>>
      %dma_wait3A_1006 = arith.constant 0 : i32
      %dma_wait3A_1007 = arith.constant 0 : i32
      %dma_wait3A_1008 = tpu.memref_slice %arg15[%dma_wait3A_1006, %dma_wait3A_1007] : memref<10112x8xf32, #tpu.memory_space<vmem_shared>> -> memref<10112x8xf32, #tpu.memory_space<vmem_shared>>
      tpu.wait_indirect_dma semaphore(%arg22 : memref<!tpu.dma_semaphore, #tpu.memory_space<semaphore_mem>>) src(%arg10 : memref<80x8xf32, #tpu.memory_space<vmem>>) dst(%dma_wait3A_1008 : memref<10112x8xf32, #tpu.memory_space<vmem_shared>>)
      %dma_wait3A_1009 = arith.constant 24 : i32
      %dma_wait3A_1010 = arith.constant 0 : i32
      %dma_wait3A_1011 = tpu.memref_slice %arg8[%dma_wait3A_1009, %dma_wait3A_1010] : memref<25x80xi32, #tpu.memory_space<vmem>> -> memref<1x80xi32, #tpu.memory_space<vmem>>
      %dma_wait3A_1012 = tpu.memref_squeeze %dma_wait3A_1011 : memref<1x80xi32, #tpu.memory_space<vmem>> -> memref<80xi32, #tpu.memory_space<vmem>>
      %dma_wait3A_1013 = arith.constant 0 : i32
      %dma_wait3A_1014 = arith.constant 0 : i32
      %dma_wait3A_1015 = tpu.memref_slice %arg2[%dma_wait3A_1013, %dma_wait3A_1014] : memref<10000x128xf32, #tpu.memory_space<hbm>> -> memref<10000x128xf32, #tpu.memory_space<hbm>>
      tpu.wait_indirect_dma semaphore(%arg16 : memref<!tpu.dma_semaphore, #tpu.memory_space<semaphore_mem>>) src(%dma_wait3A_1015 : memref<10000x128xf32, #tpu.memory_space<hbm>>) dst(%arg11 : memref<80x128xf32, #tpu.memory_space<vmem>>)
      %dma_start3A_1016 = arith.constant 24 : i32
      %dma_start3A_1017 = arith.constant 0 : i32
      %dma_start3A_1018 = tpu.memref_slice %arg9[%dma_start3A_1016, %dma_start3A_1017] : memref<25x80xi32, #tpu.memory_space<vmem>> -> memref<1x80xi32, #tpu.memory_space<vmem>>
      %dma_start3A_1019 = tpu.memref_squeeze %dma_start3A_1018 : memref<1x80xi32, #tpu.memory_space<vmem>> -> memref<80xi32, #tpu.memory_space<vmem>>
      %dma_start3A_1020 = arith.constant 0 : i32
      %dma_start3A_1021 = arith.constant 0 : i32
      %dma_start3A_1022 = tpu.memref_slice %arg14[%dma_start3A_1020, %dma_start3A_1021] : memref<10112x128xf32, #tpu.memory_space<vmem_shared>> -> memref<10112x128xf32, #tpu.memory_space<vmem_shared>>
      tpu.enqueue_indirect_dma source(%arg11 : memref<80x128xf32, #tpu.memory_space<vmem>>) target(%dma_start3A_1022 : memref<10112x128xf32, #tpu.memory_space<vmem_shared>>) offsets(%dma_start3A_1019 : memref<80xi32, #tpu.memory_space<vmem>>) semaphore(%arg19 : memref<!tpu.dma_semaphore, #tpu.memory_space<semaphore_mem>>) {add = true}
      %dma_start3A_1023 = arith.constant 24 : i32
      %dma_start3A_1024 = arith.constant 0 : i32
      %dma_start3A_1025 = tpu.memref_slice %arg9[%dma_start3A_1023, %dma_start3A_1024] : memref<25x80xi32, #tpu.memory_space<vmem>> -> memref<1x80xi32, #tpu.memory_space<vmem>>
      %dma_start3A_1026 = tpu.memref_squeeze %dma_start3A_1025 : memref<1x80xi32, #tpu.memory_space<vmem>> -> memref<80xi32, #tpu.memory_space<vmem>>
      %dma_start3A_1027 = arith.constant 0 : i32
      %dma_start3A_1028 = arith.constant 0 : i32
      %dma_start3A_1029 = tpu.memref_slice %arg15[%dma_start3A_1027, %dma_start3A_1028] : memref<10112x8xf32, #tpu.memory_space<vmem_shared>> -> memref<10112x8xf32, #tpu.memory_space<vmem_shared>>
      tpu.enqueue_indirect_dma source(%arg10 : memref<80x8xf32, #tpu.memory_space<vmem>>) target(%dma_start3A_1029 : memref<10112x8xf32, #tpu.memory_space<vmem_shared>>) offsets(%dma_start3A_1026 : memref<80xi32, #tpu.memory_space<vmem>>) semaphore(%arg22 : memref<!tpu.dma_semaphore, #tpu.memory_space<semaphore_mem>>) {add = true}
      %dma_wait3A_1030 = arith.constant 23 : i32
      %dma_wait3A_1031 = arith.constant 0 : i32
      %dma_wait3A_1032 = tpu.memref_slice %arg9[%dma_wait3A_1030, %dma_wait3A_1031] : memref<25x80xi32, #tpu.memory_space<vmem>> -> memref<1x80xi32, #tpu.memory_space<vmem>>
      %dma_wait3A_1033 = tpu.memref_squeeze %dma_wait3A_1032 : memref<1x80xi32, #tpu.memory_space<vmem>> -> memref<80xi32, #tpu.memory_space<vmem>>
      %dma_wait3A_1034 = arith.constant 0 : i32
      %dma_wait3A_1035 = arith.constant 0 : i32
      %dma_wait3A_1036 = tpu.memref_slice %arg15[%dma_wait3A_1034, %dma_wait3A_1035] : memref<10112x8xf32, #tpu.memory_space<vmem_shared>> -> memref<10112x8xf32, #tpu.memory_space<vmem_shared>>
      tpu.wait_indirect_dma semaphore(%arg22 : memref<!tpu.dma_semaphore, #tpu.memory_space<semaphore_mem>>) src(%arg10 : memref<80x8xf32, #tpu.memory_space<vmem>>) dst(%dma_wait3A_1036 : memref<10112x8xf32, #tpu.memory_space<vmem_shared>>)
      %dma_wait3A_1037 = arith.constant 22 : i32
      %dma_wait3A_1038 = arith.constant 0 : i32
      %dma_wait3A_1039 = tpu.memref_slice %arg9[%dma_wait3A_1037, %dma_wait3A_1038] : memref<25x80xi32, #tpu.memory_space<vmem>> -> memref<1x80xi32, #tpu.memory_space<vmem>>
      %dma_wait3A_1040 = tpu.memref_squeeze %dma_wait3A_1039 : memref<1x80xi32, #tpu.memory_space<vmem>> -> memref<80xi32, #tpu.memory_space<vmem>>
      %dma_wait3A_1041 = arith.constant 0 : i32
      %dma_wait3A_1042 = arith.constant 0 : i32
      %dma_wait3A_1043 = tpu.memref_slice %arg14[%dma_wait3A_1041, %dma_wait3A_1042] : memref<10112x128xf32, #tpu.memory_space<vmem_shared>> -> memref<10112x128xf32, #tpu.memory_space<vmem_shared>>
      tpu.wait_indirect_dma semaphore(%arg20 : memref<!tpu.dma_semaphore, #tpu.memory_space<semaphore_mem>>) src(%arg12 : memref<80x128xf32, #tpu.memory_space<vmem>>) dst(%dma_wait3A_1043 : memref<10112x128xf32, #tpu.memory_space<vmem_shared>>)
      %dma_wait3A_1044 = arith.constant 23 : i32
      %dma_wait3A_1045 = arith.constant 0 : i32
      %dma_wait3A_1046 = tpu.memref_slice %arg9[%dma_wait3A_1044, %dma_wait3A_1045] : memref<25x80xi32, #tpu.memory_space<vmem>> -> memref<1x80xi32, #tpu.memory_space<vmem>>
      %dma_wait3A_1047 = tpu.memref_squeeze %dma_wait3A_1046 : memref<1x80xi32, #tpu.memory_space<vmem>> -> memref<80xi32, #tpu.memory_space<vmem>>
      %dma_wait3A_1048 = arith.constant 0 : i32
      %dma_wait3A_1049 = arith.constant 0 : i32
      %dma_wait3A_1050 = tpu.memref_slice %arg14[%dma_wait3A_1048, %dma_wait3A_1049] : memref<10112x128xf32, #tpu.memory_space<vmem_shared>> -> memref<10112x128xf32, #tpu.memory_space<vmem_shared>>
      tpu.wait_indirect_dma semaphore(%arg21 : memref<!tpu.dma_semaphore, #tpu.memory_space<semaphore_mem>>) src(%arg13 : memref<80x128xf32, #tpu.memory_space<vmem>>) dst(%dma_wait3A_1050 : memref<10112x128xf32, #tpu.memory_space<vmem_shared>>)
      %dma_wait3A_1051 = arith.constant 24 : i32
      %dma_wait3A_1052 = arith.constant 0 : i32
      %dma_wait3A_1053 = tpu.memref_slice %arg9[%dma_wait3A_1051, %dma_wait3A_1052] : memref<25x80xi32, #tpu.memory_space<vmem>> -> memref<1x80xi32, #tpu.memory_space<vmem>>
      %dma_wait3A_1054 = tpu.memref_squeeze %dma_wait3A_1053 : memref<1x80xi32, #tpu.memory_space<vmem>> -> memref<80xi32, #tpu.memory_space<vmem>>
      %dma_wait3A_1055 = arith.constant 0 : i32
      %dma_wait3A_1056 = arith.constant 0 : i32
      %dma_wait3A_1057 = tpu.memref_slice %arg14[%dma_wait3A_1055, %dma_wait3A_1056] : memref<10112x128xf32, #tpu.memory_space<vmem_shared>> -> memref<10112x128xf32, #tpu.memory_space<vmem_shared>>
      tpu.wait_indirect_dma semaphore(%arg19 : memref<!tpu.dma_semaphore, #tpu.memory_space<semaphore_mem>>) src(%arg11 : memref<80x128xf32, #tpu.memory_space<vmem>>) dst(%dma_wait3A_1057 : memref<10112x128xf32, #tpu.memory_space<vmem_shared>>)
      %dma_wait3A_1058 = arith.constant 24 : i32
      %dma_wait3A_1059 = arith.constant 0 : i32
      %dma_wait3A_1060 = tpu.memref_slice %arg9[%dma_wait3A_1058, %dma_wait3A_1059] : memref<25x80xi32, #tpu.memory_space<vmem>> -> memref<1x80xi32, #tpu.memory_space<vmem>>
      %dma_wait3A_1061 = tpu.memref_squeeze %dma_wait3A_1060 : memref<1x80xi32, #tpu.memory_space<vmem>> -> memref<80xi32, #tpu.memory_space<vmem>>
      %dma_wait3A_1062 = arith.constant 0 : i32
      %dma_wait3A_1063 = arith.constant 0 : i32
      %dma_wait3A_1064 = tpu.memref_slice %arg15[%dma_wait3A_1062, %dma_wait3A_1063] : memref<10112x8xf32, #tpu.memory_space<vmem_shared>> -> memref<10112x8xf32, #tpu.memory_space<vmem_shared>>
      tpu.wait_indirect_dma semaphore(%arg22 : memref<!tpu.dma_semaphore, #tpu.memory_space<semaphore_mem>>) src(%arg10 : memref<80x8xf32, #tpu.memory_space<vmem>>) dst(%dma_wait3A_1064 : memref<10112x8xf32, #tpu.memory_space<vmem_shared>>)
      %scan3A_1065 = arith.constant 0 : i32
      scf.yield %scan3A_1065 : i32
    }
    %scan3A_8 = arith.constant 5 : i32
    %barrier3A_9 = arith.constant 0 : index
    tpu.barrier barrier_id(%barrier3A_9)
    "tpu.region"() ({
      %run_scoped3A = tpu.sem_alloc : memref<!tpu.dma_semaphore, #tpu.memory_space<semaphore_mem>>
      %dma_start3A = arith.constant 0 : i32
      %dma_start3A_10 = tpu.memref_slice %arg6[%arg0, %mul3A_2, %dma_start3A] : memref<2x10112x128xf32, #tpu.memory_space<hbm>> -> memref<1x632x128xf32, #tpu.memory_space<hbm>>
      %dma_start3A_11 = tpu.memref_squeeze %dma_start3A_10 : memref<1x632x128xf32, #tpu.memory_space<hbm>> -> memref<632x128xf32, #tpu.memory_space<hbm>>
      %dma_start3A_12 = arith.constant 0 : i32
      %dma_start3A_13 = tpu.memref_slice %arg14[%mul3A_2, %dma_start3A_12] : memref<10112x128xf32, #tpu.memory_space<vmem_shared>> -> memref<632x128xf32, #tpu.memory_space<vmem_shared>>
      tpu.enqueue_dma source(%dma_start3A_13 : memref<632x128xf32, #tpu.memory_space<vmem_shared>>) target(%dma_start3A_11 : memref<632x128xf32, #tpu.memory_space<hbm>>) target_semaphore(%run_scoped3A : memref<!tpu.dma_semaphore, #tpu.memory_space<semaphore_mem>>)
      %dma_wait3A = arith.constant 0 : i32
      %dma_wait3A_14 = tpu.memref_slice %arg6[%arg0, %mul3A_2, %dma_wait3A] : memref<2x10112x128xf32, #tpu.memory_space<hbm>> -> memref<1x632x128xf32, #tpu.memory_space<hbm>>
      %dma_wait3A_15 = tpu.memref_squeeze %dma_wait3A_14 : memref<1x632x128xf32, #tpu.memory_space<hbm>> -> memref<632x128xf32, #tpu.memory_space<hbm>>
      %dma_wait3A_16 = arith.constant 0 : i32
      %dma_wait3A_17 = tpu.memref_slice %arg14[%mul3A_2, %dma_wait3A_16] : memref<10112x128xf32, #tpu.memory_space<vmem_shared>> -> memref<632x128xf32, #tpu.memory_space<vmem_shared>>
      tpu.wait_dma2 semaphore(%run_scoped3A : memref<!tpu.dma_semaphore, #tpu.memory_space<semaphore_mem>>) src(%dma_wait3A_17 : memref<632x128xf32, #tpu.memory_space<vmem_shared>>) dst(%dma_wait3A_15 : memref<632x128xf32, #tpu.memory_space<hbm>>)
      tpu.yield
    }) : () -> ()
    "tpu.region"() ({
      %run_scoped3A = tpu.sem_alloc : memref<!tpu.dma_semaphore, #tpu.memory_space<semaphore_mem>>
      %dma_start3A = arith.constant 0 : i32
      %dma_start3A_10 = tpu.memref_slice %arg7[%arg0, %mul3A_2, %dma_start3A] : memref<2x10112x8xf32, #tpu.memory_space<hbm>> -> memref<1x632x8xf32, #tpu.memory_space<hbm>>
      %dma_start3A_11 = tpu.memref_squeeze %dma_start3A_10 : memref<1x632x8xf32, #tpu.memory_space<hbm>> -> memref<632x8xf32, #tpu.memory_space<hbm>>
      %dma_start3A_12 = arith.constant 0 : i32
      %dma_start3A_13 = tpu.memref_slice %arg15[%mul3A_2, %dma_start3A_12] : memref<10112x8xf32, #tpu.memory_space<vmem_shared>> -> memref<632x8xf32, #tpu.memory_space<vmem_shared>>
      tpu.enqueue_dma source(%dma_start3A_13 : memref<632x8xf32, #tpu.memory_space<vmem_shared>>) target(%dma_start3A_11 : memref<632x8xf32, #tpu.memory_space<hbm>>) target_semaphore(%run_scoped3A : memref<!tpu.dma_semaphore, #tpu.memory_space<semaphore_mem>>)
      %dma_wait3A = arith.constant 0 : i32
      %dma_wait3A_14 = tpu.memref_slice %arg7[%arg0, %mul3A_2, %dma_wait3A] : memref<2x10112x8xf32, #tpu.memory_space<hbm>> -> memref<1x632x8xf32, #tpu.memory_space<hbm>>
      %dma_wait3A_15 = tpu.memref_squeeze %dma_wait3A_14 : memref<1x632x8xf32, #tpu.memory_space<hbm>> -> memref<632x8xf32, #tpu.memory_space<hbm>>
      %dma_wait3A_16 = arith.constant 0 : i32
      %dma_wait3A_17 = tpu.memref_slice %arg15[%mul3A_2, %dma_wait3A_16] : memref<10112x8xf32, #tpu.memory_space<vmem_shared>> -> memref<632x8xf32, #tpu.memory_space<vmem_shared>>
      tpu.wait_dma2 semaphore(%run_scoped3A : memref<!tpu.dma_semaphore, #tpu.memory_space<semaphore_mem>>) src(%dma_wait3A_17 : memref<632x8xf32, #tpu.memory_space<vmem_shared>>) dst(%dma_wait3A_15 : memref<632x8xf32, #tpu.memory_space<hbm>>)
      tpu.yield
    }) : () -> ()
    return
  }
}

module attributes {stable_mosaic.version = 14 : i64} {
  func.func @_tc_body(%arg0: i32, %arg1: memref<2000x128xf32, #tpu.memory_space<vmem>>, %arg2: memref<2x2000x128xf32, #tpu.memory_space<vmem>>, %arg3: memref<2x2000x8xf32, #tpu.memory_space<vmem>>, %arg4: memref<256x512xf32, #tpu.memory_space<vmem>>, %arg5: memref<512xf32, #tpu.memory_space<vmem>>, %arg6: memref<512x128xf32, #tpu.memory_space<vmem>>, %arg7: memref<128xf32, #tpu.memory_space<vmem>>, %arg8: memref<128x512xf32, #tpu.memory_space<vmem>>, %arg9: memref<512xf32, #tpu.memory_space<vmem>>, %arg10: memref<512x128xf32, #tpu.memory_space<vmem>>, %arg11: memref<128xf32, #tpu.memory_space<vmem>>, %arg12: memref<2000x128xf32, #tpu.memory_space<vmem>>, %arg13: memref<2000x128xf32, #tpu.memory_space<vmem>>) attributes {dimension_semantics = [#tpu.dimension_semantics<arbitrary>], iteration_bounds = array<i64: 5>, scalar_prefetch = 0 : i64, scratch_operands = 0 : i64, tpu.core_type = #tpu.core_type<tc>, window_params = [{transform_indices = @transform_0, window_bounds = array<i64: 2000, 128>}, {transform_indices = @transform_1, window_bounds = array<i64: 2, 2000, 128>}, {transform_indices = @transform_2, window_bounds = array<i64: 2, 2000, 8>}, {pipeline_mode = #tpu.pipeline_mode<synchronous>, transform_indices = @transform_3, window_bounds = array<i64: 256, 512>}, {pipeline_mode = #tpu.pipeline_mode<synchronous>, transform_indices = @transform_4, window_bounds = array<i64: 512>}, {pipeline_mode = #tpu.pipeline_mode<synchronous>, transform_indices = @transform_5, window_bounds = array<i64: 512, 128>}, {pipeline_mode = #tpu.pipeline_mode<synchronous>, transform_indices = @transform_6, window_bounds = array<i64: 128>}, {pipeline_mode = #tpu.pipeline_mode<synchronous>, transform_indices = @transform_7, window_bounds = array<i64: 128, 512>}, {pipeline_mode = #tpu.pipeline_mode<synchronous>, transform_indices = @transform_8, window_bounds = array<i64: 512>}, {pipeline_mode = #tpu.pipeline_mode<synchronous>, transform_indices = @transform_9, window_bounds = array<i64: 512, 128>}, {pipeline_mode = #tpu.pipeline_mode<synchronous>, transform_indices = @transform_10, window_bounds = array<i64: 128>}, {transform_indices = @transform_11, window_bounds = array<i64: 2000, 128>}, {transform_indices = @transform_12, window_bounds = array<i64: 2000, 128>}]} {
    %get3A = arith.constant 0 : index
    %get3A_0 = arith.constant 0 : index
    %get3A_1 = vector.load %arg1[%get3A, %get3A_0] : memref<2000x128xf32, #tpu.memory_space<vmem>>, vector<2000x128xf32>
    %convert_element_type3A = arith.truncf %get3A_1 : vector<2000x128xf32> to vector<2000x128xbf16>
    %get3A_2 = arith.constant 0 : index
    %get3A_3 = arith.constant 0 : index
    %get3A_4 = arith.constant 0 : index
    %get3A_5 = vector.load %arg2[%get3A_2, %get3A_3, %get3A_4] : memref<2x2000x128xf32, #tpu.memory_space<vmem>>, vector<1x2000x128xf32>
    %get3A_6 = vector.shape_cast %get3A_5 : vector<1x2000x128xf32> to vector<2000x128xf32>
    %get3A_7 = arith.constant 1 : index
    %get3A_8 = arith.constant 0 : index
    %get3A_9 = arith.constant 0 : index
    %get3A_10 = vector.load %arg2[%get3A_7, %get3A_8, %get3A_9] : memref<2x2000x128xf32, #tpu.memory_space<vmem>>, vector<1x2000x128xf32>
    %get3A_11 = vector.shape_cast %get3A_10 : vector<1x2000x128xf32> to vector<2000x128xf32>
    %add3A = arith.addf %get3A_6, %get3A_11 : vector<2000x128xf32>
    %get3A_12 = arith.constant 0 : index
    %get3A_13 = arith.constant 0 : index
    %get3A_14 = arith.constant 0 : index
    %get3A_15 = vector.load %arg3[%get3A_12, %get3A_13, %get3A_14] : memref<2x2000x8xf32, #tpu.memory_space<vmem>>, vector<1x2000x1xf32>
    %get3A_16 = vector.shape_cast %get3A_15 : vector<1x2000x1xf32> to vector<2000x1xf32>
    %get3A_17 = arith.constant 1 : index
    %get3A_18 = arith.constant 0 : index
    %get3A_19 = arith.constant 0 : index
    %get3A_20 = vector.load %arg3[%get3A_17, %get3A_18, %get3A_19] : memref<2x2000x8xf32, #tpu.memory_space<vmem>>, vector<1x2000x1xf32>
    %get3A_21 = vector.shape_cast %get3A_20 : vector<1x2000x1xf32> to vector<2000x1xf32>
    %add3A_22 = arith.addf %get3A_16, %get3A_21 : vector<2000x1xf32>
    %max3A = arith.constant 1.000000e+00 : f32
    %max3A_23 = vector.broadcast %max3A : f32 to vector<2000x1xf32>
    %max3A_24 = arith.maximumf %add3A_22, %max3A_23 : vector<2000x1xf32>
    %div3A = vector.broadcast %max3A_24 : vector<2000x1xf32> to vector<2000x128xf32>
    %div3A_25 = arith.divf %add3A, %div3A : vector<2000x128xf32>
    %convert_element_type3A_26 = arith.truncf %div3A_25 : vector<2000x128xf32> to vector<2000x128xbf16>
    %get3A_27 = arith.constant 0 : index
    %get3A_28 = arith.constant 0 : index
    %get3A_29 = vector.load %arg4[%get3A_27, %get3A_28] : memref<256x512xf32, #tpu.memory_space<vmem>>, vector<128x512xf32>
    %convert_element_type3A_30 = arith.truncf %get3A_29 : vector<128x512xf32> to vector<128x512xbf16>
    %dot_general3A = arith.constant dense<0.000000e+00> : vector<2000x512xf32>
    %dot_general3A_31 = tpu.matmul %convert_element_type3A, %convert_element_type3A_30, %dot_general3A {dimension_numbers = #tpu.dot_dimension_numbers<[1], [0], [0], [1], [0, 0, 1, 1], [], []>, transpose_lhs_hint = false} : vector<2000x128xbf16>, vector<128x512xbf16>, vector<2000x512xf32> -> vector<2000x512xf32>
    %get3A_32 = arith.constant 128 : index
    %get3A_33 = arith.constant 0 : index
    %get3A_34 = vector.load %arg4[%get3A_32, %get3A_33] : memref<256x512xf32, #tpu.memory_space<vmem>>, vector<128x512xf32>
    %convert_element_type3A_35 = arith.truncf %get3A_34 : vector<128x512xf32> to vector<128x512xbf16>
    %dot_general3A_36 = arith.constant dense<0.000000e+00> : vector<2000x512xf32>
    %dot_general3A_37 = tpu.matmul %convert_element_type3A_26, %convert_element_type3A_35, %dot_general3A_36 {dimension_numbers = #tpu.dot_dimension_numbers<[1], [0], [0], [1], [0, 0, 1, 1], [], []>, transpose_lhs_hint = false} : vector<2000x128xbf16>, vector<128x512xbf16>, vector<2000x512xf32> -> vector<2000x512xf32>
    %add3A_38 = arith.addf %dot_general3A_31, %dot_general3A_37 : vector<2000x512xf32>
    %get3A_39 = arith.constant 0 : index
    %get3A_40 = vector.load %arg5[%get3A_39] : memref<512xf32, #tpu.memory_space<vmem>>, vector<512xf32>
    %broadcast_in_dim3A = vector.shape_cast %get3A_40 : vector<512xf32> to vector<1x512xf32>
    %add3A_41 = vector.broadcast %broadcast_in_dim3A : vector<1x512xf32> to vector<2000x512xf32>
    %add3A_42 = arith.addf %add3A_38, %add3A_41 : vector<2000x512xf32>
    %max3A_43 = arith.constant 0.000000e+00 : f32
    %max3A_44 = vector.broadcast %max3A_43 : f32 to vector<2000x512xf32>
    %max3A_45 = arith.maximumf %add3A_42, %max3A_44 : vector<2000x512xf32>
    %convert_element_type3A_46 = arith.truncf %max3A_45 : vector<2000x512xf32> to vector<2000x512xbf16>
    %get3A_47 = arith.constant 0 : index
    %get3A_48 = arith.constant 0 : index
    %get3A_49 = vector.load %arg6[%get3A_47, %get3A_48] : memref<512x128xf32, #tpu.memory_space<vmem>>, vector<512x128xf32>
    %convert_element_type3A_50 = arith.truncf %get3A_49 : vector<512x128xf32> to vector<512x128xbf16>
    %dot_general3A_51 = arith.constant dense<0.000000e+00> : vector<2000x128xf32>
    %dot_general3A_52 = tpu.matmul %convert_element_type3A_46, %convert_element_type3A_50, %dot_general3A_51 {dimension_numbers = #tpu.dot_dimension_numbers<[1], [0], [0], [1], [0, 0, 1, 1], [], []>, transpose_lhs_hint = false} : vector<2000x512xbf16>, vector<512x128xbf16>, vector<2000x128xf32> -> vector<2000x128xf32>
    %get3A_53 = arith.constant 0 : index
    %get3A_54 = vector.load %arg7[%get3A_53] : memref<128xf32, #tpu.memory_space<vmem>>, vector<128xf32>
    %broadcast_in_dim3A_55 = vector.shape_cast %get3A_54 : vector<128xf32> to vector<1x128xf32>
    %add3A_56 = vector.broadcast %broadcast_in_dim3A_55 : vector<1x128xf32> to vector<2000x128xf32>
    %add3A_57 = arith.addf %dot_general3A_52, %add3A_56 : vector<2000x128xf32>
    %swap3A = arith.constant 0 : index
    %swap3A_58 = arith.constant 0 : index
    %swap3A_59 = vector.load %arg12[%swap3A, %swap3A_58] : memref<2000x128xf32, #tpu.memory_space<vmem>>, vector<2000x128xf32>
    tpu.vector_store %arg12[%swap3A, %swap3A_58], %add3A_57 {strides = array<i32>} : memref<2000x128xf32, #tpu.memory_space<vmem>>, vector<2000x128xf32>,
    %get3A_60 = arith.constant 0 : index
    %get3A_61 = arith.constant 0 : index
    %get3A_62 = vector.load %arg8[%get3A_60, %get3A_61] : memref<128x512xf32, #tpu.memory_space<vmem>>, vector<128x512xf32>
    %convert_element_type3A_63 = arith.truncf %get3A_62 : vector<128x512xf32> to vector<128x512xbf16>
    %dot_general3A_64 = arith.constant dense<0.000000e+00> : vector<2000x512xf32>
    %dot_general3A_65 = tpu.matmul %convert_element_type3A, %convert_element_type3A_63, %dot_general3A_64 {dimension_numbers = #tpu.dot_dimension_numbers<[1], [0], [0], [1], [0, 0, 1, 1], [], []>, transpose_lhs_hint = false} : vector<2000x128xbf16>, vector<128x512xbf16>, vector<2000x512xf32> -> vector<2000x512xf32>
    %get3A_66 = arith.constant 0 : index
    %get3A_67 = vector.load %arg9[%get3A_66] : memref<512xf32, #tpu.memory_space<vmem>>, vector<512xf32>
    %broadcast_in_dim3A_68 = vector.shape_cast %get3A_67 : vector<512xf32> to vector<1x512xf32>
    %add3A_69 = vector.broadcast %broadcast_in_dim3A_68 : vector<1x512xf32> to vector<2000x512xf32>
    %add3A_70 = arith.addf %dot_general3A_65, %add3A_69 : vector<2000x512xf32>
    %max3A_71 = arith.constant 0.000000e+00 : f32
    %max3A_72 = vector.broadcast %max3A_71 : f32 to vector<2000x512xf32>
    %max3A_73 = arith.maximumf %add3A_70, %max3A_72 : vector<2000x512xf32>
    %convert_element_type3A_74 = arith.truncf %max3A_73 : vector<2000x512xf32> to vector<2000x512xbf16>
    %get3A_75 = arith.constant 0 : index
    %get3A_76 = arith.constant 0 : index
    %get3A_77 = vector.load %arg10[%get3A_75, %get3A_76] : memref<512x128xf32, #tpu.memory_space<vmem>>, vector<512x128xf32>
    %convert_element_type3A_78 = arith.truncf %get3A_77 : vector<512x128xf32> to vector<512x128xbf16>
    %dot_general3A_79 = arith.constant dense<0.000000e+00> : vector<2000x128xf32>
    %dot_general3A_80 = tpu.matmul %convert_element_type3A_74, %convert_element_type3A_78, %dot_general3A_79 {dimension_numbers = #tpu.dot_dimension_numbers<[1], [0], [0], [1], [0, 0, 1, 1], [], []>, transpose_lhs_hint = false} : vector<2000x512xbf16>, vector<512x128xbf16>, vector<2000x128xf32> -> vector<2000x128xf32>
    %get3A_81 = arith.constant 0 : index
    %get3A_82 = vector.load %arg11[%get3A_81] : memref<128xf32, #tpu.memory_space<vmem>>, vector<128xf32>
    %broadcast_in_dim3A_83 = vector.shape_cast %get3A_82 : vector<128xf32> to vector<1x128xf32>
    %add3A_84 = vector.broadcast %broadcast_in_dim3A_83 : vector<1x128xf32> to vector<2000x128xf32>
    %add3A_85 = arith.addf %dot_general3A_80, %add3A_84 : vector<2000x128xf32>
    %swap3A_86 = arith.constant 0 : index
    %swap3A_87 = arith.constant 0 : index
    %swap3A_88 = vector.load %arg13[%swap3A_86, %swap3A_87] : memref<2000x128xf32, #tpu.memory_space<vmem>>, vector<2000x128xf32>
    tpu.vector_store %arg13[%swap3A_86, %swap3A_87], %add3A_85 {strides = array<i32>} : memref<2000x128xf32, #tpu.memory_space<vmem>>, vector<2000x128xf32>,
    return
  }
  func.func @transform_0(%arg0: i32) -> (i32, i32) {
    %c0_i32 = arith.constant 0 : i32
    %c0_i32_0 = arith.constant 0 : i32
    return %arg0, %c0_i32 : i32, i32
  }
  func.func @transform_1(%arg0: i32) -> (i32, i32, i32) {
    %c0_i32 = arith.constant 0 : i32
    %c0_i32_0 = arith.constant 0 : i32
    %c0_i32_1 = arith.constant 0 : i32
    return %c0_i32, %arg0, %c0_i32_0 : i32, i32, i32
  }
  func.func @transform_2(%arg0: i32) -> (i32, i32, i32) {
    %c0_i32 = arith.constant 0 : i32
    %c0_i32_0 = arith.constant 0 : i32
    %c0_i32_1 = arith.constant 0 : i32
    return %c0_i32, %arg0, %c0_i32_0 : i32, i32, i32
  }
  func.func @transform_3(%arg0: i32) -> (i32, i32) {
    %c0_i32 = arith.constant 0 : i32
    %c0_i32_0 = arith.constant 0 : i32
    %c0_i32_1 = arith.constant 0 : i32
    return %c0_i32, %c0_i32_0 : i32, i32
  }
  func.func @transform_4(%arg0: i32) -> i32 {
    %c0_i32 = arith.constant 0 : i32
    %c0_i32_0 = arith.constant 0 : i32
    return %c0_i32 : i32
  }
  func.func @transform_5(%arg0: i32) -> (i32, i32) {
    %c0_i32 = arith.constant 0 : i32
    %c0_i32_0 = arith.constant 0 : i32
    %c0_i32_1 = arith.constant 0 : i32
    return %c0_i32, %c0_i32_0 : i32, i32
  }
  func.func @transform_6(%arg0: i32) -> i32 {
    %c0_i32 = arith.constant 0 : i32
    %c0_i32_0 = arith.constant 0 : i32
    return %c0_i32 : i32
  }
  func.func @transform_7(%arg0: i32) -> (i32, i32) {
    %c0_i32 = arith.constant 0 : i32
    %c0_i32_0 = arith.constant 0 : i32
    %c0_i32_1 = arith.constant 0 : i32
    return %c0_i32, %c0_i32_0 : i32, i32
  }
  func.func @transform_8(%arg0: i32) -> i32 {
    %c0_i32 = arith.constant 0 : i32
    %c0_i32_0 = arith.constant 0 : i32
    return %c0_i32 : i32
  }
  func.func @transform_9(%arg0: i32) -> (i32, i32) {
    %c0_i32 = arith.constant 0 : i32
    %c0_i32_0 = arith.constant 0 : i32
    %c0_i32_1 = arith.constant 0 : i32
    return %c0_i32, %c0_i32_0 : i32, i32
  }
  func.func @transform_10(%arg0: i32) -> i32 {
    %c0_i32 = arith.constant 0 : i32
    %c0_i32_0 = arith.constant 0 : i32
    return %c0_i32 : i32
  }
  func.func @transform_11(%arg0: i32) -> (i32, i32) {
    %c0_i32 = arith.constant 0 : i32
    %c0_i32_0 = arith.constant 0 : i32
    return %arg0, %c0_i32 : i32, i32
  }
  func.func @transform_12(%arg0: i32) -> (i32, i32) {
    %c0_i32 = arith.constant 0 : i32
    %c0_i32_0 = arith.constant 0 : i32
    return %arg0, %c0_i32 : i32, i32
  }
}

</mosaic_0001>

<sc_bundles>
// kernel: kernel.4.cloned.1.call-start
scs
__scs_entry_jumppad:
0x0: {  	(pc) =	sbr.rel $0x88, $3  }
0x1: {  	(tag) =	ssettag $0x0;
	lr =	simm.s32 $0x1  }
0x2: {  	[smem:$0x3F97] =	sst lr;
	_ =	strace $0xD0000000  }
0x3: {  	_ = 	snop  }
0x4: {  	_ = 	snop  }
0x5: {  	_ = 	snop  }
0x6: {  	_ = 	snop  }
0x7: {  	_ = 	snop  }
__scs_overlays_trampoline_lowered:
0x8: {  	[smem:$0x3FA6] =	sst s0  }
0x9: {  	[smem:$0x3FA7] =	sst s1  }
0xa: {  	[smem:$0x3FA8] =	sst s2  }
0xb: {  	[smem:$0x3FA9] =	sst s3  }
0xc: {  	[smem:$0x3FAA] =	sst s4  }
0xd: {  	[smem:$0x3FAB] =	sst s5  }
0xe: {  	[smem:$0x3FAC] =	sst s6  }
0xf: {  	[smem:$0x3FAD] =	sst s7  }
0x10: {  	[smem:$0x3FAE] =	sst s8  }
0x11: {  	[smem:$0x3FAF] =	sst s9;
	s0 =	simm.s32 @!p0 $0x0  }
0x12: {  	s1 =	sld [smem:$0x3F95];
	s0 =	simm.s32 @p0 $0x1  }
0x13: {  	[smem:$0x3FB0] =	sst s0;
	s0 =	simm.s32 @!p1 $0x0  }
0x14: {  	s2 =	sld [smem:$0x3F94];
	s0 =	simm.s32 @p1 $0x1  }
0x15: {  	[smem:$0x3FB1] =	sst s0;
	s0 =	simm.s32 @!p2 $0x0  }
0x16: {  	s3 =	sld [smem:$0x3FDB];
	s0 =	simm.s32 @p2 $0x1  }
0x17: {  	s4 =	simm.s32 $0x1BF5;
	[smem:$0x3FB3] =	sst s0  }
0x18: {  	s0 =	sld [smem:$0x3F96];
	_ =	swait.ge [sflag:s4], $0x0  }
0x19: {  	s7 =	sld [smem:$0x3F97]  }
0x1a: {  	s8 =	sadd.s32 $0xFFFFE003, lr  }
0x1b: {  	s9 =	sadd.s32 $0xFFFFFEF7, lr;
	s5 =	simm.s32 $0xFFFFFFFF;
	p2 =	slt.u32 s8, $0xFFFFF086  }
0x1c: {  	p1 =	slt.u32 s9, $0xF7A;
	s5 =	simm.s32 @!p2 $0x0  }
0x1d: {  	s5 =	simm.s32 @p1 $0x1;
	p0 =	seq.s32 s7, s2  }
0x1e: {  	s7 =	smul.u32 @!p0 $0xF7A, s2;
	p2 =	seq.s32 @!p0 s5, $0x0  }
0x1f: {  	s9 =	smul.u32 $0xF7A, s1;
	s8 =	simm.s32 @!p0 $0x1BF5;
	p2 =	por !p2, p0  }
0x20: {  	[sflag:s8] =	ssyncset.s32 @!p0 $0xFFFFF086;
	s6 =	sadd.s32 @!p0 s3, s7;
	s7 =	simm.s32 @!p0 $0x108  }
0x21: {  	s3 =	sadd.s32 s3, s9;
	s6 =	sadd.s32 @!p0 $0x88, s6;
	s7 =	simm.s32 @p2 $0x1082  }
0x22: {  	[simem:s7], [sflag:s8] =	dma.local @!p0 [hbm:s6], $0xF7A  }
0x23: {  	s9 =	sor.u32 $0xD0000000, s2;
	s6 =	simm.s32 $0x108;
	_ =	swait.ge @!p0 [sflag:s8], $0x0  }
0x24: {  	s3 =	sadd.s32 $0x88, s3;
	s6 =	simm.s32 @!p1 $0x1082;
	[sflag:s4] =	ssyncset.s32 $0xFFFFF086  }
0x25: {  	[simem:s6], [sflag:s4] =	dma.local [hbm:s3], $0xF7A  }
0x26: {  	[smem:$0x3F97] =	sst s1;
	(tag) =	ssettag s2;
	_ =	strace s9  }
0x27: {  	s1 =	sld [smem:$0x3FA7]  }
0x28: {  	s2 =	sld [smem:$0x3FA8]  }
0x29: {  	s4 =	sld [smem:$0x3FAA]  }
0x2a: {  	p0 =	seq.s32 s5, $0x0;
	s5 =	sld [smem:$0x3FAB]  }
0x2b: {  	s6 =	sld [smem:$0x3FAC]  }
0x2c: {  	s7 =	sld [smem:$0x3FAD]  }
0x2d: {  	s3 =	simm.s32 $0x108;
	s8 =	sld [smem:$0x3FAE]  }
0x2e: {  	s3 =	simm.s32 @!p0 $0x1082;
	s9 =	sld [smem:$0x3FAF]  }
0x2f: {  	lr =	sadd.s32 s0, s3;
	s0 =	sld [smem:$0x3FA6]  }
0x30: {  	s3 =	sld [smem:$0x3FA9]  }
0x31: {  	[smem:$0x3FB2] =	sst s10  }
0x32: {  	s10 =	sld [smem:$0x3FB0];
	_ =	sdelay $0x3  }
0x33: {  	p0 =	seq.s32 s10, $0x1;
	s10 =	sld [smem:$0x3FB2];
	_ =	sdelay $0x3  }
0x34: {  	[smem:$0x3FB2] =	sst s10  }
0x35: {  	s10 =	sld [smem:$0x3FB1];
	_ =	sdelay $0x3  }
0x36: {  	p1 =	seq.s32 s10, $0x1;
	s10 =	sld [smem:$0x3FB2];
	_ =	sdelay $0x3  }
0x37: {  	[smem:$0x3FB2] =	sst s10  }
0x38: {  	s10 =	sld [smem:$0x3FB3]  }
0x39: {  	_ = 	snop;
	(pc) =	sbr.ind lr, $3  }
0x3a: {  	_ = 	snop  }
0x3b: {  	_ = 	snop  }
0x3c: {  	p2 =	seq.s32 s10, $0x1;
	s10 =	sld [smem:$0x3FB2]  }
0x3d: {  	_ =	shalt  }
0x3e: {  	_ =	shalt  }
0x3f: {  	_ =	shalt  }
0x40: {  	_ =	shalt  }
0x41: {  	_ =	shalt  }
0x42: {  	_ =	shalt  }
0x43: {  	_ =	shalt  }
0x44: {  	_ =	shalt  }
0x45: {  	_ =	shalt  }
0x46: {  	_ =	shalt  }
0x47: {  	_ =	shalt  }
0x48: {  	_ =	shalt  }
0x49: {  	_ =	shalt  }
0x4a: {  	_ =	shalt  }
0x4b: {  	_ =	shalt  }
0x4c: {  	_ =	shalt  }
0x4d: {  	_ =	shalt  }
0x4e: {  	_ =	shalt  }
0x4f: {  	_ =	shalt  }
0x50: {  	_ =	shalt  }
0x51: {  	_ =	shalt  }
0x52: {  	_ =	shalt  }
0x53: {  	_ =	shalt  }
0x54: {  	_ =	shalt  }
0x55: {  	_ =	shalt  }
0x56: {  	_ =	shalt  }
0x57: {  	_ =	shalt  }
0x58: {  	_ =	shalt  }
0x59: {  	_ =	shalt  }
0x5a: {  	_ =	shalt  }
0x5b: {  	_ =	shalt  }
0x5c: {  	_ =	shalt  }
0x5d: {  	_ =	shalt  }
0x5e: {  	_ =	shalt  }
0x5f: {  	_ =	shalt  }
0x60: {  	_ =	shalt  }
0x61: {  	_ =	shalt  }
0x62: {  	_ =	shalt  }
0x63: {  	_ =	shalt  }
0x64: {  	_ =	shalt  }
0x65: {  	_ =	shalt  }
0x66: {  	_ =	shalt  }
0x67: {  	_ =	shalt  }
0x68: {  	_ =	shalt  }
0x69: {  	_ =	shalt  }
0x6a: {  	_ =	shalt  }
0x6b: {  	_ =	shalt  }
0x6c: {  	_ =	shalt  }
0x6d: {  	_ =	shalt  }
0x6e: {  	_ =	shalt  }
0x6f: {  	_ =	shalt  }
0x70: {  	_ =	shalt  }
0x71: {  	_ =	shalt  }
0x72: {  	_ =	shalt  }
0x73: {  	_ =	shalt  }
0x74: {  	_ =	shalt  }
0x75: {  	_ =	shalt  }
0x76: {  	_ =	shalt  }
0x77: {  	_ =	shalt  }
0x78: {  	_ =	shalt  }
0x79: {  	_ =	shalt  }
0x7a: {  	_ =	shalt  }
0x7b: {  	_ =	shalt  }
0x7c: {  	_ =	shalt  }
0x7d: {  	_ =	shalt  }
0x7e: {  	_ =	shalt  }
0x7f: {  	_ =	shalt  }
0x80: {  	_ =	shalt  }
0x81: {  	_ =	shalt  }
0x82: {  	_ =	shalt  }
0x83: {  	_ =	shalt  }
0x84: {  	_ =	shalt  }
0x85: {  	_ =	shalt  }
0x86: {  	_ =	shalt  }
0x87: {  	_ =	shalt  }
.Lfunc_end0:
.L_simem_size_0:
called_computation_lowered:
.L_overlay_start_0:
0x88: {  	s2 =	sld [smem:$0x3FD9]  }
0x89: {  	s3 =	sld [smem:$0x3FFE];
	_ =	sdelay $0x1  }
0x8a: {  	s1 =	srdreg.scid  }
0x8b: {  	s0 =	sand.u32 $0x1, s1  }
0x8c: {  	s14 =	sshll.u32 s0, $0xA;
	s2 =	sadd.s32 s3, s2  }
0x8d: {  	s2 =	sadd.s32 s2, s14  }
0x8e: {  	[smem:$0x3FBE] =	sst s2  }
0x8f: {  	_ = 	snop  }
0x90: {  	s2 =	sld [smem:$0x3FD0];
	_ =	sdelay $0x2  }
0x91: {  	s4 =	simm.s32 $0xA;
	s5 =	simm.s32 $0x10;
	s15 =	sld [smem:$0x3FC9]  }
0x92: {  	[smem:s5], [sflag:s4] =	dma.local [hbm:s2], $0x1  }
0x93: {  	_ =	swait.eq [sflag:s4], $0x1  }
0x94: {  	[sflag:s4] =	ssyncset.done $0x0  }
0x95: {  	s16 =	sld [smem:$0x10];
	[sflag:s4] =	ssyncadd.s32 $0xFFFFFFFF  }
0x96: {  	s17 =	sld [smem:$0x11];
	(tm) =	ssettm $0x1  }
0x97: {  	s18 =	sld [smem:$0x3FFB];
	_ =	sdelay $0x3  }
0x98: {  	_ =	strace s18  }
0x99: {  	s5 =	sld [smem:$0x3FFC];
	_ =	sdelay $0x3  }
0x9a: {  	_ =	strace s5  }
0x9b: {  	s5 =	sld [smem:$0x3FFD];
	_ =	sdelay $0x3  }
0x9c: {  	_ =	strace s5  }
0x9d: {  	_ =	strace $0x8FFFFFFF  }
0x9e: {  	s19 =	sld [smem:$0x3FDB];
	_ =	sdelay $0x1  }
0x9f: {  	s6 =	simm.s32 $_scs_section_size  }
0xa0: {  	s7 =	simm.s32 $_size__tile_overlayer_lowered;
	s8 =	simm.s32 $_tile_overlayer_lowered  }
0xa1: {  	s22 =	simm.s32 $0x1BFF;
	s21 =	sshll.u32 s8, $0x1;
	s5 =	sadd.s32 s6, s19  }
0xa2: {  	s9 =	simm.s32 $0x0;
	s20 =	sshll.u32 s7, $0x1;
	s7 =	sadd.s32 s21, s5  }
0xa3: {  	[timem:s9], [sflag:s22] =	dma.local [hbm:s7], s20  }
0xa4: {  	_ =	swait.ge [sflag:s22], s20  }
0xa5: {  	s6 =	ssub.s32 $0x0, s20;
	[sflag:s22] =	ssyncset.done $0x0  }
0xa6: {  	[sflag:s22] =	ssyncadd.s32 s6;
	_ =	sdelay $0x1  }
0xa7: {  	s23 =	simm.s32 $0x1B8B  }
0xa8: {  	_ =	swait.ge [sflag:s23], $0x1  }
0xa9: {  	[sflag:s23] =	ssyncset.done $0x0  }
0xaa: {  	s25 =	simm.s32 $0x1B8E;
	s24 =	sld [smem:$0x3FFE];
	[sflag:s23] =	ssyncadd.s32 $0xFFFFFFFF  }
0xab: {  	s26 =	simm.s32 $execute0_lowered;
	[smem:$0x3FD2] =	sst s25  }
0xac: {  	s7 =	sshll.u32 s26, $0x1;
	_ =	strace $0x80000046;
	[dreg:$0x1] =	wrdreg $0xFFFFFFFF  }
0xad: {  	s28 =	simm.s32 $_size_execute0_lowered;
	s5 =	sadd.s32 s5, s7;
	[dreg:$0x0] =	wrdreg $0x0  }
0xae: {  	s7 =	sshll.u32 s28, $0x1;
	[dreg:$0x2] =	wrdreg s5  }
0xaf: {  	[dreg:$0x3] =	wrdreg s7  }
0xb0: {  	[dreg:$0x4] =	wrdreg $0xC0  }
0xb1: {  	_ =	task [dreg:s9], $0x5FFFF  }
0xb2: {  	[dreg:$0x1] =	wrdreg $0xFFFFFFFF  }
0xb3: {  	[dreg:$0x0] =	wrdreg $0x60  }
0xb4: {  	[dreg:$0x2] =	wrdreg s15  }
0xb5: {  	[dreg:$0x3] =	wrdreg s17  }
0xb6: {  	[dreg:$0x4] =	wrdreg s24  }
0xb7: {  	[dreg:$0x5] =	wrdreg s16  }
0xb8: {  	[dreg:$0x6] =	wrdreg $0x8A200  }
0xb9: {  	[dreg:$0x7] =	wrdreg $0x1C6200  }
0xba: {  	[dreg:$0x8] =	wrdreg $0x9  }
0xbb: {  	_ =	task.clear_ibuf [dreg:s9], $0x9FFFF;
	_ =	strace $0x90000046  }
0xbc: {  	s29 =	simm.s32 $0x9;
	_ =	strace $0x80000048  }
0xbd: {  	_ =	swait.ge [sflag:s29], $0x1  }
0xbe: {  	[sflag:s29] =	ssyncadd.s32 $0xFFFFFFFF  }
0xbf: {  	_ =	strace $0x90000048  }
0xc0: {  	_ =	sfence  }
0xc1: {  	s30 =	sld [smem:$0x0];
	_ =	sdelay $0x2  }
0xc2: {  	s31 =	sshll.u32 s1, $0xD;
	s1 =	sshrl.u32 s1, $0x2  }
0xc3: {  	s3 =	sand.u32 $0x4000, s31;
	s1 =	sadd.s32 s1, s30  }
0xc4: {  	s0 =	sor.u32 s3, s0;
	s1 =	sshll.u32 s1, $0x11  }
0xc5: {  	s0 =	sor.u32 s1, s0  }
0xc6: {  	s0 =	sadd.s32 $0x8F2B, s0  }
0xc7: {  	[sflag:s0] =	ssyncadd.remote.s32 $0x1  }
0xc8: {  	_ =	sfence.sel $0xFFFF  }
0xc9: {  	[dreg:$0x0] =	wrdreg $0xFFFFFFFF;
	(pc) =	sbr.abs _section_cstart, $3  }
0xca: {  	[dreg:$0x1] =	wrdreg $0xFFFFFFFF  }
0xcb: {  	_ =	task.clear_ibuf [dreg:s9], $0x2FFFF;
	_ =	strace $0x9FFFFFFF  }
0xcc: {  	(tm) =	ssettm $0x7FFFFFFF  }
0xcd: {  	_ =	shalt  }
tec
execute0_lowered:
.L_overlay_start_1:
0x0: {  	(tag) =	ssettag $0x1  }
0x1: {  	s0 =	rddreg [dreg:$0x0]  }
0x2: {  	s1 =	rddreg [dreg:$0x1]  }
0x3: {  	s2 =	rddreg [dreg:$0x2]  }
0x4: {  	s6 =	rddreg [dreg:$0x3];
	s4 =	srdreg.scid  }
0x5: {  	s13 =	stileid.u32;
	s3 =	rddreg [dreg:$0x4]  }
0x6: {  	s5 =	simm.s32 $0x0;
	s26 =	simm.s32 $0xA0;
	s14 =	simm.s32 $0x140  }
0x7: {  	s15 =	simm.s32 $0x190;
	s7 =	sand.u32 $0x1, s4;
	s4 =	rddreg [dreg:$0x5]  }
0x8: {  	s17 =	simm.s32 $0x1E0;
	[smem:$0x7FF] =	sst s5;
	s12 =	sadd.s32 $0x2400, s2  }
0x9: {  	s20 =	sadd.s32 $0x2200, s2;
	_ =	strace $0x80000047;
	[smem:$0x7F5] =	sst s12  }
0xa: {  	s18 =	simm.s32 $0x230;
	s8 =	smul.u32 $0x13C00, s13;
	[smem:$0x7F6] =	sst s20  }
0xb: {  	s19 =	simm.s32 $0x280;
	s10 =	smul.u32 $0x4E20, s13;
	[dreg:$0x9] =	wrdreg s26  }
0xc: {  	s28 =	simm.s32 $0x3;
	s25 =	smul.u32 $0x13C0, s13;
	[dreg:$0xb] =	wrdreg s14  }
0xd: {  	s30 =	simm.s32 $0x5;
	s9 =	smul.u32 $0x13C000, s7;
	[dreg:$0xc] =	wrdreg s15  }
0xe: {  	s31 =	simm.s32 $0xCD0;
	s11 =	smul.u32 $0x2710, s7;
	[dreg:$0xd] =	wrdreg s17  }
0xf: {  	s21 =	ssub.s32 $0x2, s7;
	s7 =	smul.u32 $0x13C00, s7;
	[dreg:$0xe] =	wrdreg s18  }
0x10: {  	[dreg:$0xf] =	wrdreg s19;
	s26 =	simm.s32 $0x410;
	s18 =	simm.s32 $0x7D0  }
0x11: {  	s19 =	simm.s32 $0x50;
	s14 =	simm.s32 $0x690;
	[dreg:$0x14] =	wrdreg s26  }
0x12: {  	s17 =	simm.s32 $0x6E0;
	s23 =	sshrl.u32 s21, $0x1;
	[dreg:$0x1c] =	wrdreg s14  }
0x13: {  	[dreg:$0x1d] =	wrdreg s17;
	s26 =	simm.s32 $0x780;
	s17 =	simm.s32 $0xD70  }
0x14: {  	s14 =	simm.s32 $0xF50;
	s9 =	sadd.s32 s8, s9;
	s10 =	sadd.s32 s11, s10  }
0x15: {  	s8 =	sadd.s32 s8, s3;
	s11 =	simm.s32 $0xF0;
	[dreg:$0x1f] =	wrdreg s26  }
0x16: {  	s16 =	sadd.s32 s25, s7;
	s7 =	simm.s32 $0x500;
	[dreg:$0xa] =	wrdreg s11  }
0x17: {  	s9 =	sshrl.u32 s9, $0x3;
	s22 =	sadd.s32 $0x4E200, s10;
	[dreg:$0x17] =	wrdreg s7  }
0x18: {  	s2 =	sadd.s32 s9, s2;
	s9 =	ssub.s32 s21, s23;
	s21 =	simm.s32 $0x2D0  }
0x19: {  	s12 =	sshrl.u32 s22, $0x3;
	s22 =	simm.s32 $0x320;
	[dreg:$0x10] =	wrdreg s21  }
0x1a: {  	s26 =	simm.s32 $0x4;
	s23 =	simm.s32 $0x370;
	[dreg:$0x11] =	wrdreg s22  }
0x1b: {  	s10 =	sshrl.u32 s10, $0x3;
	s24 =	sadd.s32 s12, s1;
	[dreg:$0x12] =	wrdreg s23  }
0x1c: {  	s11 =	simm.s32 $0xFA0;
	s1 =	sadd.s32 s10, s1;
	[dreg:$0x7] =	wrdreg s24  }
0x1d: {  	s7 =	simm.s32 $0xDC0;
	s2 =	sadd.s32 $0x4C00, s2;
	[dreg:$0x8] =	wrdreg s1  }
0x1e: {  	s10 =	sadd.s32 s25, s4;
	s20 =	smax.u32 s9, $0x1;
	[smem:$0x7F7] =	sst s2  }
0x1f: {  	s12 =	simm.s32 $0x8;
	s25 =	simm.s32 $0x3C0;
	[smem:$0x7F9] =	sst s20  }
0x20: {  	s9 =	simm.s32 $0x5A0;
	s21 =	simm.s32 $0x3A20;
	[dreg:$0x13] =	wrdreg s25  }
0x21: {  	s29 =	sshrl.u32 s10, $0x3;
	[dreg:$0x19] =	wrdreg s9;
	s10 =	simm.s32 $0x5F0  }
0x22: {  	s24 =	sshll.u32 s13, $0x6;
	s13 =	simm.s32 $0x640;
	[dreg:$0x1a] =	wrdreg s10  }
0x23: {  	s22 =	simm.s32 $0x6220;
	s25 =	simm.s32 $0x730;
	[dreg:$0x1b] =	wrdreg s13  }
0x24: {  	s23 =	simm.s32 $0x2;
	s2 =	sshrl.u32 s16, $0x3;
	[dreg:$0x1e] =	wrdreg s25  }
0x25: {  	s16 =	simm.s32 $0x1;
	s2 =	sadd.s32 s6, s2;
	[smem:$0x7FD] =	sst s29  }
0x26: {  	s15 =	sor.u32 $0x1C08, s24;
	s6 =	simm.s32 $0x4B0;
	[smem:$0x7F8] =	sst s2  }
0x27: {  	s24 =	sshrl.u32 s8, $0x3;
	s8 =	simm.s32 $0x550;
	[dreg:$0x16] =	wrdreg s6  }
0x28: {  	s20 =	simm.s32 $0x1220;
	s13 =	simm.s32 $0x0;
	[dreg:$0x18] =	wrdreg s8  }
0x29: {  	s1 =	simm.s32 $0xD20;
	s9 =	simm.s32 $0xE60;
	[smem:$0x7FA] =	sst s13  }
0x2a: {  	s25 =	simm.s32 $0x7;
	s10 =	simm.s32 $0xEB0;
	[smem:$0x7FB] =	sst s15  }
0x2b: {  	s2 =	simm.s32 $0x460;
	s8 =	simm.s32 $0xE10;
	[smem:$0x7FC] =	sst s24  }
0x2c: {  	s6 =	simm.s32 $0xF00;
	[dreg:$0x15] =	wrdreg s2;
	s2 =	simm.s32 $0x6  }
.LBB2_1:
0x2d: {  	s13 =	sld [smem:$0x7F6];
	_ =	sdelay $0x2  }
0x2e: {  	[tilespmem:s11], [sflag:$0x8] =	stream.linear.gather [hbm4b:s13+s5], $0x280, $0x38;
	[tilespmem:$0x1D9E0] =	vst v63  }
0x2f: {  	_ =	swait.ge [sflag:s12], $0x280  }
0x30: {  	s13 =	sld [smem:$0x7F5]  }
0x31: {  	[sflag:s12] =	ssyncset.done $0x0  }
0x32: {  	[sflag:s12] =	ssyncadd.s32 $0xFFFFFD80  }
0x33: {  	[spmem:s24], [sflag:s15] =	dma.local [hbm:s13], $0x2780  }
0x34: {  	_ =	swait.ge [sflag:s12], $0x2780  }
0x35: {  	[sflag:s12] =	ssyncset.done $0x0  }
0x36: {  	s24 =	simm.s32 $0x10;
	[sflag:s12] =	ssyncadd.s32 $0xFFFFD880  }
0x37: {  	[spmem:s29@s16], [sflag:s15] =	dma.strided [hbm:s13@s24], $0x278, s16, $0x1   }
0x38: {  	_ =	swait.ge [sflag:s12], $0x278  }
0x39: {  	[sflag:s12] =	ssyncset.done $0x0  }
0x3a: {  	[sflag:s12] =	ssyncadd.s32 $0xFFFFFD88  }
0x3b: {  	[bflag:$0x0] =	sbarrier.arrive $0xFFFF  }
0x3c: {  	s29 =	rddreg [dreg:$0x8]  }
0x3d: {  	s13 =	sadd.s32 $0x0, s29  }
0x3e: {  	[tilespmem:s5], [sflag:$0x8] =	stream.linear.gather [hbm4b:s13+s5], $0x7D0, $0x38;
	[tilespmem:$0x1D9E0] =	vst v63  }
0x3f: {  	_ =	swait.ge [sflag:s12], $0x7D0  }
0x40: {  	s15 =	rddreg [dreg:$0x7];
	[sflag:s12] =	ssyncset.done $0x0  }
0x41: {  	[sflag:s12] =	ssyncadd.s32 $0xFFFFF830;
	s13 =	sadd.s32 $0x0, s15  }
0x42: {  	[tilespmem:s18], [sflag:$0x8] =	stream.linear.gather [hbm4b:s13+s5], $0x7D0, $0x38;
	[tilespmem:$0x1D9E0] =	vst v63  }
0x43: {  	_ =	swait.ge [sflag:s12], $0x7D0  }
0x44: {  	[sflag:s12] =	ssyncset.done $0x0  }
0x45: {  	[sflag:s12] =	ssyncadd.s32 $0xFFFFF830  }
0x46: {  	[tilespmem:s20], [sflag:$0x1] =	stream.indirect.gather [hbm4b:s0+s19], $0x80, s5, s19, $0xb8;
	[tilespmem:$0x1D9E0] =	vst v63  }
0x47: {  	_ = 	snop  }
0x48: {  	[tilespmem:s21], [sflag:$0x2] =	stream.indirect.gather [hbm4b:s0+s19], $0x80, s19, s19, $0xb8;
	[tilespmem:$0x1D9E0] =	vst v63  }
0x49: {  	_ =	swait.ge [sflag:s16], $0x2800  }
0x4a: {  	[sflag:s16] =	ssyncset.done $0x0  }
0x4b: {  	[sflag:s16] =	ssyncadd.s32 $0xFFFFD800  }
0x4c: {  	[spmem:s3] =	stream.indirect.scatter.add.f32 [tilespmem:s20], [sflag:$0x4], $0x80, s18, s19, $0xb8;
	[tilespmem:$0x1D9E0] =	vst v63  }
0x4d: {  	_ = 	snop  }
0x4e: {  	[spmem:s4] =	stream.indirect.scatter.add.f32 [tilespmem:s11], [sflag:$0x7], $0x8, s18, s19, $0xb8;
	[tilespmem:$0x1D9E0] =	vst v63  }
0x4f: {  	s24 =	rddreg [dreg:$0x9]  }
0x50: {  	[tilespmem:s22], [sflag:$0x3] =	stream.indirect.gather [hbm4b:s0+s19], $0x80, s24, s19, $0xb8;
	[tilespmem:$0x1D9E0] =	vst v63  }
0x51: {  	_ =	swait.ge [sflag:s23], $0x2800  }
0x52: {  	[sflag:s23] =	ssyncset.done $0x0  }
0x53: {  	s29 =	simm.s32 $0x820;
	[sflag:s23] =	ssyncadd.s32 $0xFFFFD800  }
0x54: {  	[spmem:s3] =	stream.indirect.scatter.add.f32 [tilespmem:s21], [sflag:$0x5], $0x80, s29, s19, $0xb8;
	[tilespmem:$0x1D9E0] =	vst v63  }
0x55: {  	_ = 	snop  }
0x56: {  	[spmem:s4] =	stream.indirect.scatter.add.f32 [tilespmem:s11], [sflag:$0x7], $0x8, s29, s19, $0xb8;
	[tilespmem:$0x1D9E0] =	vst v63  }
0x57: {  	_ =	swait.ge [sflag:s25], $0x280  }
0x58: {  	[sflag:s25] =	ssyncset.done $0x0  }
0x59: {  	[sflag:s25] =	ssyncadd.s32 $0xFFFFFD80  }
0x5a: {  	_ =	swait.ge [sflag:s26], $0x2800  }
0x5b: {  	[sflag:s26] =	ssyncset.done $0x0  }
0x5c: {  	s15 =	rddreg [dreg:$0xa];
	[sflag:s26] =	ssyncadd.s32 $0xFFFFD800  }
0x5d: {  	[tilespmem:s20], [sflag:$0x1] =	stream.indirect.gather [hbm4b:s0+s19], $0x80, s15, s19, $0xb8;
	[tilespmem:$0x1D9E0] =	vst v63  }
0x5e: {  	_ =	swait.ge [sflag:s28], $0x2800  }
0x5f: {  	[sflag:s28] =	ssyncset.done $0x0  }
0x60: {  	s24 =	simm.s32 $0x870;
	[sflag:s28] =	ssyncadd.s32 $0xFFFFD800  }
0x61: {  	[spmem:s3] =	stream.indirect.scatter.add.f32 [tilespmem:s22], [sflag:$0x6], $0x80, s24, s19, $0xb8;
	[tilespmem:$0x1D9E0] =	vst v63  }
0x62: {  	_ = 	snop  }
0x63: {  	[spmem:s4] =	stream.indirect.scatter.add.f32 [tilespmem:s11], [sflag:$0x7], $0x8, s24, s19, $0xb8;
	[tilespmem:$0x1D9E0] =	vst v63  }
0x64: {  	_ =	swait.ge [sflag:s25], $0x280  }
0x65: {  	[sflag:s25] =	ssyncset.done $0x0  }
0x66: {  	[sflag:s25] =	ssyncadd.s32 $0xFFFFFD80  }
0x67: {  	_ =	swait.ge [sflag:s30], $0x2800  }
0x68: {  	[sflag:s30] =	ssyncset.done $0x0  }
0x69: {  	s29 =	rddreg [dreg:$0xb];
	[sflag:s30] =	ssyncadd.s32 $0xFFFFD800  }
0x6a: {  	[tilespmem:s21], [sflag:$0x2] =	stream.indirect.gather [hbm4b:s0+s19], $0x80, s29, s19, $0xb8;
	[tilespmem:$0x1D9E0] =	vst v63  }
0x6b: {  	_ =	swait.ge [sflag:s16], $0x2800  }
0x6c: {  	[sflag:s16] =	ssyncset.done $0x0  }
0x6d: {  	s15 =	simm.s32 $0x8C0;
	[sflag:s16] =	ssyncadd.s32 $0xFFFFD800  }
0x6e: {  	[spmem:s3] =	stream.indirect.scatter.add.f32 [tilespmem:s20], [sflag:$0x4], $0x80, s15, s19, $0xb8;
	[tilespmem:$0x1D9E0] =	vst v63  }
0x6f: {  	_ = 	snop  }
0x70: {  	[spmem:s4] =	stream.indirect.scatter.add.f32 [tilespmem:s11], [sflag:$0x7], $0x8, s15, s19, $0xb8;
	[tilespmem:$0x1D9E0] =	vst v63  }
0x71: {  	_ =	swait.ge [sflag:s25], $0x280  }
0x72: {  	[sflag:s25] =	ssyncset.done $0x0  }
0x73: {  	[sflag:s25] =	ssyncadd.s32 $0xFFFFFD80  }
0x74: {  	_ =	swait.ge [sflag:s2], $0x2800  }
0x75: {  	[sflag:s2] =	ssyncset.done $0x0  }
0x76: {  	s24 =	rddreg [dreg:$0xc];
	[sflag:s2] =	ssyncadd.s32 $0xFFFFD800  }
0x77: {  	[tilespmem:s22], [sflag:$0x3] =	stream.indirect.gather [hbm4b:s0+s19], $0x80, s24, s19, $0xb8;
	[tilespmem:$0x1D9E0] =	vst v63  }
0x78: {  	_ =	swait.ge [sflag:s23], $0x2800  }
0x79: {  	[sflag:s23] =	ssyncset.done $0x0  }
0x7a: {  	s29 =	simm.s32 $0x910;
	[sflag:s23] =	ssyncadd.s32 $0xFFFFD800  }
0x7b: {  	[spmem:s3] =	stream.indirect.scatter.add.f32 [tilespmem:s21], [sflag:$0x5], $0x80, s29, s19, $0xb8;
	[tilespmem:$0x1D9E0] =	vst v63  }
0x7c: {  	_ = 	snop  }
0x7d: {  	[spmem:s4] =	stream.indirect.scatter.add.f32 [tilespmem:s11], [sflag:$0x7], $0x8, s29, s19, $0xb8;
	[tilespmem:$0x1D9E0] =	vst v63  }
0x7e: {  	_ =	swait.ge [sflag:s25], $0x280  }
0x7f: {  	[sflag:s25] =	ssyncset.done $0x0  }
0x80: {  	[sflag:s25] =	ssyncadd.s32 $0xFFFFFD80  }
0x81: {  	_ =	swait.ge [sflag:s26], $0x2800  }
0x82: {  	[sflag:s26] =	ssyncset.done $0x0  }
0x83: {  	s15 =	rddreg [dreg:$0xd];
	[sflag:s26] =	ssyncadd.s32 $0xFFFFD800  }
0x84: {  	[tilespmem:s20], [sflag:$0x1] =	stream.indirect.gather [hbm4b:s0+s19], $0x80, s15, s19, $0xb8;
	[tilespmem:$0x1D9E0] =	vst v63  }
0x85: {  	_ =	swait.ge [sflag:s28], $0x2800  }
0x86: {  	[sflag:s28] =	ssyncset.done $0x0  }
0x87: {  	s24 =	simm.s32 $0x960;
	[sflag:s28] =	ssyncadd.s32 $0xFFFFD800  }
0x88: {  	[spmem:s3] =	stream.indirect.scatter.add.f32 [tilespmem:s22], [sflag:$0x6], $0x80, s24, s19, $0xb8;
	[tilespmem:$0x1D9E0] =	vst v63  }
0x89: {  	_ = 	snop  }
0x8a: {  	[spmem:s4] =	stream.indirect.scatter.add.f32 [tilespmem:s11], [sflag:$0x7], $0x8, s24, s19, $0xb8;
	[tilespmem:$0x1D9E0] =	vst v63  }
0x8b: {  	_ =	swait.ge [sflag:s25], $0x280  }
0x8c: {  	[sflag:s25] =	ssyncset.done $0x0  }
0x8d: {  	[sflag:s25] =	ssyncadd.s32 $0xFFFFFD80  }
0x8e: {  	_ =	swait.ge [sflag:s30], $0x2800  }
0x8f: {  	[sflag:s30] =	ssyncset.done $0x0  }
0x90: {  	s29 =	rddreg [dreg:$0xe];
	[sflag:s30] =	ssyncadd.s32 $0xFFFFD800  }
0x91: {  	[tilespmem:s21], [sflag:$0x2] =	stream.indirect.gather [hbm4b:s0+s19], $0x80, s29, s19, $0xb8;
	[tilespmem:$0x1D9E0] =	vst v63  }
0x92: {  	_ =	swait.ge [sflag:s16], $0x2800  }
0x93: {  	[sflag:s16] =	ssyncset.done $0x0  }
0x94: {  	s15 =	simm.s32 $0x9B0;
	[sflag:s16] =	ssyncadd.s32 $0xFFFFD800  }
0x95: {  	[spmem:s3] =	stream.indirect.scatter.add.f32 [tilespmem:s20], [sflag:$0x4], $0x80, s15, s19, $0xb8;
	[tilespmem:$0x1D9E0] =	vst v63  }
0x96: {  	_ = 	snop  }
0x97: {  	[spmem:s4] =	stream.indirect.scatter.add.f32 [tilespmem:s11], [sflag:$0x7], $0x8, s15, s19, $0xb8;
	[tilespmem:$0x1D9E0] =	vst v63  }
0x98: {  	_ =	swait.ge [sflag:s25], $0x280  }
0x99: {  	[sflag:s25] =	ssyncset.done $0x0  }
0x9a: {  	[sflag:s25] =	ssyncadd.s32 $0xFFFFFD80  }
0x9b: {  	_ =	swait.ge [sflag:s2], $0x2800  }
0x9c: {  	[sflag:s2] =	ssyncset.done $0x0  }
0x9d: {  	s24 =	rddreg [dreg:$0xf];
	[sflag:s2] =	ssyncadd.s32 $0xFFFFD800  }
0x9e: {  	[tilespmem:s22], [sflag:$0x3] =	stream.indirect.gather [hbm4b:s0+s19], $0x80, s24, s19, $0xb8;
	[tilespmem:$0x1D9E0] =	vst v63  }
0x9f: {  	_ =	swait.ge [sflag:s23], $0x2800  }
0xa0: {  	[sflag:s23] =	ssyncset.done $0x0  }
0xa1: {  	s29 =	simm.s32 $0xA00;
	[sflag:s23] =	ssyncadd.s32 $0xFFFFD800  }
0xa2: {  	[spmem:s3] =	stream.indirect.scatter.add.f32 [tilespmem:s21], [sflag:$0x5], $0x80, s29, s19, $0xb8;
	[tilespmem:$0x1D9E0] =	vst v63  }
0xa3: {  	_ = 	snop  }
0xa4: {  	[spmem:s4] =	stream.indirect.scatter.add.f32 [tilespmem:s11], [sflag:$0x7], $0x8, s29, s19, $0xb8;
	[tilespmem:$0x1D9E0] =	vst v63  }
0xa5: {  	_ =	swait.ge [sflag:s25], $0x280  }
0xa6: {  	[sflag:s25] =	ssyncset.done $0x0  }
0xa7: {  	[sflag:s25] =	ssyncadd.s32 $0xFFFFFD80  }
0xa8: {  	_ =	swait.ge [sflag:s26], $0x2800  }
0xa9: {  	[sflag:s26] =	ssyncset.done $0x0  }
0xaa: {  	s15 =	rddreg [dreg:$0x10];
	[sflag:s26] =	ssyncadd.s32 $0xFFFFD800  }
0xab: {  	[tilespmem:s20], [sflag:$0x1] =	stream.indirect.gather [hbm4b:s0+s19], $0x80, s15, s19, $0xb8;
	[tilespmem:$0x1D9E0] =	vst v63  }
0xac: {  	_ =	swait.ge [sflag:s28], $0x2800  }
0xad: {  	[sflag:s28] =	ssyncset.done $0x0  }
0xae: {  	s24 =	simm.s32 $0xA50;
	[sflag:s28] =	ssyncadd.s32 $0xFFFFD800  }
0xaf: {  	[spmem:s3] =	stream.indirect.scatter.add.f32 [tilespmem:s22], [sflag:$0x6], $0x80, s24, s19, $0xb8;
	[tilespmem:$0x1D9E0] =	vst v63  }
0xb0: {  	_ = 	snop  }
0xb1: {  	[spmem:s4] =	stream.indirect.scatter.add.f32 [tilespmem:s11], [sflag:$0x7], $0x8, s24, s19, $0xb8;
	[tilespmem:$0x1D9E0] =	vst v63  }
0xb2: {  	_ =	swait.ge [sflag:s25], $0x280  }
0xb3: {  	[sflag:s25] =	ssyncset.done $0x0  }
0xb4: {  	[sflag:s25] =	ssyncadd.s32 $0xFFFFFD80  }
0xb5: {  	_ =	swait.ge [sflag:s30], $0x2800  }
0xb6: {  	[sflag:s30] =	ssyncset.done $0x0  }
0xb7: {  	s29 =	rddreg [dreg:$0x11];
	[sflag:s30] =	ssyncadd.s32 $0xFFFFD800  }
0xb8: {  	[tilespmem:s21], [sflag:$0x2] =	stream.indirect.gather [hbm4b:s0+s19], $0x80, s29, s19, $0xb8;
	[tilespmem:$0x1D9E0] =	vst v63  }
0xb9: {  	_ =	swait.ge [sflag:s16], $0x2800  }
0xba: {  	[sflag:s16] =	ssyncset.done $0x0  }
0xbb: {  	s15 =	simm.s32 $0xAA0;
	[sflag:s16] =	ssyncadd.s32 $0xFFFFD800  }
0xbc: {  	[spmem:s3] =	stream.indirect.scatter.add.f32 [tilespmem:s20], [sflag:$0x4], $0x80, s15, s19, $0xb8;
	[tilespmem:$0x1D9E0] =	vst v63  }
0xbd: {  	_ = 	snop  }
0xbe: {  	[spmem:s4] =	stream.indirect.scatter.add.f32 [tilespmem:s11], [sflag:$0x7], $0x8, s15, s19, $0xb8;
	[tilespmem:$0x1D9E0] =	vst v63  }
0xbf: {  	_ =	swait.ge [sflag:s25], $0x280  }
0xc0: {  	[sflag:s25] =	ssyncset.done $0x0  }
0xc1: {  	[sflag:s25] =	ssyncadd.s32 $0xFFFFFD80  }
0xc2: {  	_ =	swait.ge [sflag:s2], $0x2800  }
0xc3: {  	[sflag:s2] =	ssyncset.done $0x0  }
0xc4: {  	s24 =	rddreg [dreg:$0x12];
	[sflag:s2] =	ssyncadd.s32 $0xFFFFD800  }
0xc5: {  	[tilespmem:s22], [sflag:$0x3] =	stream.indirect.gather [hbm4b:s0+s19], $0x80, s24, s19, $0xb8;
	[tilespmem:$0x1D9E0] =	vst v63  }
0xc6: {  	_ =	swait.ge [sflag:s23], $0x2800  }
0xc7: {  	[sflag:s23] =	ssyncset.done $0x0  }
0xc8: {  	s29 =	simm.s32 $0xAF0;
	[sflag:s23] =	ssyncadd.s32 $0xFFFFD800  }
0xc9: {  	[spmem:s3] =	stream.indirect.scatter.add.f32 [tilespmem:s21], [sflag:$0x5], $0x80, s29, s19, $0xb8;
	[tilespmem:$0x1D9E0] =	vst v63  }
0xca: {  	_ = 	snop  }
0xcb: {  	[spmem:s4] =	stream.indirect.scatter.add.f32 [tilespmem:s11], [sflag:$0x7], $0x8, s29, s19, $0xb8;
	[tilespmem:$0x1D9E0] =	vst v63  }
0xcc: {  	_ =	swait.ge [sflag:s25], $0x280  }
0xcd: {  	[sflag:s25] =	ssyncset.done $0x0  }
0xce: {  	[sflag:s25] =	ssyncadd.s32 $0xFFFFFD80  }
0xcf: {  	_ =	swait.ge [sflag:s26], $0x2800  }
0xd0: {  	[sflag:s26] =	ssyncset.done $0x0  }
0xd1: {  	s15 =	rddreg [dreg:$0x13];
	[sflag:s26] =	ssyncadd.s32 $0xFFFFD800  }
0xd2: {  	[tilespmem:s20], [sflag:$0x1] =	stream.indirect.gather [hbm4b:s0+s19], $0x80, s15, s19, $0xb8;
	[tilespmem:$0x1D9E0] =	vst v63  }
0xd3: {  	_ =	swait.ge [sflag:s28], $0x2800  }
0xd4: {  	[sflag:s28] =	ssyncset.done $0x0  }
0xd5: {  	s24 =	simm.s32 $0xB40;
	[sflag:s28] =	ssyncadd.s32 $0xFFFFD800  }
0xd6: {  	[spmem:s3] =	stream.indirect.scatter.add.f32 [tilespmem:s22], [sflag:$0x6], $0x80, s24, s19, $0xb8;
	[tilespmem:$0x1D9E0] =	vst v63  }
0xd7: {  	_ = 	snop  }
0xd8: {  	[spmem:s4] =	stream.indirect.scatter.add.f32 [tilespmem:s11], [sflag:$0x7], $0x8, s24, s19, $0xb8;
	[tilespmem:$0x1D9E0] =	vst v63  }
0xd9: {  	_ =	swait.ge [sflag:s25], $0x280  }
0xda: {  	[sflag:s25] =	ssyncset.done $0x0  }
0xdb: {  	[sflag:s25] =	ssyncadd.s32 $0xFFFFFD80  }
0xdc: {  	_ =	swait.ge [sflag:s30], $0x2800  }
0xdd: {  	[sflag:s30] =	ssyncset.done $0x0  }
0xde: {  	s29 =	rddreg [dreg:$0x14];
	[sflag:s30] =	ssyncadd.s32 $0xFFFFD800  }
0xdf: {  	[tilespmem:s21], [sflag:$0x2] =	stream.indirect.gather [hbm4b:s0+s19], $0x80, s29, s19, $0xb8;
	[tilespmem:$0x1D9E0] =	vst v63  }
0xe0: {  	_ =	swait.ge [sflag:s16], $0x2800  }
0xe1: {  	[sflag:s16] =	ssyncset.done $0x0  }
0xe2: {  	s15 =	simm.s32 $0xB90;
	[sflag:s16] =	ssyncadd.s32 $0xFFFFD800  }
0xe3: {  	[spmem:s3] =	stream.indirect.scatter.add.f32 [tilespmem:s20], [sflag:$0x4], $0x80, s15, s19, $0xb8;
	[tilespmem:$0x1D9E0] =	vst v63  }
0xe4: {  	_ = 	snop  }
0xe5: {  	[spmem:s4] =	stream.indirect.scatter.add.f32 [tilespmem:s11], [sflag:$0x7], $0x8, s15, s19, $0xb8;
	[tilespmem:$0x1D9E0] =	vst v63  }
0xe6: {  	_ =	swait.ge [sflag:s25], $0x280  }
0xe7: {  	[sflag:s25] =	ssyncset.done $0x0  }
0xe8: {  	[sflag:s25] =	ssyncadd.s32 $0xFFFFFD80  }
0xe9: {  	_ =	swait.ge [sflag:s2], $0x2800  }
0xea: {  	[sflag:s2] =	ssyncset.done $0x0  }
0xeb: {  	s24 =	rddreg [dreg:$0x15];
	[sflag:s2] =	ssyncadd.s32 $0xFFFFD800  }
0xec: {  	[tilespmem:s22], [sflag:$0x3] =	stream.indirect.gather [hbm4b:s0+s19], $0x80, s24, s19, $0xb8;
	[tilespmem:$0x1D9E0] =	vst v63  }
0xed: {  	_ =	swait.ge [sflag:s23], $0x2800  }
0xee: {  	[sflag:s23] =	ssyncset.done $0x0  }
0xef: {  	s29 =	simm.s32 $0xBE0;
	[sflag:s23] =	ssyncadd.s32 $0xFFFFD800  }
0xf0: {  	[spmem:s3] =	stream.indirect.scatter.add.f32 [tilespmem:s21], [sflag:$0x5], $0x80, s29, s19, $0xb8;
	[tilespmem:$0x1D9E0] =	vst v63  }
0xf1: {  	_ = 	snop  }
0xf2: {  	[spmem:s4] =	stream.indirect.scatter.add.f32 [tilespmem:s11], [sflag:$0x7], $0x8, s29, s19, $0xb8;
	[tilespmem:$0x1D9E0] =	vst v63  }
0xf3: {  	_ =	swait.ge [sflag:s25], $0x280  }
0xf4: {  	[sflag:s25] =	ssyncset.done $0x0  }
0xf5: {  	[sflag:s25] =	ssyncadd.s32 $0xFFFFFD80  }
0xf6: {  	_ =	swait.ge [sflag:s26], $0x2800  }
0xf7: {  	[sflag:s26] =	ssyncset.done $0x0  }
0xf8: {  	s15 =	rddreg [dreg:$0x16];
	[sflag:s26] =	ssyncadd.s32 $0xFFFFD800  }
0xf9: {  	[tilespmem:s20], [sflag:$0x1] =	stream.indirect.gather [hbm4b:s0+s19], $0x80, s15, s19, $0xb8;
	[tilespmem:$0x1D9E0] =	vst v63  }
0xfa: {  	_ =	swait.ge [sflag:s28], $0x2800  }
0xfb: {  	[sflag:s28] =	ssyncset.done $0x0  }
0xfc: {  	s24 =	simm.s32 $0xC30;
	[sflag:s28] =	ssyncadd.s32 $0xFFFFD800  }
0xfd: {  	[spmem:s3] =	stream.indirect.scatter.add.f32 [tilespmem:s22], [sflag:$0x6], $0x80, s24, s19, $0xb8;
	[tilespmem:$0x1D9E0] =	vst v63  }
0xfe: {  	_ = 	snop  }
0xff: {  	[spmem:s4] =	stream.indirect.scatter.add.f32 [tilespmem:s11], [sflag:$0x7], $0x8, s24, s19, $0xb8;
	[tilespmem:$0x1D9E0] =	vst v63  }
0x100: {  	_ =	swait.ge [sflag:s25], $0x280  }
0x101: {  	[sflag:s25] =	ssyncset.done $0x0  }
0x102: {  	[sflag:s25] =	ssyncadd.s32 $0xFFFFFD80  }
0x103: {  	_ =	swait.ge [sflag:s30], $0x2800  }
0x104: {  	[sflag:s30] =	ssyncset.done $0x0  }
0x105: {  	s29 =	rddreg [dreg:$0x17];
	[sflag:s30] =	ssyncadd.s32 $0xFFFFD800  }
0x106: {  	[tilespmem:s21], [sflag:$0x2] =	stream.indirect.gather [hbm4b:s0+s19], $0x80, s29, s19, $0xb8;
	[tilespmem:$0x1D9E0] =	vst v63  }
0x107: {  	_ =	swait.ge [sflag:s16], $0x2800  }
0x108: {  	[sflag:s16] =	ssyncset.done $0x0  }
0x109: {  	s15 =	simm.s32 $0xC80;
	[sflag:s16] =	ssyncadd.s32 $0xFFFFD800  }
0x10a: {  	[spmem:s3] =	stream.indirect.scatter.add.f32 [tilespmem:s20], [sflag:$0x4], $0x80, s15, s19, $0xb8;
	[tilespmem:$0x1D9E0] =	vst v63  }
0x10b: {  	_ = 	snop  }
0x10c: {  	[spmem:s4] =	stream.indirect.scatter.add.f32 [tilespmem:s11], [sflag:$0x7], $0x8, s15, s19, $0xb8;
	[tilespmem:$0x1D9E0] =	vst v63  }
0x10d: {  	_ =	swait.ge [sflag:s25], $0x280  }
0x10e: {  	[sflag:s25] =	ssyncset.done $0x0  }
0x10f: {  	[sflag:s25] =	ssyncadd.s32 $0xFFFFFD80  }
0x110: {  	_ =	swait.ge [sflag:s2], $0x2800  }
0x111: {  	[sflag:s2] =	ssyncset.done $0x0  }
0x112: {  	s24 =	rddreg [dreg:$0x18];
	[sflag:s2] =	ssyncadd.s32 $0xFFFFD800  }
0x113: {  	[tilespmem:s22], [sflag:$0x3] =	stream.indirect.gather [hbm4b:s0+s19], $0x80, s24, s19, $0xb8;
	[tilespmem:$0x1D9E0] =	vst v63  }
0x114: {  	_ =	swait.ge [sflag:s23], $0x2800  }
0x115: {  	[sflag:s23] =	ssyncset.done $0x0  }
0x116: {  	[sflag:s23] =	ssyncadd.s32 $0xFFFFD800  }
0x117: {  	[spmem:s3] =	stream.indirect.scatter.add.f32 [tilespmem:s21], [sflag:$0x5], $0x80, s31, s19, $0xb8;
	[tilespmem:$0x1D9E0] =	vst v63  }
0x118: {  	_ = 	snop  }
0x119: {  	[spmem:s4] =	stream.indirect.scatter.add.f32 [tilespmem:s11], [sflag:$0x7], $0x8, s31, s19, $0xb8;
	[tilespmem:$0x1D9E0] =	vst v63  }
0x11a: {  	_ =	swait.ge [sflag:s25], $0x280  }
0x11b: {  	[sflag:s25] =	ssyncset.done $0x0  }
0x11c: {  	[sflag:s25] =	ssyncadd.s32 $0xFFFFFD80  }
0x11d: {  	_ =	swait.ge [sflag:s26], $0x2800  }
0x11e: {  	[sflag:s26] =	ssyncset.done $0x0  }
0x11f: {  	s29 =	rddreg [dreg:$0x19];
	[sflag:s26] =	ssyncadd.s32 $0xFFFFD800  }
0x120: {  	[tilespmem:s20], [sflag:$0x1] =	stream.indirect.gather [hbm4b:s0+s19], $0x80, s29, s19, $0xb8;
	[tilespmem:$0x1D9E0] =	vst v63  }
0x121: {  	_ =	swait.ge [sflag:s28], $0x2800  }
0x122: {  	[sflag:s28] =	ssyncset.done $0x0  }
0x123: {  	[sflag:s28] =	ssyncadd.s32 $0xFFFFD800  }
0x124: {  	[spmem:s3] =	stream.indirect.scatter.add.f32 [tilespmem:s22], [sflag:$0x6], $0x80, s1, s19, $0xb8;
	[tilespmem:$0x1D9E0] =	vst v63  }
0x125: {  	_ = 	snop  }
0x126: {  	[spmem:s4] =	stream.indirect.scatter.add.f32 [tilespmem:s11], [sflag:$0x7], $0x8, s1, s19, $0xb8;
	[tilespmem:$0x1D9E0] =	vst v63  }
0x127: {  	_ =	swait.ge [sflag:s25], $0x280  }
0x128: {  	[sflag:s25] =	ssyncset.done $0x0  }
0x129: {  	[sflag:s25] =	ssyncadd.s32 $0xFFFFFD80  }
0x12a: {  	_ =	swait.ge [sflag:s30], $0x2800  }
0x12b: {  	[sflag:s30] =	ssyncset.done $0x0  }
0x12c: {  	s15 =	rddreg [dreg:$0x1a];
	[sflag:s30] =	ssyncadd.s32 $0xFFFFD800  }
0x12d: {  	[tilespmem:s21], [sflag:$0x2] =	stream.indirect.gather [hbm4b:s0+s19], $0x80, s15, s19, $0xb8;
	[tilespmem:$0x1D9E0] =	vst v63  }
0x12e: {  	_ =	swait.ge [sflag:s16], $0x2800  }
0x12f: {  	[sflag:s16] =	ssyncset.done $0x0  }
0x130: {  	[sflag:s16] =	ssyncadd.s32 $0xFFFFD800  }
0x131: {  	[spmem:s3] =	stream.indirect.scatter.add.f32 [tilespmem:s20], [sflag:$0x4], $0x80, s17, s19, $0xb8;
	[tilespmem:$0x1D9E0] =	vst v63  }
0x132: {  	_ = 	snop  }
0x133: {  	[spmem:s4] =	stream.indirect.scatter.add.f32 [tilespmem:s11], [sflag:$0x7], $0x8, s17, s19, $0xb8;
	[tilespmem:$0x1D9E0] =	vst v63  }
0x134: {  	_ =	swait.ge [sflag:s25], $0x280  }
0x135: {  	[sflag:s25] =	ssyncset.done $0x0  }
0x136: {  	[sflag:s25] =	ssyncadd.s32 $0xFFFFFD80  }
0x137: {  	_ =	swait.ge [sflag:s2], $0x2800  }
0x138: {  	[sflag:s2] =	ssyncset.done $0x0  }
0x139: {  	s24 =	rddreg [dreg:$0x1b];
	[sflag:s2] =	ssyncadd.s32 $0xFFFFD800  }
0x13a: {  	[tilespmem:s22], [sflag:$0x3] =	stream.indirect.gather [hbm4b:s0+s19], $0x80, s24, s19, $0xb8;
	[tilespmem:$0x1D9E0] =	vst v63  }
0x13b: {  	_ =	swait.ge [sflag:s23], $0x2800  }
0x13c: {  	[sflag:s23] =	ssyncset.done $0x0  }
0x13d: {  	[sflag:s23] =	ssyncadd.s32 $0xFFFFD800  }
0x13e: {  	[spmem:s3] =	stream.indirect.scatter.add.f32 [tilespmem:s21], [sflag:$0x5], $0x80, s7, s19, $0xb8;
	[tilespmem:$0x1D9E0] =	vst v63  }
0x13f: {  	_ = 	snop  }
0x140: {  	[spmem:s4] =	stream.indirect.scatter.add.f32 [tilespmem:s11], [sflag:$0x7], $0x8, s7, s19, $0xb8;
	[tilespmem:$0x1D9E0] =	vst v63  }
0x141: {  	_ =	swait.ge [sflag:s25], $0x280  }
0x142: {  	[sflag:s25] =	ssyncset.done $0x0  }
0x143: {  	[sflag:s25] =	ssyncadd.s32 $0xFFFFFD80  }
0x144: {  	_ =	swait.ge [sflag:s26], $0x2800  }
0x145: {  	[sflag:s26] =	ssyncset.done $0x0  }
0x146: {  	s29 =	rddreg [dreg:$0x1c];
	[sflag:s26] =	ssyncadd.s32 $0xFFFFD800  }
0x147: {  	[tilespmem:s20], [sflag:$0x1] =	stream.indirect.gather [hbm4b:s0+s19], $0x80, s29, s19, $0xb8;
	[tilespmem:$0x1D9E0] =	vst v63  }
0x148: {  	_ =	swait.ge [sflag:s28], $0x2800  }
0x149: {  	[sflag:s28] =	ssyncset.done $0x0  }
0x14a: {  	[sflag:s28] =	ssyncadd.s32 $0xFFFFD800  }
0x14b: {  	[spmem:s3] =	stream.indirect.scatter.add.f32 [tilespmem:s22], [sflag:$0x6], $0x80, s8, s19, $0xb8;
	[tilespmem:$0x1D9E0] =	vst v63  }
0x14c: {  	_ = 	snop  }
0x14d: {  	[spmem:s4] =	stream.indirect.scatter.add.f32 [tilespmem:s11], [sflag:$0x7], $0x8, s8, s19, $0xb8;
	[tilespmem:$0x1D9E0] =	vst v63  }
0x14e: {  	_ =	swait.ge [sflag:s25], $0x280  }
0x14f: {  	[sflag:s25] =	ssyncset.done $0x0  }
0x150: {  	[sflag:s25] =	ssyncadd.s32 $0xFFFFFD80  }
0x151: {  	_ =	swait.ge [sflag:s30], $0x2800  }
0x152: {  	[sflag:s30] =	ssyncset.done $0x0  }
0x153: {  	s15 =	rddreg [dreg:$0x1d];
	[sflag:s30] =	ssyncadd.s32 $0xFFFFD800  }
0x154: {  	[tilespmem:s21], [sflag:$0x2] =	stream.indirect.gather [hbm4b:s0+s19], $0x80, s15, s19, $0xb8;
	[tilespmem:$0x1D9E0] =	vst v63  }
0x155: {  	_ =	swait.ge [sflag:s16], $0x2800  }
0x156: {  	[sflag:s16] =	ssyncset.done $0x0  }
0x157: {  	[sflag:s16] =	ssyncadd.s32 $0xFFFFD800  }
0x158: {  	[spmem:s3] =	stream.indirect.scatter.add.f32 [tilespmem:s20], [sflag:$0x4], $0x80, s9, s19, $0xb8;
	[tilespmem:$0x1D9E0] =	vst v63  }
0x159: {  	_ = 	snop  }
0x15a: {  	[spmem:s4] =	stream.indirect.scatter.add.f32 [tilespmem:s11], [sflag:$0x7], $0x8, s9, s19, $0xb8;
	[tilespmem:$0x1D9E0] =	vst v63  }
0x15b: {  	_ =	swait.ge [sflag:s25], $0x280  }
0x15c: {  	[sflag:s25] =	ssyncset.done $0x0  }
0x15d: {  	[sflag:s25] =	ssyncadd.s32 $0xFFFFFD80  }
0x15e: {  	_ =	swait.ge [sflag:s2], $0x2800  }
0x15f: {  	[sflag:s2] =	ssyncset.done $0x0  }
0x160: {  	s24 =	rddreg [dreg:$0x1e];
	[sflag:s2] =	ssyncadd.s32 $0xFFFFD800  }
0x161: {  	[tilespmem:s22], [sflag:$0x3] =	stream.indirect.gather [hbm4b:s0+s19], $0x80, s24, s19, $0xb8;
	[tilespmem:$0x1D9E0] =	vst v63  }
0x162: {  	_ =	swait.ge [sflag:s23], $0x2800  }
0x163: {  	[sflag:s23] =	ssyncset.done $0x0  }
0x164: {  	[sflag:s23] =	ssyncadd.s32 $0xFFFFD800  }
0x165: {  	[spmem:s3] =	stream.indirect.scatter.add.f32 [tilespmem:s21], [sflag:$0x5], $0x80, s10, s19, $0xb8;
	[tilespmem:$0x1D9E0] =	vst v63  }
0x166: {  	_ = 	snop  }
0x167: {  	[spmem:s4] =	stream.indirect.scatter.add.f32 [tilespmem:s11], [sflag:$0x7], $0x8, s10, s19, $0xb8;
	[tilespmem:$0x1D9E0] =	vst v63  }
0x168: {  	_ =	swait.ge [sflag:s25], $0x280  }
0x169: {  	[sflag:s25] =	ssyncset.done $0x0  }
0x16a: {  	[sflag:s25] =	ssyncadd.s32 $0xFFFFFD80  }
0x16b: {  	_ =	swait.ge [sflag:s26], $0x2800  }
0x16c: {  	[sflag:s26] =	ssyncset.done $0x0  }
0x16d: {  	s29 =	rddreg [dreg:$0x1f];
	[sflag:s26] =	ssyncadd.s32 $0xFFFFD800  }
0x16e: {  	[tilespmem:s20], [sflag:$0x1] =	stream.indirect.gather [hbm4b:s0+s19], $0x80, s29, s19, $0xb8;
	[tilespmem:$0x1D9E0] =	vst v63  }
0x16f: {  	_ =	swait.ge [sflag:s28], $0x2800  }
0x170: {  	[sflag:s28] =	ssyncset.done $0x0  }
0x171: {  	[sflag:s28] =	ssyncadd.s32 $0xFFFFD800  }
0x172: {  	[spmem:s3] =	stream.indirect.scatter.add.f32 [tilespmem:s22], [sflag:$0x6], $0x80, s6, s19, $0xb8;
	[tilespmem:$0x1D9E0] =	vst v63  }
0x173: {  	_ = 	snop  }
0x174: {  	[spmem:s4] =	stream.indirect.scatter.add.f32 [tilespmem:s11], [sflag:$0x7], $0x8, s6, s19, $0xb8;
	[tilespmem:$0x1D9E0] =	vst v63  }
0x175: {  	_ =	swait.ge [sflag:s25], $0x280  }
0x176: {  	[sflag:s25] =	ssyncset.done $0x0  }
0x177: {  	[sflag:s25] =	ssyncadd.s32 $0xFFFFFD80  }
0x178: {  	_ =	swait.ge [sflag:s16], $0x2800  }
0x179: {  	[sflag:s16] =	ssyncset.done $0x0  }
0x17a: {  	[sflag:s16] =	ssyncadd.s32 $0xFFFFD800  }
0x17b: {  	[spmem:s3] =	stream.indirect.scatter.add.f32 [tilespmem:s20], [sflag:$0x4], $0x80, s14, s19, $0xb8;
	[tilespmem:$0x1D9E0] =	vst v63  }
0x17c: {  	_ = 	snop  }
0x17d: {  	[spmem:s4] =	stream.indirect.scatter.add.f32 [tilespmem:s11], [sflag:$0x7], $0x8, s14, s19, $0xb8;
	[tilespmem:$0x1D9E0] =	vst v63  }
0x17e: {  	_ =	swait.ge [sflag:s25], $0x280  }
0x17f: {  	[sflag:s25] =	ssyncset.done $0x0  }
0x180: {  	[sflag:s25] =	ssyncadd.s32 $0xFFFFFD80  }
0x181: {  	_ =	swait.ge [sflag:s30], $0x2800  }
0x182: {  	[sflag:s30] =	ssyncset.done $0x0  }
0x183: {  	[sflag:s30] =	ssyncadd.s32 $0xFFFFD800  }
0x184: {  	_ =	swait.ge [sflag:s2], $0x2800  }
0x185: {  	[sflag:s2] =	ssyncset.done $0x0  }
0x186: {  	[sflag:s2] =	ssyncadd.s32 $0xFFFFD800  }
0x187: {  	_ =	swait.ge [sflag:s26], $0x2800  }
0x188: {  	[sflag:s26] =	ssyncset.done $0x0  }
0x189: {  	[sflag:s26] =	ssyncadd.s32 $0xFFFFD800  }
0x18a: {  	s13 =	simm.s32 $0x1F4;
	_ =	swait.ge [sflag:s25], $0x280  }
0x18b: {  	s15 =	simm.s32 $0xFA;
	s24 =	rddreg [dreg:$0x8];
	[sflag:s25] =	ssyncset.done $0x0  }
.LBB2_2:
0x18c: {  	[sflag:s25] =	ssyncadd.s32 $0xFFFFFD80;
	s24 =	sadd.s32 s15, s24  }
0x18d: {  	[tilespmem:s5], [sflag:$0x8] =	stream.linear.gather [hbm4b:s24+s5], $0x7D0, $0x38;
	[tilespmem:$0x1D9E0] =	vst v63  }
0x18e: {  	_ =	swait.ge [sflag:s12], $0x7D0  }
0x18f: {  	s24 =	rddreg [dreg:$0x7];
	[sflag:s12] =	ssyncset.done $0x0  }
0x190: {  	[sflag:s12] =	ssyncadd.s32 $0xFFFFF830;
	s24 =	sadd.s32 s15, s24  }
0x191: {  	[tilespmem:s18], [sflag:$0x8] =	stream.linear.gather [hbm4b:s24+s5], $0x7D0, $0x38;
	[tilespmem:$0x1D9E0] =	vst v63  }
0x192: {  	_ =	swait.ge [sflag:s12], $0x7D0  }
0x193: {  	[sflag:s12] =	ssyncset.done $0x0  }
0x194: {  	[sflag:s12] =	ssyncadd.s32 $0xFFFFF830  }
0x195: {  	[tilespmem:s20], [sflag:$0x1] =	stream.indirect.gather [hbm4b:s0+s19], $0x80, s5, s19, $0xb8;
	[tilespmem:$0x1D9E0] =	vst v63  }
0x196: {  	_ = 	snop  }
0x197: {  	[tilespmem:s21], [sflag:$0x2] =	stream.indirect.gather [hbm4b:s0+s19], $0x80, s19, s19, $0xb8;
	[tilespmem:$0x1D9E0] =	vst v63  }
0x198: {  	_ =	swait.ge [sflag:s16], $0x2800  }
0x199: {  	[sflag:s16] =	ssyncset.done $0x0  }
0x19a: {  	[sflag:s16] =	ssyncadd.s32 $0xFFFFD800  }
0x19b: {  	[spmem:s3] =	stream.indirect.scatter.add.f32 [tilespmem:s20], [sflag:$0x4], $0x80, s18, s19, $0xb8;
	[tilespmem:$0x1D9E0] =	vst v63  }
0x19c: {  	s29 =	smov.u32 s13  }
0x19d: {  	[spmem:s4] =	stream.indirect.scatter.add.f32 [tilespmem:s11], [sflag:$0x7], $0x8, s18, s19, $0xb8;
	[tilespmem:$0x1D9E0] =	vst v63  }
0x19e: {  	s15 =	smov.u32 s29;
	s29 =	rddreg [dreg:$0x9]  }
0x19f: {  	[tilespmem:s22], [sflag:$0x3] =	stream.indirect.gather [hbm4b:s0+s19], $0x80, s29, s19, $0xb8;
	[tilespmem:$0x1D9E0] =	vst v63  }
0x1a0: {  	_ =	swait.ge [sflag:s23], $0x2800  }
0x1a1: {  	[sflag:s23] =	ssyncset.done $0x0  }
0x1a2: {  	s29 =	simm.s32 $0x820;
	[sflag:s23] =	ssyncadd.s32 $0xFFFFD800  }
0x1a3: {  	[spmem:s3] =	stream.indirect.scatter.add.f32 [tilespmem:s21], [sflag:$0x5], $0x80, s29, s19, $0xb8;
	[tilespmem:$0x1D9E0] =	vst v63  }
0x1a4: {  	_ = 	snop  }
0x1a5: {  	[spmem:s4] =	stream.indirect.scatter.add.f32 [tilespmem:s11], [sflag:$0x7], $0x8, s29, s19, $0xb8;
	[tilespmem:$0x1D9E0] =	vst v63  }
0x1a6: {  	_ =	swait.ge [sflag:s25], $0x280  }
0x1a7: {  	[sflag:s25] =	ssyncset.done $0x0  }
0x1a8: {  	[sflag:s25] =	ssyncadd.s32 $0xFFFFFD80  }
0x1a9: {  	_ =	swait.ge [sflag:s26], $0x2800  }
0x1aa: {  	[sflag:s26] =	ssyncset.done $0x0  }
0x1ab: {  	s29 =	rddreg [dreg:$0xa];
	[sflag:s26] =	ssyncadd.s32 $0xFFFFD800  }
0x1ac: {  	[tilespmem:s20], [sflag:$0x1] =	stream.indirect.gather [hbm4b:s0+s19], $0x80, s29, s19, $0xb8;
	[tilespmem:$0x1D9E0] =	vst v63  }
0x1ad: {  	_ =	swait.ge [sflag:s28], $0x2800  }
0x1ae: {  	[sflag:s28] =	ssyncset.done $0x0  }
0x1af: {  	s29 =	simm.s32 $0x870;
	[sflag:s28] =	ssyncadd.s32 $0xFFFFD800  }
0x1b0: {  	[spmem:s3] =	stream.indirect.scatter.add.f32 [tilespmem:s22], [sflag:$0x6], $0x80, s29, s19, $0xb8;
	[tilespmem:$0x1D9E0] =	vst v63  }
0x1b1: {  	_ = 	snop  }
0x1b2: {  	[spmem:s4] =	stream.indirect.scatter.add.f32 [tilespmem:s11], [sflag:$0x7], $0x8, s29, s19, $0xb8;
	[tilespmem:$0x1D9E0] =	vst v63  }
0x1b3: {  	_ =	swait.ge [sflag:s25], $0x280  }
0x1b4: {  	[sflag:s25] =	ssyncset.done $0x0  }
0x1b5: {  	[sflag:s25] =	ssyncadd.s32 $0xFFFFFD80  }
0x1b6: {  	_ =	swait.ge [sflag:s30], $0x2800  }
0x1b7: {  	[sflag:s30] =	ssyncset.done $0x0  }
0x1b8: {  	s29 =	rddreg [dreg:$0xb];
	[sflag:s30] =	ssyncadd.s32 $0xFFFFD800  }
0x1b9: {  	[tilespmem:s21], [sflag:$0x2] =	stream.indirect.gather [hbm4b:s0+s19], $0x80, s29, s19, $0xb8;
	[tilespmem:$0x1D9E0] =	vst v63  }
0x1ba: {  	_ =	swait.ge [sflag:s16], $0x2800  }
0x1bb: {  	[sflag:s16] =	ssyncset.done $0x0  }
0x1bc: {  	s29 =	simm.s32 $0x8C0;
	[sflag:s16] =	ssyncadd.s32 $0xFFFFD800  }
0x1bd: {  	[spmem:s3] =	stream.indirect.scatter.add.f32 [tilespmem:s20], [sflag:$0x4], $0x80, s29, s19, $0xb8;
	[tilespmem:$0x1D9E0] =	vst v63  }
0x1be: {  	_ = 	snop  }
0x1bf: {  	[spmem:s4] =	stream.indirect.scatter.add.f32 [tilespmem:s11], [sflag:$0x7], $0x8, s29, s19, $0xb8;
	[tilespmem:$0x1D9E0] =	vst v63  }
0x1c0: {  	_ =	swait.ge [sflag:s25], $0x280  }
0x1c1: {  	[sflag:s25] =	ssyncset.done $0x0  }
0x1c2: {  	[sflag:s25] =	ssyncadd.s32 $0xFFFFFD80  }
0x1c3: {  	_ =	swait.ge [sflag:s2], $0x2800  }
0x1c4: {  	[sflag:s2] =	ssyncset.done $0x0  }
0x1c5: {  	s29 =	rddreg [dreg:$0xc];
	[sflag:s2] =	ssyncadd.s32 $0xFFFFD800  }
0x1c6: {  	[tilespmem:s22], [sflag:$0x3] =	stream.indirect.gather [hbm4b:s0+s19], $0x80, s29, s19, $0xb8;
	[tilespmem:$0x1D9E0] =	vst v63  }
0x1c7: {  	_ =	swait.ge [sflag:s23], $0x2800  }
0x1c8: {  	[sflag:s23] =	ssyncset.done $0x0  }
0x1c9: {  	s29 =	simm.s32 $0x910;
	[sflag:s23] =	ssyncadd.s32 $0xFFFFD800  }
0x1ca: {  	[spmem:s3] =	stream.indirect.scatter.add.f32 [tilespmem:s21], [sflag:$0x5], $0x80, s29, s19, $0xb8;
	[tilespmem:$0x1D9E0] =	vst v63  }
0x1cb: {  	_ = 	snop  }
0x1cc: {  	[spmem:s4] =	stream.indirect.scatter.add.f32 [tilespmem:s11], [sflag:$0x7], $0x8, s29, s19, $0xb8;
	[tilespmem:$0x1D9E0] =	vst v63  }
0x1cd: {  	_ =	swait.ge [sflag:s25], $0x280  }
0x1ce: {  	[sflag:s25] =	ssyncset.done $0x0  }
0x1cf: {  	[sflag:s25] =	ssyncadd.s32 $0xFFFFFD80  }
0x1d0: {  	_ =	swait.ge [sflag:s26], $0x2800  }
0x1d1: {  	[sflag:s26] =	ssyncset.done $0x0  }
0x1d2: {  	s29 =	rddreg [dreg:$0xd];
	[sflag:s26] =	ssyncadd.s32 $0xFFFFD800  }
0x1d3: {  	[tilespmem:s20], [sflag:$0x1] =	stream.indirect.gather [hbm4b:s0+s19], $0x80, s29, s19, $0xb8;
	[tilespmem:$0x1D9E0] =	vst v63  }
0x1d4: {  	_ =	swait.ge [sflag:s28], $0x2800  }
0x1d5: {  	[sflag:s28] =	ssyncset.done $0x0  }
0x1d6: {  	s29 =	simm.s32 $0x960;
	[sflag:s28] =	ssyncadd.s32 $0xFFFFD800  }
0x1d7: {  	[spmem:s3] =	stream.indirect.scatter.add.f32 [tilespmem:s22], [sflag:$0x6], $0x80, s29, s19, $0xb8;
	[tilespmem:$0x1D9E0] =	vst v63  }
0x1d8: {  	_ = 	snop  }
0x1d9: {  	[spmem:s4] =	stream.indirect.scatter.add.f32 [tilespmem:s11], [sflag:$0x7], $0x8, s29, s19, $0xb8;
	[tilespmem:$0x1D9E0] =	vst v63  }
0x1da: {  	_ =	swait.ge [sflag:s25], $0x280  }
0x1db: {  	[sflag:s25] =	ssyncset.done $0x0  }
0x1dc: {  	[sflag:s25] =	ssyncadd.s32 $0xFFFFFD80  }
0x1dd: {  	_ =	swait.ge [sflag:s30], $0x2800  }
0x1de: {  	[sflag:s30] =	ssyncset.done $0x0  }
0x1df: {  	s29 =	rddreg [dreg:$0xe];
	[sflag:s30] =	ssyncadd.s32 $0xFFFFD800  }
0x1e0: {  	[tilespmem:s21], [sflag:$0x2] =	stream.indirect.gather [hbm4b:s0+s19], $0x80, s29, s19, $0xb8;
	[tilespmem:$0x1D9E0] =	vst v63  }
0x1e1: {  	_ =	swait.ge [sflag:s16], $0x2800  }
0x1e2: {  	[sflag:s16] =	ssyncset.done $0x0  }
0x1e3: {  	s29 =	simm.s32 $0x9B0;
	[sflag:s16] =	ssyncadd.s32 $0xFFFFD800  }
0x1e4: {  	[spmem:s3] =	stream.indirect.scatter.add.f32 [tilespmem:s20], [sflag:$0x4], $0x80, s29, s19, $0xb8;
	[tilespmem:$0x1D9E0] =	vst v63  }
0x1e5: {  	_ = 	snop  }
0x1e6: {  	[spmem:s4] =	stream.indirect.scatter.add.f32 [tilespmem:s11], [sflag:$0x7], $0x8, s29, s19, $0xb8;
	[tilespmem:$0x1D9E0] =	vst v63  }
0x1e7: {  	_ =	swait.ge [sflag:s25], $0x280  }
0x1e8: {  	[sflag:s25] =	ssyncset.done $0x0  }
0x1e9: {  	[sflag:s25] =	ssyncadd.s32 $0xFFFFFD80  }
0x1ea: {  	_ =	swait.ge [sflag:s2], $0x2800  }
0x1eb: {  	[sflag:s2] =	ssyncset.done $0x0  }
0x1ec: {  	s29 =	rddreg [dreg:$0xf];
	[sflag:s2] =	ssyncadd.s32 $0xFFFFD800  }
0x1ed: {  	[tilespmem:s22], [sflag:$0x3] =	stream.indirect.gather [hbm4b:s0+s19], $0x80, s29, s19, $0xb8;
	[tilespmem:$0x1D9E0] =	vst v63  }
0x1ee: {  	_ =	swait.ge [sflag:s23], $0x2800  }
0x1ef: {  	[sflag:s23] =	ssyncset.done $0x0  }
0x1f0: {  	s29 =	simm.s32 $0xA00;
	[sflag:s23] =	ssyncadd.s32 $0xFFFFD800  }
0x1f1: {  	[spmem:s3] =	stream.indirect.scatter.add.f32 [tilespmem:s21], [sflag:$0x5], $0x80, s29, s19, $0xb8;
	[tilespmem:$0x1D9E0] =	vst v63  }
0x1f2: {  	_ = 	snop  }
0x1f3: {  	[spmem:s4] =	stream.indirect.scatter.add.f32 [tilespmem:s11], [sflag:$0x7], $0x8, s29, s19, $0xb8;
	[tilespmem:$0x1D9E0] =	vst v63  }
0x1f4: {  	_ =	swait.ge [sflag:s25], $0x280  }
0x1f5: {  	[sflag:s25] =	ssyncset.done $0x0  }
0x1f6: {  	[sflag:s25] =	ssyncadd.s32 $0xFFFFFD80  }
0x1f7: {  	_ =	swait.ge [sflag:s26], $0x2800  }
0x1f8: {  	[sflag:s26] =	ssyncset.done $0x0  }
0x1f9: {  	s29 =	rddreg [dreg:$0x10];
	[sflag:s26] =	ssyncadd.s32 $0xFFFFD800  }
0x1fa: {  	[tilespmem:s20], [sflag:$0x1] =	stream.indirect.gather [hbm4b:s0+s19], $0x80, s29, s19, $0xb8;
	[tilespmem:$0x1D9E0] =	vst v63  }
0x1fb: {  	_ =	swait.ge [sflag:s28], $0x2800  }
0x1fc: {  	[sflag:s28] =	ssyncset.done $0x0  }
0x1fd: {  	s29 =	simm.s32 $0xA50;
	[sflag:s28] =	ssyncadd.s32 $0xFFFFD800  }
0x1fe: {  	[spmem:s3] =	stream.indirect.scatter.add.f32 [tilespmem:s22], [sflag:$0x6], $0x80, s29, s19, $0xb8;
	[tilespmem:$0x1D9E0] =	vst v63  }
0x1ff: {  	_ = 	snop  }
0x200: {  	[spmem:s4] =	stream.indirect.scatter.add.f32 [tilespmem:s11], [sflag:$0x7], $0x8, s29, s19, $0xb8;
	[tilespmem:$0x1D9E0] =	vst v63  }
0x201: {  	_ =	swait.ge [sflag:s25], $0x280  }
0x202: {  	[sflag:s25] =	ssyncset.done $0x0  }
0x203: {  	[sflag:s25] =	ssyncadd.s32 $0xFFFFFD80  }
0x204: {  	_ =	swait.ge [sflag:s30], $0x2800  }
0x205: {  	[sflag:s30] =	ssyncset.done $0x0  }
0x206: {  	s29 =	rddreg [dreg:$0x11];
	[sflag:s30] =	ssyncadd.s32 $0xFFFFD800  }
0x207: {  	[tilespmem:s21], [sflag:$0x2] =	stream.indirect.gather [hbm4b:s0+s19], $0x80, s29, s19, $0xb8;
	[tilespmem:$0x1D9E0] =	vst v63  }
0x208: {  	_ =	swait.ge [sflag:s16], $0x2800  }
0x209: {  	[sflag:s16] =	ssyncset.done $0x0  }
0x20a: {  	s29 =	simm.s32 $0xAA0;
	[sflag:s16] =	ssyncadd.s32 $0xFFFFD800  }
0x20b: {  	[spmem:s3] =	stream.indirect.scatter.add.f32 [tilespmem:s20], [sflag:$0x4], $0x80, s29, s19, $0xb8;
	[tilespmem:$0x1D9E0] =	vst v63  }
0x20c: {  	_ = 	snop  }
0x20d: {  	[spmem:s4] =	stream.indirect.scatter.add.f32 [tilespmem:s11], [sflag:$0x7], $0x8, s29, s19, $0xb8;
	[tilespmem:$0x1D9E0] =	vst v63  }
0x20e: {  	_ =	swait.ge [sflag:s25], $0x280  }
0x20f: {  	[sflag:s25] =	ssyncset.done $0x0  }
0x210: {  	[sflag:s25] =	ssyncadd.s32 $0xFFFFFD80  }
0x211: {  	_ =	swait.ge [sflag:s2], $0x2800  }
0x212: {  	[sflag:s2] =	ssyncset.done $0x0  }
0x213: {  	s29 =	rddreg [dreg:$0x12];
	[sflag:s2] =	ssyncadd.s32 $0xFFFFD800  }
0x214: {  	[tilespmem:s22], [sflag:$0x3] =	stream.indirect.gather [hbm4b:s0+s19], $0x80, s29, s19, $0xb8;
	[tilespmem:$0x1D9E0] =	vst v63  }
0x215: {  	_ =	swait.ge [sflag:s23], $0x2800  }
0x216: {  	[sflag:s23] =	ssyncset.done $0x0  }
0x217: {  	s29 =	simm.s32 $0xAF0;
	[sflag:s23] =	ssyncadd.s32 $0xFFFFD800  }
0x218: {  	[spmem:s3] =	stream.indirect.scatter.add.f32 [tilespmem:s21], [sflag:$0x5], $0x80, s29, s19, $0xb8;
	[tilespmem:$0x1D9E0] =	vst v63  }
0x219: {  	_ = 	snop  }
0x21a: {  	[spmem:s4] =	stream.indirect.scatter.add.f32 [tilespmem:s11], [sflag:$0x7], $0x8, s29, s19, $0xb8;
	[tilespmem:$0x1D9E0] =	vst v63  }
0x21b: {  	_ =	swait.ge [sflag:s25], $0x280  }
0x21c: {  	[sflag:s25] =	ssyncset.done $0x0  }
0x21d: {  	[sflag:s25] =	ssyncadd.s32 $0xFFFFFD80  }
0x21e: {  	_ =	swait.ge [sflag:s26], $0x2800  }
0x21f: {  	[sflag:s26] =	ssyncset.done $0x0  }
0x220: {  	s29 =	rddreg [dreg:$0x13];
	[sflag:s26] =	ssyncadd.s32 $0xFFFFD800  }
0x221: {  	[tilespmem:s20], [sflag:$0x1] =	stream.indirect.gather [hbm4b:s0+s19], $0x80, s29, s19, $0xb8;
	[tilespmem:$0x1D9E0] =	vst v63  }
0x222: {  	_ =	swait.ge [sflag:s28], $0x2800  }
0x223: {  	[sflag:s28] =	ssyncset.done $0x0  }
0x224: {  	s29 =	simm.s32 $0xB40;
	[sflag:s28] =	ssyncadd.s32 $0xFFFFD800  }
0x225: {  	[spmem:s3] =	stream.indirect.scatter.add.f32 [tilespmem:s22], [sflag:$0x6], $0x80, s29, s19, $0xb8;
	[tilespmem:$0x1D9E0] =	vst v63  }
0x226: {  	_ = 	snop  }
0x227: {  	[spmem:s4] =	stream.indirect.scatter.add.f32 [tilespmem:s11], [sflag:$0x7], $0x8, s29, s19, $0xb8;
	[tilespmem:$0x1D9E0] =	vst v63  }
0x228: {  	_ =	swait.ge [sflag:s25], $0x280  }
0x229: {  	[sflag:s25] =	ssyncset.done $0x0  }
0x22a: {  	[sflag:s25] =	ssyncadd.s32 $0xFFFFFD80  }
0x22b: {  	_ =	swait.ge [sflag:s30], $0x2800  }
0x22c: {  	[sflag:s30] =	ssyncset.done $0x0  }
0x22d: {  	s29 =	rddreg [dreg:$0x14];
	[sflag:s30] =	ssyncadd.s32 $0xFFFFD800  }
0x22e: {  	[tilespmem:s21], [sflag:$0x2] =	stream.indirect.gather [hbm4b:s0+s19], $0x80, s29, s19, $0xb8;
	[tilespmem:$0x1D9E0] =	vst v63  }
0x22f: {  	_ =	swait.ge [sflag:s16], $0x2800  }
0x230: {  	[sflag:s16] =	ssyncset.done $0x0  }
0x231: {  	s29 =	simm.s32 $0xB90;
	[sflag:s16] =	ssyncadd.s32 $0xFFFFD800  }
0x232: {  	[spmem:s3] =	stream.indirect.scatter.add.f32 [tilespmem:s20], [sflag:$0x4], $0x80, s29, s19, $0xb8;
	[tilespmem:$0x1D9E0] =	vst v63  }
0x233: {  	_ = 	snop  }
0x234: {  	[spmem:s4] =	stream.indirect.scatter.add.f32 [tilespmem:s11], [sflag:$0x7], $0x8, s29, s19, $0xb8;
	[tilespmem:$0x1D9E0] =	vst v63  }
0x235: {  	_ =	swait.ge [sflag:s25], $0x280  }
0x236: {  	[sflag:s25] =	ssyncset.done $0x0  }
0x237: {  	[sflag:s25] =	ssyncadd.s32 $0xFFFFFD80  }
0x238: {  	_ =	swait.ge [sflag:s2], $0x2800  }
0x239: {  	[sflag:s2] =	ssyncset.done $0x0  }
0x23a: {  	s29 =	rddreg [dreg:$0x15];
	[sflag:s2] =	ssyncadd.s32 $0xFFFFD800  }
0x23b: {  	[tilespmem:s22], [sflag:$0x3] =	stream.indirect.gather [hbm4b:s0+s19], $0x80, s29, s19, $0xb8;
	[tilespmem:$0x1D9E0] =	vst v63  }
0x23c: {  	_ =	swait.ge [sflag:s23], $0x2800  }
0x23d: {  	[sflag:s23] =	ssyncset.done $0x0  }
0x23e: {  	s29 =	simm.s32 $0xBE0;
	[sflag:s23] =	ssyncadd.s32 $0xFFFFD800  }
0x23f: {  	[spmem:s3] =	stream.indirect.scatter.add.f32 [tilespmem:s21], [sflag:$0x5], $0x80, s29, s19, $0xb8;
	[tilespmem:$0x1D9E0] =	vst v63  }
0x240: {  	_ = 	snop  }
0x241: {  	[spmem:s4] =	stream.indirect.scatter.add.f32 [tilespmem:s11], [sflag:$0x7], $0x8, s29, s19, $0xb8;
	[tilespmem:$0x1D9E0] =	vst v63  }
0x242: {  	_ =	swait.ge [sflag:s25], $0x280  }
0x243: {  	[sflag:s25] =	ssyncset.done $0x0  }
0x244: {  	[sflag:s25] =	ssyncadd.s32 $0xFFFFFD80  }
0x245: {  	_ =	swait.ge [sflag:s26], $0x2800  }
0x246: {  	[sflag:s26] =	ssyncset.done $0x0  }
0x247: {  	s29 =	rddreg [dreg:$0x16];
	[sflag:s26] =	ssyncadd.s32 $0xFFFFD800  }
0x248: {  	[tilespmem:s20], [sflag:$0x1] =	stream.indirect.gather [hbm4b:s0+s19], $0x80, s29, s19, $0xb8;
	[tilespmem:$0x1D9E0] =	vst v63  }
0x249: {  	_ =	swait.ge [sflag:s28], $0x2800  }
0x24a: {  	[sflag:s28] =	ssyncset.done $0x0  }
0x24b: {  	s29 =	simm.s32 $0xC30;
	[sflag:s28] =	ssyncadd.s32 $0xFFFFD800  }
0x24c: {  	[spmem:s3] =	stream.indirect.scatter.add.f32 [tilespmem:s22], [sflag:$0x6], $0x80, s29, s19, $0xb8;
	[tilespmem:$0x1D9E0] =	vst v63  }
0x24d: {  	_ = 	snop  }
0x24e: {  	[spmem:s4] =	stream.indirect.scatter.add.f32 [tilespmem:s11], [sflag:$0x7], $0x8, s29, s19, $0xb8;
	[tilespmem:$0x1D9E0] =	vst v63  }
0x24f: {  	_ =	swait.ge [sflag:s25], $0x280  }
0x250: {  	[sflag:s25] =	ssyncset.done $0x0  }
0x251: {  	[sflag:s25] =	ssyncadd.s32 $0xFFFFFD80  }
0x252: {  	_ =	swait.ge [sflag:s30], $0x2800  }
0x253: {  	[sflag:s30] =	ssyncset.done $0x0  }
0x254: {  	s29 =	rddreg [dreg:$0x17];
	[sflag:s30] =	ssyncadd.s32 $0xFFFFD800  }
0x255: {  	[tilespmem:s21], [sflag:$0x2] =	stream.indirect.gather [hbm4b:s0+s19], $0x80, s29, s19, $0xb8;
	[tilespmem:$0x1D9E0] =	vst v63  }
0x256: {  	_ =	swait.ge [sflag:s16], $0x2800  }
0x257: {  	[sflag:s16] =	ssyncset.done $0x0  }
0x258: {  	s29 =	simm.s32 $0xC80;
	[sflag:s16] =	ssyncadd.s32 $0xFFFFD800  }
0x259: {  	[spmem:s3] =	stream.indirect.scatter.add.f32 [tilespmem:s20], [sflag:$0x4], $0x80, s29, s19, $0xb8;
	[tilespmem:$0x1D9E0] =	vst v63  }
0x25a: {  	_ = 	snop  }
0x25b: {  	[spmem:s4] =	stream.indirect.scatter.add.f32 [tilespmem:s11], [sflag:$0x7], $0x8, s29, s19, $0xb8;
	[tilespmem:$0x1D9E0] =	vst v63  }
0x25c: {  	_ =	swait.ge [sflag:s25], $0x280  }
0x25d: {  	[sflag:s25] =	ssyncset.done $0x0  }
0x25e: {  	[sflag:s25] =	ssyncadd.s32 $0xFFFFFD80  }
0x25f: {  	_ =	swait.ge [sflag:s2], $0x2800  }
0x260: {  	[sflag:s2] =	ssyncset.done $0x0  }
0x261: {  	s29 =	rddreg [dreg:$0x18];
	[sflag:s2] =	ssyncadd.s32 $0xFFFFD800  }
0x262: {  	[tilespmem:s22], [sflag:$0x3] =	stream.indirect.gather [hbm4b:s0+s19], $0x80, s29, s19, $0xb8;
	[tilespmem:$0x1D9E0] =	vst v63  }
0x263: {  	_ =	swait.ge [sflag:s23], $0x2800  }
0x264: {  	[sflag:s23] =	ssyncset.done $0x0  }
0x265: {  	[sflag:s23] =	ssyncadd.s32 $0xFFFFD800  }
0x266: {  	[spmem:s3] =	stream.indirect.scatter.add.f32 [tilespmem:s21], [sflag:$0x5], $0x80, s31, s19, $0xb8;
	[tilespmem:$0x1D9E0] =	vst v63  }
0x267: {  	_ = 	snop  }
0x268: {  	[spmem:s4] =	stream.indirect.scatter.add.f32 [tilespmem:s11], [sflag:$0x7], $0x8, s31, s19, $0xb8;
	[tilespmem:$0x1D9E0] =	vst v63  }
0x269: {  	_ =	swait.ge [sflag:s25], $0x280  }
0x26a: {  	[sflag:s25] =	ssyncset.done $0x0  }
0x26b: {  	[sflag:s25] =	ssyncadd.s32 $0xFFFFFD80  }
0x26c: {  	_ =	swait.ge [sflag:s26], $0x2800  }
0x26d: {  	[sflag:s26] =	ssyncset.done $0x0  }
0x26e: {  	s29 =	rddreg [dreg:$0x19];
	[sflag:s26] =	ssyncadd.s32 $0xFFFFD800  }
0x26f: {  	[tilespmem:s20], [sflag:$0x1] =	stream.indirect.gather [hbm4b:s0+s19], $0x80, s29, s19, $0xb8;
	[tilespmem:$0x1D9E0] =	vst v63  }
0x270: {  	_ =	swait.ge [sflag:s28], $0x2800  }
0x271: {  	[sflag:s28] =	ssyncset.done $0x0  }
0x272: {  	[sflag:s28] =	ssyncadd.s32 $0xFFFFD800  }
0x273: {  	[spmem:s3] =	stream.indirect.scatter.add.f32 [tilespmem:s22], [sflag:$0x6], $0x80, s1, s19, $0xb8;
	[tilespmem:$0x1D9E0] =	vst v63  }
0x274: {  	_ = 	snop  }
0x275: {  	[spmem:s4] =	stream.indirect.scatter.add.f32 [tilespmem:s11], [sflag:$0x7], $0x8, s1, s19, $0xb8;
	[tilespmem:$0x1D9E0] =	vst v63  }
0x276: {  	_ =	swait.ge [sflag:s25], $0x280  }
0x277: {  	[sflag:s25] =	ssyncset.done $0x0  }
0x278: {  	[sflag:s25] =	ssyncadd.s32 $0xFFFFFD80  }
0x279: {  	_ =	swait.ge [sflag:s30], $0x2800  }
0x27a: {  	[sflag:s30] =	ssyncset.done $0x0  }
0x27b: {  	s29 =	rddreg [dreg:$0x1a];
	[sflag:s30] =	ssyncadd.s32 $0xFFFFD800  }
0x27c: {  	[tilespmem:s21], [sflag:$0x2] =	stream.indirect.gather [hbm4b:s0+s19], $0x80, s29, s19, $0xb8;
	[tilespmem:$0x1D9E0] =	vst v63  }
0x27d: {  	_ =	swait.ge [sflag:s16], $0x2800  }
0x27e: {  	[sflag:s16] =	ssyncset.done $0x0  }
0x27f: {  	[sflag:s16] =	ssyncadd.s32 $0xFFFFD800  }
0x280: {  	[spmem:s3] =	stream.indirect.scatter.add.f32 [tilespmem:s20], [sflag:$0x4], $0x80, s17, s19, $0xb8;
	[tilespmem:$0x1D9E0] =	vst v63  }
0x281: {  	_ = 	snop  }
0x282: {  	[spmem:s4] =	stream.indirect.scatter.add.f32 [tilespmem:s11], [sflag:$0x7], $0x8, s17, s19, $0xb8;
	[tilespmem:$0x1D9E0] =	vst v63  }
0x283: {  	_ =	swait.ge [sflag:s25], $0x280  }
0x284: {  	[sflag:s25] =	ssyncset.done $0x0  }
0x285: {  	[sflag:s25] =	ssyncadd.s32 $0xFFFFFD80  }
0x286: {  	_ =	swait.ge [sflag:s2], $0x2800  }
0x287: {  	[sflag:s2] =	ssyncset.done $0x0  }
0x288: {  	s29 =	rddreg [dreg:$0x1b];
	[sflag:s2] =	ssyncadd.s32 $0xFFFFD800  }
0x289: {  	[tilespmem:s22], [sflag:$0x3] =	stream.indirect.gather [hbm4b:s0+s19], $0x80, s29, s19, $0xb8;
	[tilespmem:$0x1D9E0] =	vst v63  }
0x28a: {  	_ =	swait.ge [sflag:s23], $0x2800  }
0x28b: {  	[sflag:s23] =	ssyncset.done $0x0  }
0x28c: {  	[sflag:s23] =	ssyncadd.s32 $0xFFFFD800  }
0x28d: {  	[spmem:s3] =	stream.indirect.scatter.add.f32 [tilespmem:s21], [sflag:$0x5], $0x80, s7, s19, $0xb8;
	[tilespmem:$0x1D9E0] =	vst v63  }
0x28e: {  	_ = 	snop  }
0x28f: {  	[spmem:s4] =	stream.indirect.scatter.add.f32 [tilespmem:s11], [sflag:$0x7], $0x8, s7, s19, $0xb8;
	[tilespmem:$0x1D9E0] =	vst v63  }
0x290: {  	_ =	swait.ge [sflag:s25], $0x280  }
0x291: {  	[sflag:s25] =	ssyncset.done $0x0  }
0x292: {  	[sflag:s25] =	ssyncadd.s32 $0xFFFFFD80  }
0x293: {  	_ =	swait.ge [sflag:s26], $0x2800  }
0x294: {  	[sflag:s26] =	ssyncset.done $0x0  }
0x295: {  	s29 =	rddreg [dreg:$0x1c];
	[sflag:s26] =	ssyncadd.s32 $0xFFFFD800  }
0x296: {  	[tilespmem:s20], [sflag:$0x1] =	stream.indirect.gather [hbm4b:s0+s19], $0x80, s29, s19, $0xb8;
	[tilespmem:$0x1D9E0] =	vst v63  }
0x297: {  	_ =	swait.ge [sflag:s28], $0x2800  }
0x298: {  	[sflag:s28] =	ssyncset.done $0x0  }
0x299: {  	[sflag:s28] =	ssyncadd.s32 $0xFFFFD800  }
0x29a: {  	[spmem:s3] =	stream.indirect.scatter.add.f32 [tilespmem:s22], [sflag:$0x6], $0x80, s8, s19, $0xb8;
	[tilespmem:$0x1D9E0] =	vst v63  }
0x29b: {  	_ = 	snop  }
0x29c: {  	[spmem:s4] =	stream.indirect.scatter.add.f32 [tilespmem:s11], [sflag:$0x7], $0x8, s8, s19, $0xb8;
	[tilespmem:$0x1D9E0] =	vst v63  }
0x29d: {  	_ =	swait.ge [sflag:s25], $0x280  }
0x29e: {  	[sflag:s25] =	ssyncset.done $0x0  }
0x29f: {  	[sflag:s25] =	ssyncadd.s32 $0xFFFFFD80  }
0x2a0: {  	_ =	swait.ge [sflag:s30], $0x2800  }
0x2a1: {  	[sflag:s30] =	ssyncset.done $0x0  }
0x2a2: {  	s29 =	rddreg [dreg:$0x1d];
	[sflag:s30] =	ssyncadd.s32 $0xFFFFD800  }
0x2a3: {  	[tilespmem:s21], [sflag:$0x2] =	stream.indirect.gather [hbm4b:s0+s19], $0x80, s29, s19, $0xb8;
	[tilespmem:$0x1D9E0] =	vst v63  }
0x2a4: {  	_ =	swait.ge [sflag:s16], $0x2800  }
0x2a5: {  	[sflag:s16] =	ssyncset.done $0x0  }
0x2a6: {  	[sflag:s16] =	ssyncadd.s32 $0xFFFFD800  }
0x2a7: {  	[spmem:s3] =	stream.indirect.scatter.add.f32 [tilespmem:s20], [sflag:$0x4], $0x80, s9, s19, $0xb8;
	[tilespmem:$0x1D9E0] =	vst v63  }
0x2a8: {  	_ = 	snop  }
0x2a9: {  	[spmem:s4] =	stream.indirect.scatter.add.f32 [tilespmem:s11], [sflag:$0x7], $0x8, s9, s19, $0xb8;
	[tilespmem:$0x1D9E0] =	vst v63  }
0x2aa: {  	_ =	swait.ge [sflag:s25], $0x280  }
0x2ab: {  	[sflag:s25] =	ssyncset.done $0x0  }
0x2ac: {  	[sflag:s25] =	ssyncadd.s32 $0xFFFFFD80  }
0x2ad: {  	_ =	swait.ge [sflag:s2], $0x2800  }
0x2ae: {  	[sflag:s2] =	ssyncset.done $0x0  }
0x2af: {  	s29 =	rddreg [dreg:$0x1e];
	[sflag:s2] =	ssyncadd.s32 $0xFFFFD800  }
0x2b0: {  	[tilespmem:s22], [sflag:$0x3] =	stream.indirect.gather [hbm4b:s0+s19], $0x80, s29, s19, $0xb8;
	[tilespmem:$0x1D9E0] =	vst v63  }
0x2b1: {  	_ =	swait.ge [sflag:s23], $0x2800  }
0x2b2: {  	[sflag:s23] =	ssyncset.done $0x0  }
0x2b3: {  	[sflag:s23] =	ssyncadd.s32 $0xFFFFD800  }
0x2b4: {  	[spmem:s3] =	stream.indirect.scatter.add.f32 [tilespmem:s21], [sflag:$0x5], $0x80, s10, s19, $0xb8;
	[tilespmem:$0x1D9E0] =	vst v63  }
0x2b5: {  	_ = 	snop  }
0x2b6: {  	[spmem:s4] =	stream.indirect.scatter.add.f32 [tilespmem:s11], [sflag:$0x7], $0x8, s10, s19, $0xb8;
	[tilespmem:$0x1D9E0] =	vst v63  }
0x2b7: {  	_ =	swait.ge [sflag:s25], $0x280  }
0x2b8: {  	[sflag:s25] =	ssyncset.done $0x0  }
0x2b9: {  	[sflag:s25] =	ssyncadd.s32 $0xFFFFFD80  }
0x2ba: {  	_ =	swait.ge [sflag:s26], $0x2800  }
0x2bb: {  	[sflag:s26] =	ssyncset.done $0x0  }
0x2bc: {  	s29 =	rddreg [dreg:$0x1f];
	[sflag:s26] =	ssyncadd.s32 $0xFFFFD800  }
0x2bd: {  	[tilespmem:s20], [sflag:$0x1] =	stream.indirect.gather [hbm4b:s0+s19], $0x80, s29, s19, $0xb8;
	[tilespmem:$0x1D9E0] =	vst v63  }
0x2be: {  	_ =	swait.ge [sflag:s28], $0x2800  }
0x2bf: {  	[sflag:s28] =	ssyncset.done $0x0  }
0x2c0: {  	[sflag:s28] =	ssyncadd.s32 $0xFFFFD800  }
0x2c1: {  	[spmem:s3] =	stream.indirect.scatter.add.f32 [tilespmem:s22], [sflag:$0x6], $0x80, s6, s19, $0xb8;
	[tilespmem:$0x1D9E0] =	vst v63  }
0x2c2: {  	_ = 	snop  }
0x2c3: {  	[spmem:s4] =	stream.indirect.scatter.add.f32 [tilespmem:s11], [sflag:$0x7], $0x8, s6, s19, $0xb8;
	[tilespmem:$0x1D9E0] =	vst v63  }
0x2c4: {  	_ =	swait.ge [sflag:s25], $0x280  }
0x2c5: {  	[sflag:s25] =	ssyncset.done $0x0  }
0x2c6: {  	[sflag:s25] =	ssyncadd.s32 $0xFFFFFD80  }
0x2c7: {  	_ =	swait.ge [sflag:s16], $0x2800  }
0x2c8: {  	[sflag:s16] =	ssyncset.done $0x0  }
0x2c9: {  	[sflag:s16] =	ssyncadd.s32 $0xFFFFD800  }
0x2ca: {  	[spmem:s3] =	stream.indirect.scatter.add.f32 [tilespmem:s20], [sflag:$0x4], $0x80, s14, s19, $0xb8;
	[tilespmem:$0x1D9E0] =	vst v63  }
0x2cb: {  	_ = 	snop  }
0x2cc: {  	[spmem:s4] =	stream.indirect.scatter.add.f32 [tilespmem:s11], [sflag:$0x7], $0x8, s14, s19, $0xb8;
	[tilespmem:$0x1D9E0] =	vst v63  }
0x2cd: {  	_ =	swait.ge [sflag:s25], $0x280  }
0x2ce: {  	[sflag:s25] =	ssyncset.done $0x0  }
0x2cf: {  	[sflag:s25] =	ssyncadd.s32 $0xFFFFFD80  }
0x2d0: {  	_ =	swait.ge [sflag:s30], $0x2800  }
0x2d1: {  	[sflag:s30] =	ssyncset.done $0x0  }
0x2d2: {  	[sflag:s30] =	ssyncadd.s32 $0xFFFFD800  }
0x2d3: {  	_ =	swait.ge [sflag:s2], $0x2800  }
0x2d4: {  	[sflag:s2] =	ssyncset.done $0x0  }
0x2d5: {  	p0 =	sne.s32 s13, $0x3E8;
	[sflag:s2] =	ssyncadd.s32 $0xFFFFD800  }
.Ltmp0:
0x2d6: {  	_ =	swait.ge [sflag:s26], $0x2800;
	(pc) =	sbr.rel @p0 .LBB2_2-.Ltmp0, $4  }
0x2d7: {  	[sflag:s26] =	ssyncset.done $0x0  }
0x2d8: {  	[sflag:s26] =	ssyncadd.s32 $0xFFFFD800  }
0x2d9: {  	_ =	swait.ge [sflag:s25], $0x280  }
0x2da: {  	s13 =	sadd.s32 $0xFA, s13;
	s24 =	rddreg [dreg:$0x8];
	[sflag:s25] =	ssyncset.done $0x0  }
0x2db: {  	[sflag:s25] =	ssyncadd.s32 $0xFFFFFD80;
	s13 =	sadd.s32 s15, s24  }
0x2dc: {  	[tilespmem:s5], [sflag:$0x8] =	stream.linear.gather [hbm4b:s13+s5], $0x7D0, $0x38;
	[tilespmem:$0x1D9E0] =	vst v63  }
0x2dd: {  	_ =	swait.ge [sflag:s12], $0x7D0  }
0x2de: {  	s24 =	rddreg [dreg:$0x7];
	[sflag:s12] =	ssyncset.done $0x0  }
0x2df: {  	s13 =	sadd.s32 s15, s24;
	[sflag:s12] =	ssyncadd.s32 $0xFFFFF830  }
0x2e0: {  	[tilespmem:s18], [sflag:$0x8] =	stream.linear.gather [hbm4b:s13+s5], $0x7D0, $0x38;
	[tilespmem:$0x1D9E0] =	vst v63  }
0x2e1: {  	_ =	swait.ge [sflag:s12], $0x7D0  }
0x2e2: {  	[sflag:s12] =	ssyncset.done $0x0  }
0x2e3: {  	[sflag:s12] =	ssyncadd.s32 $0xFFFFF830  }
0x2e4: {  	[tilespmem:s20], [sflag:$0x1] =	stream.indirect.gather [hbm4b:s0+s19], $0x80, s5, s19, $0xb8;
	[tilespmem:$0x1D9E0] =	vst v63  }
0x2e5: {  	_ = 	snop  }
0x2e6: {  	[tilespmem:s21], [sflag:$0x2] =	stream.indirect.gather [hbm4b:s0+s19], $0x80, s19, s19, $0xb8;
	[tilespmem:$0x1D9E0] =	vst v63  }
0x2e7: {  	_ =	swait.ge [sflag:s16], $0x2800  }
0x2e8: {  	[sflag:s16] =	ssyncset.done $0x0  }
0x2e9: {  	[sflag:s16] =	ssyncadd.s32 $0xFFFFD800  }
0x2ea: {  	[spmem:s3] =	stream.indirect.scatter.add.f32 [tilespmem:s20], [sflag:$0x4], $0x80, s18, s19, $0xb8;
	[tilespmem:$0x1D9E0] =	vst v63  }
0x2eb: {  	_ = 	snop  }
0x2ec: {  	[spmem:s4] =	stream.indirect.scatter.add.f32 [tilespmem:s11], [sflag:$0x7], $0x8, s18, s19, $0xb8;
	[tilespmem:$0x1D9E0] =	vst v63  }
0x2ed: {  	s24 =	rddreg [dreg:$0x9]  }
0x2ee: {  	[tilespmem:s22], [sflag:$0x3] =	stream.indirect.gather [hbm4b:s0+s19], $0x80, s24, s19, $0xb8;
	[tilespmem:$0x1D9E0] =	vst v63  }
0x2ef: {  	_ =	swait.ge [sflag:s23], $0x2800  }
0x2f0: {  	[sflag:s23] =	ssyncset.done $0x0  }
0x2f1: {  	s15 =	simm.s32 $0x820;
	[sflag:s23] =	ssyncadd.s32 $0xFFFFD800  }
0x2f2: {  	[spmem:s3] =	stream.indirect.scatter.add.f32 [tilespmem:s21], [sflag:$0x5], $0x80, s15, s19, $0xb8;
	[tilespmem:$0x1D9E0] =	vst v63  }
0x2f3: {  	_ = 	snop  }
0x2f4: {  	[spmem:s4] =	stream.indirect.scatter.add.f32 [tilespmem:s11], [sflag:$0x7], $0x8, s15, s19, $0xb8;
	[tilespmem:$0x1D9E0] =	vst v63  }
0x2f5: {  	_ =	swait.ge [sflag:s25], $0x280  }
0x2f6: {  	[sflag:s25] =	ssyncset.done $0x0  }
0x2f7: {  	[sflag:s25] =	ssyncadd.s32 $0xFFFFFD80  }
0x2f8: {  	_ =	swait.ge [sflag:s26], $0x2800  }
0x2f9: {  	[sflag:s26] =	ssyncset.done $0x0  }
0x2fa: {  	s24 =	rddreg [dreg:$0xa];
	[sflag:s26] =	ssyncadd.s32 $0xFFFFD800  }
0x2fb: {  	[tilespmem:s20], [sflag:$0x1] =	stream.indirect.gather [hbm4b:s0+s19], $0x80, s24, s19, $0xb8;
	[tilespmem:$0x1D9E0] =	vst v63  }
0x2fc: {  	_ =	swait.ge [sflag:s28], $0x2800  }
0x2fd: {  	[sflag:s28] =	ssyncset.done $0x0  }
0x2fe: {  	s15 =	simm.s32 $0x870;
	[sflag:s28] =	ssyncadd.s32 $0xFFFFD800  }
0x2ff: {  	[spmem:s3] =	stream.indirect.scatter.add.f32 [tilespmem:s22], [sflag:$0x6], $0x80, s15, s19, $0xb8;
	[tilespmem:$0x1D9E0] =	vst v63  }
0x300: {  	_ = 	snop  }
0x301: {  	[spmem:s4] =	stream.indirect.scatter.add.f32 [tilespmem:s11], [sflag:$0x7], $0x8, s15, s19, $0xb8;
	[tilespmem:$0x1D9E0] =	vst v63  }
0x302: {  	_ =	swait.ge [sflag:s25], $0x280  }
0x303: {  	[sflag:s25] =	ssyncset.done $0x0  }
0x304: {  	[sflag:s25] =	ssyncadd.s32 $0xFFFFFD80  }
0x305: {  	_ =	swait.ge [sflag:s30], $0x2800  }
0x306: {  	[sflag:s30] =	ssyncset.done $0x0  }
0x307: {  	s24 =	rddreg [dreg:$0xb];
	[sflag:s30] =	ssyncadd.s32 $0xFFFFD800  }
0x308: {  	[tilespmem:s21], [sflag:$0x2] =	stream.indirect.gather [hbm4b:s0+s19], $0x80, s24, s19, $0xb8;
	[tilespmem:$0x1D9E0] =	vst v63  }
0x309: {  	_ =	swait.ge [sflag:s16], $0x2800  }
0x30a: {  	[sflag:s16] =	ssyncset.done $0x0  }
0x30b: {  	s15 =	simm.s32 $0x8C0;
	[sflag:s16] =	ssyncadd.s32 $0xFFFFD800  }
0x30c: {  	[spmem:s3] =	stream.indirect.scatter.add.f32 [tilespmem:s20], [sflag:$0x4], $0x80, s15, s19, $0xb8;
	[tilespmem:$0x1D9E0] =	vst v63  }
0x30d: {  	_ = 	snop  }
0x30e: {  	[spmem:s4] =	stream.indirect.scatter.add.f32 [tilespmem:s11], [sflag:$0x7], $0x8, s15, s19, $0xb8;
	[tilespmem:$0x1D9E0] =	vst v63  }
0x30f: {  	_ =	swait.ge [sflag:s25], $0x280  }
0x310: {  	[sflag:s25] =	ssyncset.done $0x0  }
0x311: {  	[sflag:s25] =	ssyncadd.s32 $0xFFFFFD80  }
0x312: {  	_ =	swait.ge [sflag:s2], $0x2800  }
0x313: {  	[sflag:s2] =	ssyncset.done $0x0  }
0x314: {  	s24 =	rddreg [dreg:$0xc];
	[sflag:s2] =	ssyncadd.s32 $0xFFFFD800  }
0x315: {  	[tilespmem:s22], [sflag:$0x3] =	stream.indirect.gather [hbm4b:s0+s19], $0x80, s24, s19, $0xb8;
	[tilespmem:$0x1D9E0] =	vst v63  }
0x316: {  	_ =	swait.ge [sflag:s23], $0x2800  }
0x317: {  	[sflag:s23] =	ssyncset.done $0x0  }
0x318: {  	s15 =	simm.s32 $0x910;
	[sflag:s23] =	ssyncadd.s32 $0xFFFFD800  }
0x319: {  	[spmem:s3] =	stream.indirect.scatter.add.f32 [tilespmem:s21], [sflag:$0x5], $0x80, s15, s19, $0xb8;
	[tilespmem:$0x1D9E0] =	vst v63  }
0x31a: {  	_ = 	snop  }
0x31b: {  	[spmem:s4] =	stream.indirect.scatter.add.f32 [tilespmem:s11], [sflag:$0x7], $0x8, s15, s19, $0xb8;
	[tilespmem:$0x1D9E0] =	vst v63  }
0x31c: {  	_ =	swait.ge [sflag:s25], $0x280  }
0x31d: {  	[sflag:s25] =	ssyncset.done $0x0  }
0x31e: {  	[sflag:s25] =	ssyncadd.s32 $0xFFFFFD80  }
0x31f: {  	_ =	swait.ge [sflag:s26], $0x2800  }
0x320: {  	[sflag:s26] =	ssyncset.done $0x0  }
0x321: {  	s24 =	rddreg [dreg:$0xd];
	[sflag:s26] =	ssyncadd.s32 $0xFFFFD800  }
0x322: {  	[tilespmem:s20], [sflag:$0x1] =	stream.indirect.gather [hbm4b:s0+s19], $0x80, s24, s19, $0xb8;
	[tilespmem:$0x1D9E0] =	vst v63  }
0x323: {  	_ =	swait.ge [sflag:s28], $0x2800  }
0x324: {  	[sflag:s28] =	ssyncset.done $0x0  }
0x325: {  	s15 =	simm.s32 $0x960;
	[sflag:s28] =	ssyncadd.s32 $0xFFFFD800  }
0x326: {  	[spmem:s3] =	stream.indirect.scatter.add.f32 [tilespmem:s22], [sflag:$0x6], $0x80, s15, s19, $0xb8;
	[tilespmem:$0x1D9E0] =	vst v63  }
0x327: {  	_ = 	snop  }
0x328: {  	[spmem:s4] =	stream.indirect.scatter.add.f32 [tilespmem:s11], [sflag:$0x7], $0x8, s15, s19, $0xb8;
	[tilespmem:$0x1D9E0] =	vst v63  }
0x329: {  	_ =	swait.ge [sflag:s25], $0x280  }
0x32a: {  	[sflag:s25] =	ssyncset.done $0x0  }
0x32b: {  	[sflag:s25] =	ssyncadd.s32 $0xFFFFFD80  }
0x32c: {  	_ =	swait.ge [sflag:s30], $0x2800  }
0x32d: {  	[sflag:s30] =	ssyncset.done $0x0  }
0x32e: {  	s24 =	rddreg [dreg:$0xe];
	[sflag:s30] =	ssyncadd.s32 $0xFFFFD800  }
0x32f: {  	[tilespmem:s21], [sflag:$0x2] =	stream.indirect.gather [hbm4b:s0+s19], $0x80, s24, s19, $0xb8;
	[tilespmem:$0x1D9E0] =	vst v63  }
0x330: {  	_ =	swait.ge [sflag:s16], $0x2800  }
0x331: {  	[sflag:s16] =	ssyncset.done $0x0  }
0x332: {  	s15 =	simm.s32 $0x9B0;
	[sflag:s16] =	ssyncadd.s32 $0xFFFFD800  }
0x333: {  	[spmem:s3] =	stream.indirect.scatter.add.f32 [tilespmem:s20], [sflag:$0x4], $0x80, s15, s19, $0xb8;
	[tilespmem:$0x1D9E0] =	vst v63  }
0x334: {  	_ = 	snop  }
0x335: {  	[spmem:s4] =	stream.indirect.scatter.add.f32 [tilespmem:s11], [sflag:$0x7], $0x8, s15, s19, $0xb8;
	[tilespmem:$0x1D9E0] =	vst v63  }
0x336: {  	_ =	swait.ge [sflag:s25], $0x280  }
0x337: {  	[sflag:s25] =	ssyncset.done $0x0  }
0x338: {  	[sflag:s25] =	ssyncadd.s32 $0xFFFFFD80  }
0x339: {  	_ =	swait.ge [sflag:s2], $0x2800  }
0x33a: {  	[sflag:s2] =	ssyncset.done $0x0  }
0x33b: {  	s24 =	rddreg [dreg:$0xf];
	[sflag:s2] =	ssyncadd.s32 $0xFFFFD800  }
0x33c: {  	[tilespmem:s22], [sflag:$0x3] =	stream.indirect.gather [hbm4b:s0+s19], $0x80, s24, s19, $0xb8;
	[tilespmem:$0x1D9E0] =	vst v63  }
0x33d: {  	_ =	swait.ge [sflag:s23], $0x2800  }
0x33e: {  	[sflag:s23] =	ssyncset.done $0x0  }
0x33f: {  	s15 =	simm.s32 $0xA00;
	[sflag:s23] =	ssyncadd.s32 $0xFFFFD800  }
0x340: {  	[spmem:s3] =	stream.indirect.scatter.add.f32 [tilespmem:s21], [sflag:$0x5], $0x80, s15, s19, $0xb8;
	[tilespmem:$0x1D9E0] =	vst v63  }
0x341: {  	_ = 	snop  }
0x342: {  	[spmem:s4] =	stream.indirect.scatter.add.f32 [tilespmem:s11], [sflag:$0x7], $0x8, s15, s19, $0xb8;
	[tilespmem:$0x1D9E0] =	vst v63  }
0x343: {  	_ =	swait.ge [sflag:s25], $0x280  }
0x344: {  	[sflag:s25] =	ssyncset.done $0x0  }
0x345: {  	[sflag:s25] =	ssyncadd.s32 $0xFFFFFD80  }
0x346: {  	_ =	swait.ge [sflag:s26], $0x2800  }
0x347: {  	[sflag:s26] =	ssyncset.done $0x0  }
0x348: {  	s24 =	rddreg [dreg:$0x10];
	[sflag:s26] =	ssyncadd.s32 $0xFFFFD800  }
0x349: {  	[tilespmem:s20], [sflag:$0x1] =	stream.indirect.gather [hbm4b:s0+s19], $0x80, s24, s19, $0xb8;
	[tilespmem:$0x1D9E0] =	vst v63  }
0x34a: {  	_ =	swait.ge [sflag:s28], $0x2800  }
0x34b: {  	[sflag:s28] =	ssyncset.done $0x0  }
0x34c: {  	s15 =	simm.s32 $0xA50;
	[sflag:s28] =	ssyncadd.s32 $0xFFFFD800  }
0x34d: {  	[spmem:s3] =	stream.indirect.scatter.add.f32 [tilespmem:s22], [sflag:$0x6], $0x80, s15, s19, $0xb8;
	[tilespmem:$0x1D9E0] =	vst v63  }
0x34e: {  	_ = 	snop  }
0x34f: {  	[spmem:s4] =	stream.indirect.scatter.add.f32 [tilespmem:s11], [sflag:$0x7], $0x8, s15, s19, $0xb8;
	[tilespmem:$0x1D9E0] =	vst v63  }
0x350: {  	_ =	swait.ge [sflag:s25], $0x280  }
0x351: {  	[sflag:s25] =	ssyncset.done $0x0  }
0x352: {  	[sflag:s25] =	ssyncadd.s32 $0xFFFFFD80  }
0x353: {  	_ =	swait.ge [sflag:s30], $0x2800  }
0x354: {  	[sflag:s30] =	ssyncset.done $0x0  }
0x355: {  	s24 =	rddreg [dreg:$0x11];
	[sflag:s30] =	ssyncadd.s32 $0xFFFFD800  }
0x356: {  	[tilespmem:s21], [sflag:$0x2] =	stream.indirect.gather [hbm4b:s0+s19], $0x80, s24, s19, $0xb8;
	[tilespmem:$0x1D9E0] =	vst v63  }
0x357: {  	_ =	swait.ge [sflag:s16], $0x2800  }
0x358: {  	[sflag:s16] =	ssyncset.done $0x0  }
0x359: {  	s15 =	simm.s32 $0xAA0;
	[sflag:s16] =	ssyncadd.s32 $0xFFFFD800  }
0x35a: {  	[spmem:s3] =	stream.indirect.scatter.add.f32 [tilespmem:s20], [sflag:$0x4], $0x80, s15, s19, $0xb8;
	[tilespmem:$0x1D9E0] =	vst v63  }
0x35b: {  	_ = 	snop  }
0x35c: {  	[spmem:s4] =	stream.indirect.scatter.add.f32 [tilespmem:s11], [sflag:$0x7], $0x8, s15, s19, $0xb8;
	[tilespmem:$0x1D9E0] =	vst v63  }
0x35d: {  	_ =	swait.ge [sflag:s25], $0x280  }
0x35e: {  	[sflag:s25] =	ssyncset.done $0x0  }
0x35f: {  	[sflag:s25] =	ssyncadd.s32 $0xFFFFFD80  }
0x360: {  	_ =	swait.ge [sflag:s2], $0x2800  }
0x361: {  	[sflag:s2] =	ssyncset.done $0x0  }
0x362: {  	s24 =	rddreg [dreg:$0x12];
	[sflag:s2] =	ssyncadd.s32 $0xFFFFD800  }
0x363: {  	[tilespmem:s22], [sflag:$0x3] =	stream.indirect.gather [hbm4b:s0+s19], $0x80, s24, s19, $0xb8;
	[tilespmem:$0x1D9E0] =	vst v63  }
0x364: {  	_ =	swait.ge [sflag:s23], $0x2800  }
0x365: {  	[sflag:s23] =	ssyncset.done $0x0  }
0x366: {  	s15 =	simm.s32 $0xAF0;
	[sflag:s23] =	ssyncadd.s32 $0xFFFFD800  }
0x367: {  	[spmem:s3] =	stream.indirect.scatter.add.f32 [tilespmem:s21], [sflag:$0x5], $0x80, s15, s19, $0xb8;
	[tilespmem:$0x1D9E0] =	vst v63  }
0x368: {  	_ = 	snop  }
0x369: {  	[spmem:s4] =	stream.indirect.scatter.add.f32 [tilespmem:s11], [sflag:$0x7], $0x8, s15, s19, $0xb8;
	[tilespmem:$0x1D9E0] =	vst v63  }
0x36a: {  	_ =	swait.ge [sflag:s25], $0x280  }
0x36b: {  	[sflag:s25] =	ssyncset.done $0x0  }
0x36c: {  	[sflag:s25] =	ssyncadd.s32 $0xFFFFFD80  }
0x36d: {  	_ =	swait.ge [sflag:s26], $0x2800  }
0x36e: {  	[sflag:s26] =	ssyncset.done $0x0  }
0x36f: {  	s24 =	rddreg [dreg:$0x13];
	[sflag:s26] =	ssyncadd.s32 $0xFFFFD800  }
0x370: {  	[tilespmem:s20], [sflag:$0x1] =	stream.indirect.gather [hbm4b:s0+s19], $0x80, s24, s19, $0xb8;
	[tilespmem:$0x1D9E0] =	vst v63  }
0x371: {  	_ =	swait.ge [sflag:s28], $0x2800  }
0x372: {  	[sflag:s28] =	ssyncset.done $0x0  }
0x373: {  	s15 =	simm.s32 $0xB40;
	[sflag:s28] =	ssyncadd.s32 $0xFFFFD800  }
0x374: {  	[spmem:s3] =	stream.indirect.scatter.add.f32 [tilespmem:s22], [sflag:$0x6], $0x80, s15, s19, $0xb8;
	[tilespmem:$0x1D9E0] =	vst v63  }
0x375: {  	_ = 	snop  }
0x376: {  	[spmem:s4] =	stream.indirect.scatter.add.f32 [tilespmem:s11], [sflag:$0x7], $0x8, s15, s19, $0xb8;
	[tilespmem:$0x1D9E0] =	vst v63  }
0x377: {  	_ =	swait.ge [sflag:s25], $0x280  }
0x378: {  	[sflag:s25] =	ssyncset.done $0x0  }
0x379: {  	[sflag:s25] =	ssyncadd.s32 $0xFFFFFD80  }
0x37a: {  	_ =	swait.ge [sflag:s30], $0x2800  }
0x37b: {  	[sflag:s30] =	ssyncset.done $0x0  }
0x37c: {  	s24 =	rddreg [dreg:$0x14];
	[sflag:s30] =	ssyncadd.s32 $0xFFFFD800  }
0x37d: {  	[tilespmem:s21], [sflag:$0x2] =	stream.indirect.gather [hbm4b:s0+s19], $0x80, s24, s19, $0xb8;
	[tilespmem:$0x1D9E0] =	vst v63  }
0x37e: {  	_ =	swait.ge [sflag:s16], $0x2800  }
0x37f: {  	[sflag:s16] =	ssyncset.done $0x0  }
0x380: {  	s15 =	simm.s32 $0xB90;
	[sflag:s16] =	ssyncadd.s32 $0xFFFFD800  }
0x381: {  	[spmem:s3] =	stream.indirect.scatter.add.f32 [tilespmem:s20], [sflag:$0x4], $0x80, s15, s19, $0xb8;
	[tilespmem:$0x1D9E0] =	vst v63  }
0x382: {  	_ = 	snop  }
0x383: {  	[spmem:s4] =	stream.indirect.scatter.add.f32 [tilespmem:s11], [sflag:$0x7], $0x8, s15, s19, $0xb8;
	[tilespmem:$0x1D9E0] =	vst v63  }
0x384: {  	_ =	swait.ge [sflag:s25], $0x280  }
0x385: {  	[sflag:s25] =	ssyncset.done $0x0  }
0x386: {  	[sflag:s25] =	ssyncadd.s32 $0xFFFFFD80  }
0x387: {  	_ =	swait.ge [sflag:s2], $0x2800  }
0x388: {  	[sflag:s2] =	ssyncset.done $0x0  }
0x389: {  	s24 =	rddreg [dreg:$0x15];
	[sflag:s2] =	ssyncadd.s32 $0xFFFFD800  }
0x38a: {  	[tilespmem:s22], [sflag:$0x3] =	stream.indirect.gather [hbm4b:s0+s19], $0x80, s24, s19, $0xb8;
	[tilespmem:$0x1D9E0] =	vst v63  }
0x38b: {  	_ =	swait.ge [sflag:s23], $0x2800  }
0x38c: {  	[sflag:s23] =	ssyncset.done $0x0  }
0x38d: {  	s15 =	simm.s32 $0xBE0;
	[sflag:s23] =	ssyncadd.s32 $0xFFFFD800  }
0x38e: {  	[spmem:s3] =	stream.indirect.scatter.add.f32 [tilespmem:s21], [sflag:$0x5], $0x80, s15, s19, $0xb8;
	[tilespmem:$0x1D9E0] =	vst v63  }
0x38f: {  	_ = 	snop  }
0x390: {  	[spmem:s4] =	stream.indirect.scatter.add.f32 [tilespmem:s11], [sflag:$0x7], $0x8, s15, s19, $0xb8;
	[tilespmem:$0x1D9E0] =	vst v63  }
0x391: {  	_ =	swait.ge [sflag:s25], $0x280  }
0x392: {  	[sflag:s25] =	ssyncset.done $0x0  }
0x393: {  	[sflag:s25] =	ssyncadd.s32 $0xFFFFFD80  }
0x394: {  	_ =	swait.ge [sflag:s26], $0x2800  }
0x395: {  	[sflag:s26] =	ssyncset.done $0x0  }
0x396: {  	s24 =	rddreg [dreg:$0x16];
	[sflag:s26] =	ssyncadd.s32 $0xFFFFD800  }
0x397: {  	[tilespmem:s20], [sflag:$0x1] =	stream.indirect.gather [hbm4b:s0+s19], $0x80, s24, s19, $0xb8;
	[tilespmem:$0x1D9E0] =	vst v63  }
0x398: {  	_ =	swait.ge [sflag:s28], $0x2800  }
0x399: {  	[sflag:s28] =	ssyncset.done $0x0  }
0x39a: {  	s15 =	simm.s32 $0xC30;
	[sflag:s28] =	ssyncadd.s32 $0xFFFFD800  }
0x39b: {  	[spmem:s3] =	stream.indirect.scatter.add.f32 [tilespmem:s22], [sflag:$0x6], $0x80, s15, s19, $0xb8;
	[tilespmem:$0x1D9E0] =	vst v63  }
0x39c: {  	_ = 	snop  }
0x39d: {  	[spmem:s4] =	stream.indirect.scatter.add.f32 [tilespmem:s11], [sflag:$0x7], $0x8, s15, s19, $0xb8;
	[tilespmem:$0x1D9E0] =	vst v63  }
0x39e: {  	_ =	swait.ge [sflag:s25], $0x280  }
0x39f: {  	[sflag:s25] =	ssyncset.done $0x0  }
0x3a0: {  	[sflag:s25] =	ssyncadd.s32 $0xFFFFFD80  }
0x3a1: {  	_ =	swait.ge [sflag:s30], $0x2800  }
0x3a2: {  	[sflag:s30] =	ssyncset.done $0x0  }
0x3a3: {  	s24 =	rddreg [dreg:$0x17];
	[sflag:s30] =	ssyncadd.s32 $0xFFFFD800  }
0x3a4: {  	[tilespmem:s21], [sflag:$0x2] =	stream.indirect.gather [hbm4b:s0+s19], $0x80, s24, s19, $0xb8;
	[tilespmem:$0x1D9E0] =	vst v63  }
0x3a5: {  	_ =	swait.ge [sflag:s16], $0x2800  }
0x3a6: {  	[sflag:s16] =	ssyncset.done $0x0  }
0x3a7: {  	s15 =	simm.s32 $0xC80;
	[sflag:s16] =	ssyncadd.s32 $0xFFFFD800  }
0x3a8: {  	[spmem:s3] =	stream.indirect.scatter.add.f32 [tilespmem:s20], [sflag:$0x4], $0x80, s15, s19, $0xb8;
	[tilespmem:$0x1D9E0] =	vst v63  }
0x3a9: {  	_ = 	snop  }
0x3aa: {  	[spmem:s4] =	stream.indirect.scatter.add.f32 [tilespmem:s11], [sflag:$0x7], $0x8, s15, s19, $0xb8;
	[tilespmem:$0x1D9E0] =	vst v63  }
0x3ab: {  	_ =	swait.ge [sflag:s25], $0x280  }
0x3ac: {  	[sflag:s25] =	ssyncset.done $0x0  }
0x3ad: {  	[sflag:s25] =	ssyncadd.s32 $0xFFFFFD80  }
0x3ae: {  	_ =	swait.ge [sflag:s2], $0x2800  }
0x3af: {  	[sflag:s2] =	ssyncset.done $0x0  }
0x3b0: {  	s24 =	rddreg [dreg:$0x18];
	[sflag:s2] =	ssyncadd.s32 $0xFFFFD800  }
0x3b1: {  	[tilespmem:s22], [sflag:$0x3] =	stream.indirect.gather [hbm4b:s0+s19], $0x80, s24, s19, $0xb8;
	[tilespmem:$0x1D9E0] =	vst v63  }
0x3b2: {  	_ =	swait.ge [sflag:s23], $0x2800  }
0x3b3: {  	[sflag:s23] =	ssyncset.done $0x0  }
0x3b4: {  	[sflag:s23] =	ssyncadd.s32 $0xFFFFD800  }
0x3b5: {  	[spmem:s3] =	stream.indirect.scatter.add.f32 [tilespmem:s21], [sflag:$0x5], $0x80, s31, s19, $0xb8;
	[tilespmem:$0x1D9E0] =	vst v63  }
0x3b6: {  	_ = 	snop  }
0x3b7: {  	[spmem:s4] =	stream.indirect.scatter.add.f32 [tilespmem:s11], [sflag:$0x7], $0x8, s31, s19, $0xb8;
	[tilespmem:$0x1D9E0] =	vst v63  }
0x3b8: {  	_ =	swait.ge [sflag:s25], $0x280  }
0x3b9: {  	[sflag:s25] =	ssyncset.done $0x0  }
0x3ba: {  	[sflag:s25] =	ssyncadd.s32 $0xFFFFFD80  }
0x3bb: {  	_ =	swait.ge [sflag:s26], $0x2800  }
0x3bc: {  	[sflag:s26] =	ssyncset.done $0x0  }
0x3bd: {  	s15 =	rddreg [dreg:$0x19];
	[sflag:s26] =	ssyncadd.s32 $0xFFFFD800  }
0x3be: {  	[tilespmem:s20], [sflag:$0x1] =	stream.indirect.gather [hbm4b:s0+s19], $0x80, s15, s19, $0xb8;
	[tilespmem:$0x1D9E0] =	vst v63  }
0x3bf: {  	_ =	swait.ge [sflag:s28], $0x2800  }
0x3c0: {  	[sflag:s28] =	ssyncset.done $0x0  }
0x3c1: {  	[sflag:s28] =	ssyncadd.s32 $0xFFFFD800  }
0x3c2: {  	[spmem:s3] =	stream.indirect.scatter.add.f32 [tilespmem:s22], [sflag:$0x6], $0x80, s1, s19, $0xb8;
	[tilespmem:$0x1D9E0] =	vst v63  }
0x3c3: {  	_ = 	snop  }
0x3c4: {  	[spmem:s4] =	stream.indirect.scatter.add.f32 [tilespmem:s11], [sflag:$0x7], $0x8, s1, s19, $0xb8;
	[tilespmem:$0x1D9E0] =	vst v63  }
0x3c5: {  	_ =	swait.ge [sflag:s25], $0x280  }
0x3c6: {  	[sflag:s25] =	ssyncset.done $0x0  }
0x3c7: {  	[sflag:s25] =	ssyncadd.s32 $0xFFFFFD80  }
0x3c8: {  	_ =	swait.ge [sflag:s30], $0x2800  }
0x3c9: {  	[sflag:s30] =	ssyncset.done $0x0  }
0x3ca: {  	s24 =	rddreg [dreg:$0x1a];
	[sflag:s30] =	ssyncadd.s32 $0xFFFFD800  }
0x3cb: {  	[tilespmem:s21], [sflag:$0x2] =	stream.indirect.gather [hbm4b:s0+s19], $0x80, s24, s19, $0xb8;
	[tilespmem:$0x1D9E0] =	vst v63  }
0x3cc: {  	_ =	swait.ge [sflag:s16], $0x2800  }
0x3cd: {  	[sflag:s16] =	ssyncset.done $0x0  }
0x3ce: {  	[sflag:s16] =	ssyncadd.s32 $0xFFFFD800  }
0x3cf: {  	[spmem:s3] =	stream.indirect.scatter.add.f32 [tilespmem:s20], [sflag:$0x4], $0x80, s17, s19, $0xb8;
	[tilespmem:$0x1D9E0] =	vst v63  }
0x3d0: {  	_ = 	snop  }
0x3d1: {  	[spmem:s4] =	stream.indirect.scatter.add.f32 [tilespmem:s11], [sflag:$0x7], $0x8, s17, s19, $0xb8;
	[tilespmem:$0x1D9E0] =	vst v63  }
0x3d2: {  	_ =	swait.ge [sflag:s25], $0x280  }
0x3d3: {  	[sflag:s25] =	ssyncset.done $0x0  }
0x3d4: {  	[sflag:s25] =	ssyncadd.s32 $0xFFFFFD80  }
0x3d5: {  	_ =	swait.ge [sflag:s2], $0x2800  }
0x3d6: {  	[sflag:s2] =	ssyncset.done $0x0  }
0x3d7: {  	s15 =	rddreg [dreg:$0x1b];
	[sflag:s2] =	ssyncadd.s32 $0xFFFFD800  }
0x3d8: {  	[tilespmem:s22], [sflag:$0x3] =	stream.indirect.gather [hbm4b:s0+s19], $0x80, s15, s19, $0xb8;
	[tilespmem:$0x1D9E0] =	vst v63  }
0x3d9: {  	_ =	swait.ge [sflag:s23], $0x2800  }
0x3da: {  	[sflag:s23] =	ssyncset.done $0x0  }
0x3db: {  	[sflag:s23] =	ssyncadd.s32 $0xFFFFD800  }
0x3dc: {  	[spmem:s3] =	stream.indirect.scatter.add.f32 [tilespmem:s21], [sflag:$0x5], $0x80, s7, s19, $0xb8;
	[tilespmem:$0x1D9E0] =	vst v63  }
0x3dd: {  	_ = 	snop  }
0x3de: {  	[spmem:s4] =	stream.indirect.scatter.add.f32 [tilespmem:s11], [sflag:$0x7], $0x8, s7, s19, $0xb8;
	[tilespmem:$0x1D9E0] =	vst v63  }
0x3df: {  	_ =	swait.ge [sflag:s25], $0x280  }
0x3e0: {  	[sflag:s25] =	ssyncset.done $0x0  }
0x3e1: {  	[sflag:s25] =	ssyncadd.s32 $0xFFFFFD80  }
0x3e2: {  	_ =	swait.ge [sflag:s26], $0x2800  }
0x3e3: {  	[sflag:s26] =	ssyncset.done $0x0  }
0x3e4: {  	s24 =	rddreg [dreg:$0x1c];
	[sflag:s26] =	ssyncadd.s32 $0xFFFFD800  }
0x3e5: {  	[tilespmem:s20], [sflag:$0x1] =	stream.indirect.gather [hbm4b:s0+s19], $0x80, s24, s19, $0xb8;
	[tilespmem:$0x1D9E0] =	vst v63  }
0x3e6: {  	_ =	swait.ge [sflag:s28], $0x2800  }
0x3e7: {  	[sflag:s28] =	ssyncset.done $0x0  }
0x3e8: {  	[sflag:s28] =	ssyncadd.s32 $0xFFFFD800  }
0x3e9: {  	[spmem:s3] =	stream.indirect.scatter.add.f32 [tilespmem:s22], [sflag:$0x6], $0x80, s8, s19, $0xb8;
	[tilespmem:$0x1D9E0] =	vst v63  }
0x3ea: {  	_ = 	snop  }
0x3eb: {  	[spmem:s4] =	stream.indirect.scatter.add.f32 [tilespmem:s11], [sflag:$0x7], $0x8, s8, s19, $0xb8;
	[tilespmem:$0x1D9E0] =	vst v63  }
0x3ec: {  	_ =	swait.ge [sflag:s25], $0x280  }
0x3ed: {  	[sflag:s25] =	ssyncset.done $0x0  }
0x3ee: {  	[sflag:s25] =	ssyncadd.s32 $0xFFFFFD80  }
0x3ef: {  	_ =	swait.ge [sflag:s30], $0x2800  }
0x3f0: {  	[sflag:s30] =	ssyncset.done $0x0  }
0x3f1: {  	s15 =	rddreg [dreg:$0x1d];
	[sflag:s30] =	ssyncadd.s32 $0xFFFFD800  }
0x3f2: {  	[tilespmem:s21], [sflag:$0x2] =	stream.indirect.gather [hbm4b:s0+s19], $0x80, s15, s19, $0xb8;
	[tilespmem:$0x1D9E0] =	vst v63  }
0x3f3: {  	_ =	swait.ge [sflag:s16], $0x2800  }
0x3f4: {  	[sflag:s16] =	ssyncset.done $0x0  }
0x3f5: {  	[sflag:s16] =	ssyncadd.s32 $0xFFFFD800  }
0x3f6: {  	[spmem:s3] =	stream.indirect.scatter.add.f32 [tilespmem:s20], [sflag:$0x4], $0x80, s9, s19, $0xb8;
	[tilespmem:$0x1D9E0] =	vst v63  }
0x3f7: {  	_ = 	snop  }
0x3f8: {  	[spmem:s4] =	stream.indirect.scatter.add.f32 [tilespmem:s11], [sflag:$0x7], $0x8, s9, s19, $0xb8;
	[tilespmem:$0x1D9E0] =	vst v63  }
0x3f9: {  	_ =	swait.ge [sflag:s25], $0x280  }
0x3fa: {  	[sflag:s25] =	ssyncset.done $0x0  }
0x3fb: {  	[sflag:s25] =	ssyncadd.s32 $0xFFFFFD80  }
0x3fc: {  	_ =	swait.ge [sflag:s2], $0x2800  }
0x3fd: {  	[sflag:s2] =	ssyncset.done $0x0  }
0x3fe: {  	s24 =	rddreg [dreg:$0x1e];
	[sflag:s2] =	ssyncadd.s32 $0xFFFFD800  }
0x3ff: {  	[tilespmem:s22], [sflag:$0x3] =	stream.indirect.gather [hbm4b:s0+s19], $0x80, s24, s19, $0xb8;
	[tilespmem:$0x1D9E0] =	vst v63  }
0x400: {  	_ =	swait.ge [sflag:s23], $0x2800  }
0x401: {  	[sflag:s23] =	ssyncset.done $0x0  }
0x402: {  	[sflag:s23] =	ssyncadd.s32 $0xFFFFD800  }
0x403: {  	[spmem:s3] =	stream.indirect.scatter.add.f32 [tilespmem:s21], [sflag:$0x5], $0x80, s10, s19, $0xb8;
	[tilespmem:$0x1D9E0] =	vst v63  }
0x404: {  	_ = 	snop  }
0x405: {  	[spmem:s4] =	stream.indirect.scatter.add.f32 [tilespmem:s11], [sflag:$0x7], $0x8, s10, s19, $0xb8;
	[tilespmem:$0x1D9E0] =	vst v63  }
0x406: {  	_ =	swait.ge [sflag:s25], $0x280  }
0x407: {  	[sflag:s25] =	ssyncset.done $0x0  }
0x408: {  	[sflag:s25] =	ssyncadd.s32 $0xFFFFFD80  }
0x409: {  	_ =	swait.ge [sflag:s26], $0x2800  }
0x40a: {  	[sflag:s26] =	ssyncset.done $0x0  }
0x40b: {  	s15 =	rddreg [dreg:$0x1f];
	[sflag:s26] =	ssyncadd.s32 $0xFFFFD800  }
0x40c: {  	[tilespmem:s20], [sflag:$0x1] =	stream.indirect.gather [hbm4b:s0+s19], $0x80, s15, s19, $0xb8;
	[tilespmem:$0x1D9E0] =	vst v63  }
0x40d: {  	_ =	swait.ge [sflag:s28], $0x2800  }
0x40e: {  	[sflag:s28] =	ssyncset.done $0x0  }
0x40f: {  	[sflag:s28] =	ssyncadd.s32 $0xFFFFD800  }
0x410: {  	[spmem:s3] =	stream.indirect.scatter.add.f32 [tilespmem:s22], [sflag:$0x6], $0x80, s6, s19, $0xb8;
	[tilespmem:$0x1D9E0] =	vst v63  }
0x411: {  	_ = 	snop  }
0x412: {  	[spmem:s4] =	stream.indirect.scatter.add.f32 [tilespmem:s11], [sflag:$0x7], $0x8, s6, s19, $0xb8;
	[tilespmem:$0x1D9E0] =	vst v63  }
0x413: {  	_ =	swait.ge [sflag:s25], $0x280  }
0x414: {  	[sflag:s25] =	ssyncset.done $0x0  }
0x415: {  	[sflag:s25] =	ssyncadd.s32 $0xFFFFFD80  }
0x416: {  	_ =	swait.ge [sflag:s16], $0x2800  }
0x417: {  	[sflag:s16] =	ssyncset.done $0x0  }
0x418: {  	[sflag:s16] =	ssyncadd.s32 $0xFFFFD800  }
0x419: {  	[spmem:s3] =	stream.indirect.scatter.add.f32 [tilespmem:s20], [sflag:$0x4], $0x80, s14, s19, $0xb8;
	[tilespmem:$0x1D9E0] =	vst v63  }
0x41a: {  	_ = 	snop  }
0x41b: {  	[spmem:s4] =	stream.indirect.scatter.add.f32 [tilespmem:s11], [sflag:$0x7], $0x8, s14, s19, $0xb8;
	[tilespmem:$0x1D9E0] =	vst v63  }
0x41c: {  	_ =	swait.ge [sflag:s25], $0x280  }
0x41d: {  	[sflag:s25] =	ssyncset.done $0x0  }
0x41e: {  	[sflag:s25] =	ssyncadd.s32 $0xFFFFFD80  }
0x41f: {  	_ =	swait.ge [sflag:s30], $0x2800  }
0x420: {  	[sflag:s30] =	ssyncset.done $0x0  }
0x421: {  	[sflag:s30] =	ssyncadd.s32 $0xFFFFD800  }
0x422: {  	_ =	swait.ge [sflag:s2], $0x2800  }
0x423: {  	[sflag:s2] =	ssyncset.done $0x0  }
0x424: {  	[sflag:s2] =	ssyncadd.s32 $0xFFFFD800  }
0x425: {  	_ =	swait.ge [sflag:s26], $0x2800  }
0x426: {  	[sflag:s26] =	ssyncset.done $0x0  }
0x427: {  	[sflag:s26] =	ssyncadd.s32 $0xFFFFD800  }
0x428: {  	_ =	swait.ge [sflag:s25], $0x280  }
0x429: {  	[sflag:s25] =	ssyncset.done $0x0  }
0x42a: {  	[sflag:s25] =	ssyncadd.s32 $0xFFFFFD80  }
0x42b: {  	[bflag:$0x0] =	sbarrier.arrive $0xFFFF  }
0x42c: {  	s13 =	sld [smem:$0x7F7]  }
0x42d: {  	s15 =	sld [smem:$0x7FB]  }
0x42e: {  	s24 =	sld [smem:$0x7FC];
	_ =	sdelay $0x2  }
0x42f: {  	[hbm:s13], [sflag:s15] =	dma.local [spmem:s24], $0x2780  }
0x430: {  	_ =	swait.ge [sflag:s12], $0x2780  }
0x431: {  	s24 =	sld [smem:$0x7F8]  }
0x432: {  	s29 =	sld [smem:$0x7FD]  }
0x433: {  	[sflag:s12] =	ssyncset.done $0x0  }
0x434: {  	[sflag:s12] =	ssyncadd.s32 $0xFFFFD880  }
0x435: {  	[hbm:s24], [sflag:s15] =	dma.local [spmem:s29], $0x278  }
0x436: {  	_ =	swait.ge [sflag:s12], $0x278  }
0x437: {  	s13 =	sld [smem:$0x7FA];
	_ =	sdelay $0x2  }
0x438: {  	s24 =	sadd.s32 $0x1, s13;
	s13 =	sld [smem:$0x7F9];
	_ =	sdelay $0x2  }
0x439: {  	p0 =	sne.s32 s24, s13  }
.Ltmp1:
0x43a: {  	_ = 	snop;
	(pc) =	sbr.rel @p0 .LBB2_1-.Ltmp1, $3  }
0x43b: {  	_ =	sdelay $0x1  }
0x43c: {  	[sflag:s12] =	ssyncset.done $0x0;
	[smem:$0x7FA] =	sst s24  }
0x43d: {  	[sflag:s12] =	ssyncadd.s32 $0xFFFFFD88;
	s24 =	sld [smem:$0x7FC]  }
0x43e: {  	_ =	sfence.sel $0x180000  }
0x43f: {  	[bflag:$0x0] =	sbarrier.arrive $0xFFFF  }
0x440: {  	_ =	strace $0x90000047  }
0x441: {  	s0 =	stileid.u32;
	[bflag:$0x2] =	sbarrier.arrive $0xFFFF  }
0x442: {  	p0 =	sne.s32 s0, $0x0;
	s0 =	rddreg [dreg:$0x6]  }
0x443: {  	s0 =	sadd.s32 @!p0 $0x100000, s0  }
0x444: {  	[sflag:s0] =	ssyncadd.tile.s32 @!p0 $0x1;
	_ =	shalt  }
.Lfunc_end2:
_tile_overlayer_lowered:
.L_overlay_start_2:
0x445: {  	(tag) =	ssettag $0x2  }
0x446: {  	s0 =	rddreg [dreg:$0x0];
	s2 =	stileid.u32  }
0x447: {  	s1 =	rddreg [dreg:$0x1];
	p0 =	sne.s32 s2, $0x0  }
0x448: {  	s3 =	rddreg [dreg:$0x2];
	[bflag:$0x3] =	sbarrier.arrive $0xFFFF;
	s2 =	simm.s32 @!p0 $0x1C08  }
0x449: {  	[timem:s3], [sflag:s2] =	dma.local @!p0 [hbm:s0], s1  }
0x44a: {  	s0 =	simm.s32 @!p0 $0x8  }
0x44b: {  	_ =	swait.ge @!p0 [sflag:s0], s1  }
0x44c: {  	s1 =	ssub.s32 @!p0 $0x0, s1;
	[sflag:s0] =	ssyncset.done @!p0 $0x0  }
0x44d: {  	[sflag:s0] =	ssyncadd.s32 @!p0 s1  }
0x44e: {  	[bflag:$0x3] =	sbarrier.arrive $0xFFFF  }
0x44f: {  	_ =	shalt  }

</sc_bundles>
